<compile_context>
chip_gen: v7x
topology: tpu7x:2x2x1
jax: 0.10.2.dev20260603
libtpu: 0.0.44.dev20260713+nightly
codegen_flags: <defaults>
</compile_context>

<pallas_src>
import functools

import jax
import jax.numpy as jnp
from jax import lax
from jax.experimental import pallas as pl
from jax.experimental.pallas import tpu as pltpu
from jax.experimental.pallas import tpu_sc as plsc

BATCH = 16384
EMBED_DIM = 64
NUM_CORES = 2
NUM_SUBCORES = 16
NUM_WORKERS = NUM_CORES * NUM_SUBCORES
B_PER_W = BATCH // NUM_WORKERS
NBUF = 8
CHUNK = 16


def _make_gather():
    mesh = plsc.VectorSubcoreMesh(core_axis_name="c", subcore_axis_name="s")

    @functools.partial(
        pl.kernel,
        mesh=mesh,
        compiler_params=pltpu.CompilerParams(needs_layout_passes=False),
        out_type=jax.ShapeDtypeStruct((EMBED_DIM, BATCH), jnp.float32),
        scratch_types=[
            pltpu.VMEM((B_PER_W,), jnp.int32),
            pltpu.VMEM((NBUF, EMBED_DIM, 128), jnp.float32),
            pltpu.VMEM((EMBED_DIM, B_PER_W), jnp.float32),
            pltpu.SemaphoreType.DMA,
            [pltpu.SemaphoreType.DMA] * NBUF,
        ],
    )
    def gather_kernel(idx_hbm, table_hbm, out_hbm, idx_v, ring_v, out_v,
                      sem_io, sems):
        wid = lax.axis_index("s") * NUM_CORES + lax.axis_index("c")
        base = wid * B_PER_W
        pltpu.async_copy(idx_hbm.at[pl.ds(base, B_PER_W)], idx_v, sem_io).wait()

        c_rows = lax.iota(jnp.int32, 16)

        def fetch(e_lane_base, slot):
            pltpu.make_async_copy(
                table_hbm.at[:, pl.ds(e_lane_base, 128)],
                ring_v.at[slot],
                sems[slot],
            ).start()

        def extract(e, lane, slot):
            pltpu.make_async_copy(
                table_hbm.at[:, pl.ds(0, 128)], ring_v.at[slot], sems[slot]
            ).wait()
            lane_v = jnp.full((16,), lane, dtype=jnp.int32)
            col_v = jnp.full((16,), e, dtype=jnp.int32)
            for q in range(EMBED_DIM // 16):
                rows = c_rows + (q * 16)
                vals = plsc.load_gather(ring_v.at[slot], [rows, lane_v])
                plsc.store_scatter(out_v, [rows, col_v], vals)

        def body(cb, lanes_prev):
            vec = idx_v[pl.ds(cb * CHUNK, CHUNK)]
            bases = vec & jnp.int32(~127)
            lanes = vec & jnp.int32(127)
            for k in range(CHUNK):
                e = cb * CHUNK + k
                slot = k % NBUF
                prev_lane = (
                    lanes_prev[k + CHUNK - NBUF] if k < NBUF else lanes[k - NBUF]
                )

                @pl.when(e >= NBUF)
                def _():
                    extract(e - NBUF, prev_lane, slot)

                fetch(pl.multiple_of(bases[k], 128), slot)
            return lanes

        lanes_last = lax.fori_loop(
            0, B_PER_W // CHUNK, body, jnp.zeros((CHUNK,), jnp.int32)
        )
        for t in range(NBUF):
            e = B_PER_W - NBUF + t
            slot = (CHUNK - NBUF + t) % NBUF
            extract(e, lanes_last[CHUNK - NBUF + t], slot)

        pltpu.make_async_copy(
            out_v, out_hbm.at[:, pl.ds(base, B_PER_W)], sem_io
        ).start()
        pltpu.make_async_copy(
            out_v, out_hbm.at[:, pl.ds(base, B_PER_W)], sem_io
        ).wait()

    return gather_kernel


_gather = _make_gather()


@jax.jit
def kernel(label_indices, weight):
    idx = label_indices.astype(jnp.int32)
    out_t = _gather(idx, weight.T)
    return out_t.T

# --- scband reference (transcript-rebuilt; emitter-appended) ---
"""Pipeline reference for scband-label-embeddings-37658273251565 (READ-ONLY COPY).

The authoritative reference and input builder live on the scoring server;
editing this copy changes nothing except your own understanding.
"""

import jax, jax.numpy as jnp
import numpy as np

NUM_CLASSES = 1000000
EMBED_DIM = 64
BATCH = 16384

def setup_inputs(seed: int = 0) -> dict:
    key = jax.random.key(seed)
    k_idx, k_w = jax.random.split(key)
    label_indices = jax.random.randint(k_idx, (BATCH,), 0, NUM_CLASSES, dtype=jnp.int64 if jax.config.jax_enable_x64 else jnp.int32)
    # nn.Embedding default init: N(0, 1)
    weight = jax.random.normal(k_w, (NUM_CLASSES, EMBED_DIM), dtype=jnp.float32)
    return {"label_indices": label_indices, "weight": weight}

def reference(label_indices, weight):
    # nn.Embedding forward: row gather from embedding table
    return jnp.take(weight, label_indices, axis=0)

if __name__ == "__main__":
    import jax
    _d = setup_inputs()
    print(jax.jit(kernel)(*tuple(_d.values())))

</pallas_src>

<mosaic_0001>
#map = affine_map<(d0, d1) -> (0)>
#map1 = affine_map<(d0, d1) -> (0, 0)>
module attributes {stable_mosaic.version = 14 : i64} {
  func.func @gather_kernel(%arg0: i32, %arg1: i32, %arg2: memref<16384xi32, #tpu.memory_space<hbm>>, %arg3: memref<64x1000000xf32, #tpu.memory_space<hbm>>, %arg4: memref<64x16384xf32, #tpu.memory_space<hbm>>, %arg5: memref<512xi32, #tpu.memory_space<vmem>>, %arg6: memref<8x64x128xf32, #tpu.memory_space<vmem>>, %arg7: memref<64x512xf32, #tpu.memory_space<vmem>>, %arg8: memref<!tpu.dma_semaphore, #tpu.memory_space<semaphore_mem>>, %arg9: memref<!tpu.dma_semaphore, #tpu.memory_space<semaphore_mem>>, %arg10: memref<!tpu.dma_semaphore, #tpu.memory_space<semaphore_mem>>, %arg11: memref<!tpu.dma_semaphore, #tpu.memory_space<semaphore_mem>>, %arg12: memref<!tpu.dma_semaphore, #tpu.memory_space<semaphore_mem>>, %arg13: memref<!tpu.dma_semaphore, #tpu.memory_space<semaphore_mem>>, %arg14: memref<!tpu.dma_semaphore, #tpu.memory_space<semaphore_mem>>, %arg15: memref<!tpu.dma_semaphore, #tpu.memory_space<semaphore_mem>>, %arg16: memref<!tpu.dma_semaphore, #tpu.memory_space<semaphore_mem>>) attributes {dimension_semantics = [#tpu.dimension_semantics<core_parallel>, #tpu.dimension_semantics<subcore_parallel>], iteration_bounds = array<i64: 2, 16>, scalar_prefetch = 0 : i64, scratch_operands = 12 : i64, tpu.core_type = #tpu.core_type<sc_vector_subcore>, window_params = [{transform_indices = #map}, {transform_indices = #map1}, {transform_indices = #map1}]} {
    %mul3A = arith.constant 2 : i32
    %mul3A_0 = arith.muli %arg1, %mul3A : i32
    %add3A = arith.addi %mul3A_0, %arg0 : i32
    %mul3A_1 = arith.constant 512 : i32
    %mul3A_2 = arith.muli %add3A, %mul3A_1 : i32
    %dma_start3A = tpu.memref_slice %arg2[%mul3A_2] : memref<16384xi32, #tpu.memory_space<hbm>> -> memref<512xi32, #tpu.memory_space<hbm>>
    %dma_start3A_3 = tpu.memref_slice %arg2[%mul3A_2] : memref<16384xi32, #tpu.memory_space<hbm>> -> memref<512xi32, #tpu.memory_space<hbm>>
    tpu.enqueue_dma source(%dma_start3A_3 : memref<512xi32, #tpu.memory_space<hbm>>) target(%arg5 : memref<512xi32, #tpu.memory_space<vmem>>) target_semaphore(%arg8 : memref<!tpu.dma_semaphore, #tpu.memory_space<semaphore_mem>>)
    %dma_wait3A = tpu.memref_slice %arg2[%mul3A_2] : memref<16384xi32, #tpu.memory_space<hbm>> -> memref<512xi32, #tpu.memory_space<hbm>>
    %dma_wait3A_4 = tpu.memref_slice %arg2[%mul3A_2] : memref<16384xi32, #tpu.memory_space<hbm>> -> memref<512xi32, #tpu.memory_space<hbm>>
    tpu.wait_dma2 semaphore(%arg8 : memref<!tpu.dma_semaphore, #tpu.memory_space<semaphore_mem>>) src(%dma_wait3A_4 : memref<512xi32, #tpu.memory_space<hbm>>) dst(%arg5 : memref<512xi32, #tpu.memory_space<vmem>>)
    %iota3A = tpu.iota {dimensions = array<i32: 0>} : vector<16xi32>
    %broadcast_in_dim3A = arith.constant 0 : i32
    %broadcast_in_dim3A_5 = vector.broadcast %broadcast_in_dim3A : i32 to vector<16xi32>
    %scan3A = arith.constant 0 : i32
    %scan3A_6 = arith.constant 32 : i32
    %scan3A_7 = arith.addi %scan3A, %scan3A_6 : i32
    %scan3A_8 = arith.constant 1 : i32
    %scan3A_9 = scf.for %scan3A_464 = %scan3A to %scan3A_7 step %scan3A_8 iter_args(%scan3A_465 = %broadcast_in_dim3A_5) -> (vector<16xi32>)  : i32 {
      %mul3A_466 = arith.constant 16 : i32
      %mul3A_467 = arith.muli %scan3A_464, %mul3A_466 : i32
      %get3A = arith.index_cast %mul3A_467 : i32 to index
      %get3A_468 = tpu.vector_load %arg5[%get3A] {strides = array<i32>} : memref<512xi32, #tpu.memory_space<vmem>>, vector<16xi32>,
      %and3A = arith.constant -128 : i32
      %and3A_469 = vector.broadcast %and3A : i32 to vector<16xi32>
      %and3A_470 = arith.andi %get3A_468, %and3A_469 : vector<16xi32>
      %and3A_471 = arith.constant 127 : i32
      %and3A_472 = vector.broadcast %and3A_471 : i32 to vector<16xi32>
      %and3A_473 = arith.andi %get3A_468, %and3A_472 : vector<16xi32>
      %mul3A_474 = arith.constant 16 : i32
      %mul3A_475 = arith.muli %scan3A_464, %mul3A_474 : i32
      %add3A_476 = arith.constant 0 : i32
      %add3A_477 = arith.addi %mul3A_475, %add3A_476 : i32
      %slice3A_478 = vector.extract_strided_slice %scan3A_465 {offsets = [8], sizes = [1], strides = [1]} : vector<16xi32> to vector<1xi32>
      %squeeze3A_479 = vector.extract %slice3A_478[0] : i32 from vector<1xi32>
      %ge3A = arith.constant 8 : i32
      %ge3A_480 = arith.cmpi sge, %add3A_477, %ge3A : i32
      %convert_element_type3A = arith.extui %ge3A_480 : i1 to i32
      %cond3A = arith.constant 0 : i32
      %cond3A_481 = arith.cmpi ne, %convert_element_type3A, %cond3A : i32
      scf.if %cond3A_481 {
        %sub3A = arith.constant 8 : i32
        %sub3A_902 = arith.subi %add3A_477, %sub3A : i32
        %dma_wait3A_903 = arith.constant 0 : i32
        %dma_wait3A_904 = arith.constant 0 : i32
        %dma_wait3A_905 = arith.constant 0 : i32
        %dma_wait3A_906 = tpu.memref_slice %arg6[%dma_wait3A_903, %dma_wait3A_904, %dma_wait3A_905] : memref<8x64x128xf32, #tpu.memory_space<vmem>> -> memref<1x64x128xf32, #tpu.memory_space<vmem>>
        %dma_wait3A_907 = tpu.memref_squeeze %dma_wait3A_906 : memref<1x64x128xf32, #tpu.memory_space<vmem>> -> memref<64x128xf32, #tpu.memory_space<vmem>>
        %dma_wait3A_908 = arith.constant 0 : i32
        %dma_wait3A_909 = arith.constant 0 : i32
        %dma_wait3A_910 = tpu.memref_slice %arg3[%dma_wait3A_908, %dma_wait3A_909] : memref<64x1000000xf32, #tpu.memory_space<hbm>> -> memref<64x128xf32, #tpu.memory_space<hbm>>
        %dma_wait3A_911 = arith.constant 0 : i32
        %dma_wait3A_912 = arith.constant 0 : i32
        %dma_wait3A_913 = tpu.memref_slice %arg6[%dma_wait3A_903, %dma_wait3A_911, %dma_wait3A_912] : memref<8x64x128xf32, #tpu.memory_space<vmem>> -> memref<1x64x128xf32, #tpu.memory_space<vmem>>
        %dma_wait3A_914 = tpu.memref_squeeze %dma_wait3A_913 : memref<1x64x128xf32, #tpu.memory_space<vmem>> -> memref<64x128xf32, #tpu.memory_space<vmem>>
        %dma_wait3A_915 = arith.constant 0 : i32
        %dma_wait3A_916 = arith.constant 0 : i32
        %dma_wait3A_917 = tpu.memref_slice %arg3[%dma_wait3A_915, %dma_wait3A_916] : memref<64x1000000xf32, #tpu.memory_space<hbm>> -> memref<64x128xf32, #tpu.memory_space<hbm>>
        tpu.wait_dma2 semaphore(%arg9 : memref<!tpu.dma_semaphore, #tpu.memory_space<semaphore_mem>>) src(%dma_wait3A_917 : memref<64x128xf32, #tpu.memory_space<hbm>>) dst(%dma_wait3A_914 : memref<64x128xf32, #tpu.memory_space<vmem>>)
        %broadcast_in_dim3A_918 = vector.broadcast %squeeze3A_479 : i32 to vector<16xi32>
        %broadcast_in_dim3A_919 = vector.broadcast %sub3A_902 : i32 to vector<16xi32>
        %add3A_920 = arith.constant 0 : i32
        %add3A_921 = vector.broadcast %add3A_920 : i32 to vector<16xi32>
        %add3A_922 = arith.addi %iota3A, %add3A_921 : vector<16xi32>
        %gather3A_923 = arith.constant 0 : i32
        %gather3A_924 = arith.constant 0 : i32
        %gather3A_925 = arith.constant 0 : i32
        %gather3A_926 = tpu.memref_slice %arg6[%gather3A_923, %gather3A_924, %gather3A_925] : memref<8x64x128xf32, #tpu.memory_space<vmem>> -> memref<1x64x128xf32, #tpu.memory_space<vmem>>
        %gather3A_927 = tpu.memref_squeeze %gather3A_926 : memref<1x64x128xf32, #tpu.memory_space<vmem>> -> memref<64x128xf32, #tpu.memory_space<vmem>>
        %gather3A_928 = tpu.vector_load_idx %gather3A_927[%add3A_922, %broadcast_in_dim3A_918] : memref<64x128xf32, #tpu.memory_space<vmem>>[vector<16xi32>, vector<16xi32>], vector<16xf32>,
        tpu.vector_store_idx %arg7[%add3A_922, %broadcast_in_dim3A_919], %gather3A_928 : memref<64x512xf32, #tpu.memory_space<vmem>>[vector<16xi32>, vector<16xi32>], vector<16xf32>,
        %add3A_929 = arith.constant 16 : i32
        %add3A_930 = vector.broadcast %add3A_929 : i32 to vector<16xi32>
        %add3A_931 = arith.addi %iota3A, %add3A_930 : vector<16xi32>
        %gather3A_932 = arith.constant 0 : i32
        %gather3A_933 = arith.constant 0 : i32
        %gather3A_934 = arith.constant 0 : i32
        %gather3A_935 = tpu.memref_slice %arg6[%gather3A_932, %gather3A_933, %gather3A_934] : memref<8x64x128xf32, #tpu.memory_space<vmem>> -> memref<1x64x128xf32, #tpu.memory_space<vmem>>
        %gather3A_936 = tpu.memref_squeeze %gather3A_935 : memref<1x64x128xf32, #tpu.memory_space<vmem>> -> memref<64x128xf32, #tpu.memory_space<vmem>>
        %gather3A_937 = tpu.vector_load_idx %gather3A_936[%add3A_931, %broadcast_in_dim3A_918] : memref<64x128xf32, #tpu.memory_space<vmem>>[vector<16xi32>, vector<16xi32>], vector<16xf32>,
        tpu.vector_store_idx %arg7[%add3A_931, %broadcast_in_dim3A_919], %gather3A_937 : memref<64x512xf32, #tpu.memory_space<vmem>>[vector<16xi32>, vector<16xi32>], vector<16xf32>,
        %add3A_938 = arith.constant 32 : i32
        %add3A_939 = vector.broadcast %add3A_938 : i32 to vector<16xi32>
        %add3A_940 = arith.addi %iota3A, %add3A_939 : vector<16xi32>
        %gather3A_941 = arith.constant 0 : i32
        %gather3A_942 = arith.constant 0 : i32
        %gather3A_943 = arith.constant 0 : i32
        %gather3A_944 = tpu.memref_slice %arg6[%gather3A_941, %gather3A_942, %gather3A_943] : memref<8x64x128xf32, #tpu.memory_space<vmem>> -> memref<1x64x128xf32, #tpu.memory_space<vmem>>
        %gather3A_945 = tpu.memref_squeeze %gather3A_944 : memref<1x64x128xf32, #tpu.memory_space<vmem>> -> memref<64x128xf32, #tpu.memory_space<vmem>>
        %gather3A_946 = tpu.vector_load_idx %gather3A_945[%add3A_940, %broadcast_in_dim3A_918] : memref<64x128xf32, #tpu.memory_space<vmem>>[vector<16xi32>, vector<16xi32>], vector<16xf32>,
        tpu.vector_store_idx %arg7[%add3A_940, %broadcast_in_dim3A_919], %gather3A_946 : memref<64x512xf32, #tpu.memory_space<vmem>>[vector<16xi32>, vector<16xi32>], vector<16xf32>,
        %add3A_947 = arith.constant 48 : i32
        %add3A_948 = vector.broadcast %add3A_947 : i32 to vector<16xi32>
        %add3A_949 = arith.addi %iota3A, %add3A_948 : vector<16xi32>
        %gather3A_950 = arith.constant 0 : i32
        %gather3A_951 = arith.constant 0 : i32
        %gather3A_952 = arith.constant 0 : i32
        %gather3A_953 = tpu.memref_slice %arg6[%gather3A_950, %gather3A_951, %gather3A_952] : memref<8x64x128xf32, #tpu.memory_space<vmem>> -> memref<1x64x128xf32, #tpu.memory_space<vmem>>
        %gather3A_954 = tpu.memref_squeeze %gather3A_953 : memref<1x64x128xf32, #tpu.memory_space<vmem>> -> memref<64x128xf32, #tpu.memory_space<vmem>>
        %gather3A_955 = tpu.vector_load_idx %gather3A_954[%add3A_949, %broadcast_in_dim3A_918] : memref<64x128xf32, #tpu.memory_space<vmem>>[vector<16xi32>, vector<16xi32>], vector<16xf32>,
        tpu.vector_store_idx %arg7[%add3A_949, %broadcast_in_dim3A_919], %gather3A_955 : memref<64x512xf32, #tpu.memory_space<vmem>>[vector<16xi32>, vector<16xi32>], vector<16xf32>,
      } else {
      }
      %slice3A_482 = vector.extract_strided_slice %and3A_470 {offsets = [0], sizes = [1], strides = [1]} : vector<16xi32> to vector<1xi32>
      %squeeze3A_483 = vector.extract %slice3A_482[0] : i32 from vector<1xi32>
      %multiple_of3A = tpu.assume_multiple %squeeze3A_483, 128 : i32
      %dma_start3A_484 = arith.constant 0 : i32
      %dma_start3A_485 = arith.constant 0 : i32
      %dma_start3A_486 = arith.constant 0 : i32
      %dma_start3A_487 = tpu.memref_slice %arg6[%dma_start3A_484, %dma_start3A_485, %dma_start3A_486] : memref<8x64x128xf32, #tpu.memory_space<vmem>> -> memref<1x64x128xf32, #tpu.memory_space<vmem>>
      %dma_start3A_488 = tpu.memref_squeeze %dma_start3A_487 : memref<1x64x128xf32, #tpu.memory_space<vmem>> -> memref<64x128xf32, #tpu.memory_space<vmem>>
      %dma_start3A_489 = arith.constant 0 : i32
      %dma_start3A_490 = tpu.memref_slice %arg3[%dma_start3A_489, %multiple_of3A] : memref<64x1000000xf32, #tpu.memory_space<hbm>> -> memref<64x128xf32, #tpu.memory_space<hbm>>
      %dma_start3A_491 = arith.constant 0 : i32
      %dma_start3A_492 = arith.constant 0 : i32
      %dma_start3A_493 = tpu.memref_slice %arg6[%dma_start3A_484, %dma_start3A_491, %dma_start3A_492] : memref<8x64x128xf32, #tpu.memory_space<vmem>> -> memref<1x64x128xf32, #tpu.memory_space<vmem>>
      %dma_start3A_494 = tpu.memref_squeeze %dma_start3A_493 : memref<1x64x128xf32, #tpu.memory_space<vmem>> -> memref<64x128xf32, #tpu.memory_space<vmem>>
      %dma_start3A_495 = arith.constant 0 : i32
      %dma_start3A_496 = tpu.memref_slice %arg3[%dma_start3A_495, %multiple_of3A] : memref<64x1000000xf32, #tpu.memory_space<hbm>> -> memref<64x128xf32, #tpu.memory_space<hbm>>
      tpu.enqueue_dma source(%dma_start3A_496 : memref<64x128xf32, #tpu.memory_space<hbm>>) target(%dma_start3A_494 : memref<64x128xf32, #tpu.memory_space<vmem>>) target_semaphore(%arg9 : memref<!tpu.dma_semaphore, #tpu.memory_space<semaphore_mem>>)
      %mul3A_497 = arith.constant 16 : i32
      %mul3A_498 = arith.muli %scan3A_464, %mul3A_497 : i32
      %add3A_499 = arith.constant 1 : i32
      %add3A_500 = arith.addi %mul3A_498, %add3A_499 : i32
      %slice3A_501 = vector.extract_strided_slice %scan3A_465 {offsets = [9], sizes = [1], strides = [1]} : vector<16xi32> to vector<1xi32>
      %squeeze3A_502 = vector.extract %slice3A_501[0] : i32 from vector<1xi32>
      %ge3A_503 = arith.constant 8 : i32
      %ge3A_504 = arith.cmpi sge, %add3A_500, %ge3A_503 : i32
      %convert_element_type3A_505 = arith.extui %ge3A_504 : i1 to i32
      %cond3A_506 = arith.constant 0 : i32
      %cond3A_507 = arith.cmpi ne, %convert_element_type3A_505, %cond3A_506 : i32
      scf.if %cond3A_507 {
        %sub3A = arith.constant 8 : i32
        %sub3A_902 = arith.subi %add3A_500, %sub3A : i32
        %dma_wait3A_903 = arith.constant 1 : i32
        %dma_wait3A_904 = arith.constant 0 : i32
        %dma_wait3A_905 = arith.constant 0 : i32
        %dma_wait3A_906 = tpu.memref_slice %arg6[%dma_wait3A_903, %dma_wait3A_904, %dma_wait3A_905] : memref<8x64x128xf32, #tpu.memory_space<vmem>> -> memref<1x64x128xf32, #tpu.memory_space<vmem>>
        %dma_wait3A_907 = tpu.memref_squeeze %dma_wait3A_906 : memref<1x64x128xf32, #tpu.memory_space<vmem>> -> memref<64x128xf32, #tpu.memory_space<vmem>>
        %dma_wait3A_908 = arith.constant 0 : i32
        %dma_wait3A_909 = arith.constant 0 : i32
        %dma_wait3A_910 = tpu.memref_slice %arg3[%dma_wait3A_908, %dma_wait3A_909] : memref<64x1000000xf32, #tpu.memory_space<hbm>> -> memref<64x128xf32, #tpu.memory_space<hbm>>
        %dma_wait3A_911 = arith.constant 0 : i32
        %dma_wait3A_912 = arith.constant 0 : i32
        %dma_wait3A_913 = tpu.memref_slice %arg6[%dma_wait3A_903, %dma_wait3A_911, %dma_wait3A_912] : memref<8x64x128xf32, #tpu.memory_space<vmem>> -> memref<1x64x128xf32, #tpu.memory_space<vmem>>
        %dma_wait3A_914 = tpu.memref_squeeze %dma_wait3A_913 : memref<1x64x128xf32, #tpu.memory_space<vmem>> -> memref<64x128xf32, #tpu.memory_space<vmem>>
        %dma_wait3A_915 = arith.constant 0 : i32
        %dma_wait3A_916 = arith.constant 0 : i32
        %dma_wait3A_917 = tpu.memref_slice %arg3[%dma_wait3A_915, %dma_wait3A_916] : memref<64x1000000xf32, #tpu.memory_space<hbm>> -> memref<64x128xf32, #tpu.memory_space<hbm>>
        tpu.wait_dma2 semaphore(%arg10 : memref<!tpu.dma_semaphore, #tpu.memory_space<semaphore_mem>>) src(%dma_wait3A_917 : memref<64x128xf32, #tpu.memory_space<hbm>>) dst(%dma_wait3A_914 : memref<64x128xf32, #tpu.memory_space<vmem>>)
        %broadcast_in_dim3A_918 = vector.broadcast %squeeze3A_502 : i32 to vector<16xi32>
        %broadcast_in_dim3A_919 = vector.broadcast %sub3A_902 : i32 to vector<16xi32>
        %add3A_920 = arith.constant 0 : i32
        %add3A_921 = vector.broadcast %add3A_920 : i32 to vector<16xi32>
        %add3A_922 = arith.addi %iota3A, %add3A_921 : vector<16xi32>
        %gather3A_923 = arith.constant 1 : i32
        %gather3A_924 = arith.constant 0 : i32
        %gather3A_925 = arith.constant 0 : i32
        %gather3A_926 = tpu.memref_slice %arg6[%gather3A_923, %gather3A_924, %gather3A_925] : memref<8x64x128xf32, #tpu.memory_space<vmem>> -> memref<1x64x128xf32, #tpu.memory_space<vmem>>
        %gather3A_927 = tpu.memref_squeeze %gather3A_926 : memref<1x64x128xf32, #tpu.memory_space<vmem>> -> memref<64x128xf32, #tpu.memory_space<vmem>>
        %gather3A_928 = tpu.vector_load_idx %gather3A_927[%add3A_922, %broadcast_in_dim3A_918] : memref<64x128xf32, #tpu.memory_space<vmem>>[vector<16xi32>, vector<16xi32>], vector<16xf32>,
        tpu.vector_store_idx %arg7[%add3A_922, %broadcast_in_dim3A_919], %gather3A_928 : memref<64x512xf32, #tpu.memory_space<vmem>>[vector<16xi32>, vector<16xi32>], vector<16xf32>,
        %add3A_929 = arith.constant 16 : i32
        %add3A_930 = vector.broadcast %add3A_929 : i32 to vector<16xi32>
        %add3A_931 = arith.addi %iota3A, %add3A_930 : vector<16xi32>
        %gather3A_932 = arith.constant 1 : i32
        %gather3A_933 = arith.constant 0 : i32
        %gather3A_934 = arith.constant 0 : i32
        %gather3A_935 = tpu.memref_slice %arg6[%gather3A_932, %gather3A_933, %gather3A_934] : memref<8x64x128xf32, #tpu.memory_space<vmem>> -> memref<1x64x128xf32, #tpu.memory_space<vmem>>
        %gather3A_936 = tpu.memref_squeeze %gather3A_935 : memref<1x64x128xf32, #tpu.memory_space<vmem>> -> memref<64x128xf32, #tpu.memory_space<vmem>>
        %gather3A_937 = tpu.vector_load_idx %gather3A_936[%add3A_931, %broadcast_in_dim3A_918] : memref<64x128xf32, #tpu.memory_space<vmem>>[vector<16xi32>, vector<16xi32>], vector<16xf32>,
        tpu.vector_store_idx %arg7[%add3A_931, %broadcast_in_dim3A_919], %gather3A_937 : memref<64x512xf32, #tpu.memory_space<vmem>>[vector<16xi32>, vector<16xi32>], vector<16xf32>,
        %add3A_938 = arith.constant 32 : i32
        %add3A_939 = vector.broadcast %add3A_938 : i32 to vector<16xi32>
        %add3A_940 = arith.addi %iota3A, %add3A_939 : vector<16xi32>
        %gather3A_941 = arith.constant 1 : i32
        %gather3A_942 = arith.constant 0 : i32
        %gather3A_943 = arith.constant 0 : i32
        %gather3A_944 = tpu.memref_slice %arg6[%gather3A_941, %gather3A_942, %gather3A_943] : memref<8x64x128xf32, #tpu.memory_space<vmem>> -> memref<1x64x128xf32, #tpu.memory_space<vmem>>
        %gather3A_945 = tpu.memref_squeeze %gather3A_944 : memref<1x64x128xf32, #tpu.memory_space<vmem>> -> memref<64x128xf32, #tpu.memory_space<vmem>>
        %gather3A_946 = tpu.vector_load_idx %gather3A_945[%add3A_940, %broadcast_in_dim3A_918] : memref<64x128xf32, #tpu.memory_space<vmem>>[vector<16xi32>, vector<16xi32>], vector<16xf32>,
        tpu.vector_store_idx %arg7[%add3A_940, %broadcast_in_dim3A_919], %gather3A_946 : memref<64x512xf32, #tpu.memory_space<vmem>>[vector<16xi32>, vector<16xi32>], vector<16xf32>,
        %add3A_947 = arith.constant 48 : i32
        %add3A_948 = vector.broadcast %add3A_947 : i32 to vector<16xi32>
        %add3A_949 = arith.addi %iota3A, %add3A_948 : vector<16xi32>
        %gather3A_950 = arith.constant 1 : i32
        %gather3A_951 = arith.constant 0 : i32
        %gather3A_952 = arith.constant 0 : i32
        %gather3A_953 = tpu.memref_slice %arg6[%gather3A_950, %gather3A_951, %gather3A_952] : memref<8x64x128xf32, #tpu.memory_space<vmem>> -> memref<1x64x128xf32, #tpu.memory_space<vmem>>
        %gather3A_954 = tpu.memref_squeeze %gather3A_953 : memref<1x64x128xf32, #tpu.memory_space<vmem>> -> memref<64x128xf32, #tpu.memory_space<vmem>>
        %gather3A_955 = tpu.vector_load_idx %gather3A_954[%add3A_949, %broadcast_in_dim3A_918] : memref<64x128xf32, #tpu.memory_space<vmem>>[vector<16xi32>, vector<16xi32>], vector<16xf32>,
        tpu.vector_store_idx %arg7[%add3A_949, %broadcast_in_dim3A_919], %gather3A_955 : memref<64x512xf32, #tpu.memory_space<vmem>>[vector<16xi32>, vector<16xi32>], vector<16xf32>,
      } else {
      }
      %slice3A_508 = vector.extract_strided_slice %and3A_470 {offsets = [1], sizes = [1], strides = [1]} : vector<16xi32> to vector<1xi32>
      %squeeze3A_509 = vector.extract %slice3A_508[0] : i32 from vector<1xi32>
      %multiple_of3A_510 = tpu.assume_multiple %squeeze3A_509, 128 : i32
      %dma_start3A_511 = arith.constant 1 : i32
      %dma_start3A_512 = arith.constant 0 : i32
      %dma_start3A_513 = arith.constant 0 : i32
      %dma_start3A_514 = tpu.memref_slice %arg6[%dma_start3A_511, %dma_start3A_512, %dma_start3A_513] : memref<8x64x128xf32, #tpu.memory_space<vmem>> -> memref<1x64x128xf32, #tpu.memory_space<vmem>>
      %dma_start3A_515 = tpu.memref_squeeze %dma_start3A_514 : memref<1x64x128xf32, #tpu.memory_space<vmem>> -> memref<64x128xf32, #tpu.memory_space<vmem>>
      %dma_start3A_516 = arith.constant 0 : i32
      %dma_start3A_517 = tpu.memref_slice %arg3[%dma_start3A_516, %multiple_of3A_510] : memref<64x1000000xf32, #tpu.memory_space<hbm>> -> memref<64x128xf32, #tpu.memory_space<hbm>>
      %dma_start3A_518 = arith.constant 0 : i32
      %dma_start3A_519 = arith.constant 0 : i32
      %dma_start3A_520 = tpu.memref_slice %arg6[%dma_start3A_511, %dma_start3A_518, %dma_start3A_519] : memref<8x64x128xf32, #tpu.memory_space<vmem>> -> memref<1x64x128xf32, #tpu.memory_space<vmem>>
      %dma_start3A_521 = tpu.memref_squeeze %dma_start3A_520 : memref<1x64x128xf32, #tpu.memory_space<vmem>> -> memref<64x128xf32, #tpu.memory_space<vmem>>
      %dma_start3A_522 = arith.constant 0 : i32
      %dma_start3A_523 = tpu.memref_slice %arg3[%dma_start3A_522, %multiple_of3A_510] : memref<64x1000000xf32, #tpu.memory_space<hbm>> -> memref<64x128xf32, #tpu.memory_space<hbm>>
      tpu.enqueue_dma source(%dma_start3A_523 : memref<64x128xf32, #tpu.memory_space<hbm>>) target(%dma_start3A_521 : memref<64x128xf32, #tpu.memory_space<vmem>>) target_semaphore(%arg10 : memref<!tpu.dma_semaphore, #tpu.memory_space<semaphore_mem>>)
      %mul3A_524 = arith.constant 16 : i32
      %mul3A_525 = arith.muli %scan3A_464, %mul3A_524 : i32
      %add3A_526 = arith.constant 2 : i32
      %add3A_527 = arith.addi %mul3A_525, %add3A_526 : i32
      %slice3A_528 = vector.extract_strided_slice %scan3A_465 {offsets = [10], sizes = [1], strides = [1]} : vector<16xi32> to vector<1xi32>
      %squeeze3A_529 = vector.extract %slice3A_528[0] : i32 from vector<1xi32>
      %ge3A_530 = arith.constant 8 : i32
      %ge3A_531 = arith.cmpi sge, %add3A_527, %ge3A_530 : i32
      %convert_element_type3A_532 = arith.extui %ge3A_531 : i1 to i32
      %cond3A_533 = arith.constant 0 : i32
      %cond3A_534 = arith.cmpi ne, %convert_element_type3A_532, %cond3A_533 : i32
      scf.if %cond3A_534 {
        %sub3A = arith.constant 8 : i32
        %sub3A_902 = arith.subi %add3A_527, %sub3A : i32
        %dma_wait3A_903 = arith.constant 2 : i32
        %dma_wait3A_904 = arith.constant 0 : i32
        %dma_wait3A_905 = arith.constant 0 : i32
        %dma_wait3A_906 = tpu.memref_slice %arg6[%dma_wait3A_903, %dma_wait3A_904, %dma_wait3A_905] : memref<8x64x128xf32, #tpu.memory_space<vmem>> -> memref<1x64x128xf32, #tpu.memory_space<vmem>>
        %dma_wait3A_907 = tpu.memref_squeeze %dma_wait3A_906 : memref<1x64x128xf32, #tpu.memory_space<vmem>> -> memref<64x128xf32, #tpu.memory_space<vmem>>
        %dma_wait3A_908 = arith.constant 0 : i32
        %dma_wait3A_909 = arith.constant 0 : i32
        %dma_wait3A_910 = tpu.memref_slice %arg3[%dma_wait3A_908, %dma_wait3A_909] : memref<64x1000000xf32, #tpu.memory_space<hbm>> -> memref<64x128xf32, #tpu.memory_space<hbm>>
        %dma_wait3A_911 = arith.constant 0 : i32
        %dma_wait3A_912 = arith.constant 0 : i32
        %dma_wait3A_913 = tpu.memref_slice %arg6[%dma_wait3A_903, %dma_wait3A_911, %dma_wait3A_912] : memref<8x64x128xf32, #tpu.memory_space<vmem>> -> memref<1x64x128xf32, #tpu.memory_space<vmem>>
        %dma_wait3A_914 = tpu.memref_squeeze %dma_wait3A_913 : memref<1x64x128xf32, #tpu.memory_space<vmem>> -> memref<64x128xf32, #tpu.memory_space<vmem>>
        %dma_wait3A_915 = arith.constant 0 : i32
        %dma_wait3A_916 = arith.constant 0 : i32
        %dma_wait3A_917 = tpu.memref_slice %arg3[%dma_wait3A_915, %dma_wait3A_916] : memref<64x1000000xf32, #tpu.memory_space<hbm>> -> memref<64x128xf32, #tpu.memory_space<hbm>>
        tpu.wait_dma2 semaphore(%arg11 : memref<!tpu.dma_semaphore, #tpu.memory_space<semaphore_mem>>) src(%dma_wait3A_917 : memref<64x128xf32, #tpu.memory_space<hbm>>) dst(%dma_wait3A_914 : memref<64x128xf32, #tpu.memory_space<vmem>>)
        %broadcast_in_dim3A_918 = vector.broadcast %squeeze3A_529 : i32 to vector<16xi32>
        %broadcast_in_dim3A_919 = vector.broadcast %sub3A_902 : i32 to vector<16xi32>
        %add3A_920 = arith.constant 0 : i32
        %add3A_921 = vector.broadcast %add3A_920 : i32 to vector<16xi32>
        %add3A_922 = arith.addi %iota3A, %add3A_921 : vector<16xi32>
        %gather3A_923 = arith.constant 2 : i32
        %gather3A_924 = arith.constant 0 : i32
        %gather3A_925 = arith.constant 0 : i32
        %gather3A_926 = tpu.memref_slice %arg6[%gather3A_923, %gather3A_924, %gather3A_925] : memref<8x64x128xf32, #tpu.memory_space<vmem>> -> memref<1x64x128xf32, #tpu.memory_space<vmem>>
        %gather3A_927 = tpu.memref_squeeze %gather3A_926 : memref<1x64x128xf32, #tpu.memory_space<vmem>> -> memref<64x128xf32, #tpu.memory_space<vmem>>
        %gather3A_928 = tpu.vector_load_idx %gather3A_927[%add3A_922, %broadcast_in_dim3A_918] : memref<64x128xf32, #tpu.memory_space<vmem>>[vector<16xi32>, vector<16xi32>], vector<16xf32>,
        tpu.vector_store_idx %arg7[%add3A_922, %broadcast_in_dim3A_919], %gather3A_928 : memref<64x512xf32, #tpu.memory_space<vmem>>[vector<16xi32>, vector<16xi32>], vector<16xf32>,
        %add3A_929 = arith.constant 16 : i32
        %add3A_930 = vector.broadcast %add3A_929 : i32 to vector<16xi32>
        %add3A_931 = arith.addi %iota3A, %add3A_930 : vector<16xi32>
        %gather3A_932 = arith.constant 2 : i32
        %gather3A_933 = arith.constant 0 : i32
        %gather3A_934 = arith.constant 0 : i32
        %gather3A_935 = tpu.memref_slice %arg6[%gather3A_932, %gather3A_933, %gather3A_934] : memref<8x64x128xf32, #tpu.memory_space<vmem>> -> memref<1x64x128xf32, #tpu.memory_space<vmem>>
        %gather3A_936 = tpu.memref_squeeze %gather3A_935 : memref<1x64x128xf32, #tpu.memory_space<vmem>> -> memref<64x128xf32, #tpu.memory_space<vmem>>
        %gather3A_937 = tpu.vector_load_idx %gather3A_936[%add3A_931, %broadcast_in_dim3A_918] : memref<64x128xf32, #tpu.memory_space<vmem>>[vector<16xi32>, vector<16xi32>], vector<16xf32>,
        tpu.vector_store_idx %arg7[%add3A_931, %broadcast_in_dim3A_919], %gather3A_937 : memref<64x512xf32, #tpu.memory_space<vmem>>[vector<16xi32>, vector<16xi32>], vector<16xf32>,
        %add3A_938 = arith.constant 32 : i32
        %add3A_939 = vector.broadcast %add3A_938 : i32 to vector<16xi32>
        %add3A_940 = arith.addi %iota3A, %add3A_939 : vector<16xi32>
        %gather3A_941 = arith.constant 2 : i32
        %gather3A_942 = arith.constant 0 : i32
        %gather3A_943 = arith.constant 0 : i32
        %gather3A_944 = tpu.memref_slice %arg6[%gather3A_941, %gather3A_942, %gather3A_943] : memref<8x64x128xf32, #tpu.memory_space<vmem>> -> memref<1x64x128xf32, #tpu.memory_space<vmem>>
        %gather3A_945 = tpu.memref_squeeze %gather3A_944 : memref<1x64x128xf32, #tpu.memory_space<vmem>> -> memref<64x128xf32, #tpu.memory_space<vmem>>
        %gather3A_946 = tpu.vector_load_idx %gather3A_945[%add3A_940, %broadcast_in_dim3A_918] : memref<64x128xf32, #tpu.memory_space<vmem>>[vector<16xi32>, vector<16xi32>], vector<16xf32>,
        tpu.vector_store_idx %arg7[%add3A_940, %broadcast_in_dim3A_919], %gather3A_946 : memref<64x512xf32, #tpu.memory_space<vmem>>[vector<16xi32>, vector<16xi32>], vector<16xf32>,
        %add3A_947 = arith.constant 48 : i32
        %add3A_948 = vector.broadcast %add3A_947 : i32 to vector<16xi32>
        %add3A_949 = arith.addi %iota3A, %add3A_948 : vector<16xi32>
        %gather3A_950 = arith.constant 2 : i32
        %gather3A_951 = arith.constant 0 : i32
        %gather3A_952 = arith.constant 0 : i32
        %gather3A_953 = tpu.memref_slice %arg6[%gather3A_950, %gather3A_951, %gather3A_952] : memref<8x64x128xf32, #tpu.memory_space<vmem>> -> memref<1x64x128xf32, #tpu.memory_space<vmem>>
        %gather3A_954 = tpu.memref_squeeze %gather3A_953 : memref<1x64x128xf32, #tpu.memory_space<vmem>> -> memref<64x128xf32, #tpu.memory_space<vmem>>
        %gather3A_955 = tpu.vector_load_idx %gather3A_954[%add3A_949, %broadcast_in_dim3A_918] : memref<64x128xf32, #tpu.memory_space<vmem>>[vector<16xi32>, vector<16xi32>], vector<16xf32>,
        tpu.vector_store_idx %arg7[%add3A_949, %broadcast_in_dim3A_919], %gather3A_955 : memref<64x512xf32, #tpu.memory_space<vmem>>[vector<16xi32>, vector<16xi32>], vector<16xf32>,
      } else {
      }
      %slice3A_535 = vector.extract_strided_slice %and3A_470 {offsets = [2], sizes = [1], strides = [1]} : vector<16xi32> to vector<1xi32>
      %squeeze3A_536 = vector.extract %slice3A_535[0] : i32 from vector<1xi32>
      %multiple_of3A_537 = tpu.assume_multiple %squeeze3A_536, 128 : i32
      %dma_start3A_538 = arith.constant 2 : i32
      %dma_start3A_539 = arith.constant 0 : i32
      %dma_start3A_540 = arith.constant 0 : i32
      %dma_start3A_541 = tpu.memref_slice %arg6[%dma_start3A_538, %dma_start3A_539, %dma_start3A_540] : memref<8x64x128xf32, #tpu.memory_space<vmem>> -> memref<1x64x128xf32, #tpu.memory_space<vmem>>
      %dma_start3A_542 = tpu.memref_squeeze %dma_start3A_541 : memref<1x64x128xf32, #tpu.memory_space<vmem>> -> memref<64x128xf32, #tpu.memory_space<vmem>>
      %dma_start3A_543 = arith.constant 0 : i32
      %dma_start3A_544 = tpu.memref_slice %arg3[%dma_start3A_543, %multiple_of3A_537] : memref<64x1000000xf32, #tpu.memory_space<hbm>> -> memref<64x128xf32, #tpu.memory_space<hbm>>
      %dma_start3A_545 = arith.constant 0 : i32
      %dma_start3A_546 = arith.constant 0 : i32
      %dma_start3A_547 = tpu.memref_slice %arg6[%dma_start3A_538, %dma_start3A_545, %dma_start3A_546] : memref<8x64x128xf32, #tpu.memory_space<vmem>> -> memref<1x64x128xf32, #tpu.memory_space<vmem>>
      %dma_start3A_548 = tpu.memref_squeeze %dma_start3A_547 : memref<1x64x128xf32, #tpu.memory_space<vmem>> -> memref<64x128xf32, #tpu.memory_space<vmem>>
      %dma_start3A_549 = arith.constant 0 : i32
      %dma_start3A_550 = tpu.memref_slice %arg3[%dma_start3A_549, %multiple_of3A_537] : memref<64x1000000xf32, #tpu.memory_space<hbm>> -> memref<64x128xf32, #tpu.memory_space<hbm>>
      tpu.enqueue_dma source(%dma_start3A_550 : memref<64x128xf32, #tpu.memory_space<hbm>>) target(%dma_start3A_548 : memref<64x128xf32, #tpu.memory_space<vmem>>) target_semaphore(%arg11 : memref<!tpu.dma_semaphore, #tpu.memory_space<semaphore_mem>>)
      %mul3A_551 = arith.constant 16 : i32
      %mul3A_552 = arith.muli %scan3A_464, %mul3A_551 : i32
      %add3A_553 = arith.constant 3 : i32
      %add3A_554 = arith.addi %mul3A_552, %add3A_553 : i32
      %slice3A_555 = vector.extract_strided_slice %scan3A_465 {offsets = [11], sizes = [1], strides = [1]} : vector<16xi32> to vector<1xi32>
      %squeeze3A_556 = vector.extract %slice3A_555[0] : i32 from vector<1xi32>
      %ge3A_557 = arith.constant 8 : i32
      %ge3A_558 = arith.cmpi sge, %add3A_554, %ge3A_557 : i32
      %convert_element_type3A_559 = arith.extui %ge3A_558 : i1 to i32
      %cond3A_560 = arith.constant 0 : i32
      %cond3A_561 = arith.cmpi ne, %convert_element_type3A_559, %cond3A_560 : i32
      scf.if %cond3A_561 {
        %sub3A = arith.constant 8 : i32
        %sub3A_902 = arith.subi %add3A_554, %sub3A : i32
        %dma_wait3A_903 = arith.constant 3 : i32
        %dma_wait3A_904 = arith.constant 0 : i32
        %dma_wait3A_905 = arith.constant 0 : i32
        %dma_wait3A_906 = tpu.memref_slice %arg6[%dma_wait3A_903, %dma_wait3A_904, %dma_wait3A_905] : memref<8x64x128xf32, #tpu.memory_space<vmem>> -> memref<1x64x128xf32, #tpu.memory_space<vmem>>
        %dma_wait3A_907 = tpu.memref_squeeze %dma_wait3A_906 : memref<1x64x128xf32, #tpu.memory_space<vmem>> -> memref<64x128xf32, #tpu.memory_space<vmem>>
        %dma_wait3A_908 = arith.constant 0 : i32
        %dma_wait3A_909 = arith.constant 0 : i32
        %dma_wait3A_910 = tpu.memref_slice %arg3[%dma_wait3A_908, %dma_wait3A_909] : memref<64x1000000xf32, #tpu.memory_space<hbm>> -> memref<64x128xf32, #tpu.memory_space<hbm>>
        %dma_wait3A_911 = arith.constant 0 : i32
        %dma_wait3A_912 = arith.constant 0 : i32
        %dma_wait3A_913 = tpu.memref_slice %arg6[%dma_wait3A_903, %dma_wait3A_911, %dma_wait3A_912] : memref<8x64x128xf32, #tpu.memory_space<vmem>> -> memref<1x64x128xf32, #tpu.memory_space<vmem>>
        %dma_wait3A_914 = tpu.memref_squeeze %dma_wait3A_913 : memref<1x64x128xf32, #tpu.memory_space<vmem>> -> memref<64x128xf32, #tpu.memory_space<vmem>>
        %dma_wait3A_915 = arith.constant 0 : i32
        %dma_wait3A_916 = arith.constant 0 : i32
        %dma_wait3A_917 = tpu.memref_slice %arg3[%dma_wait3A_915, %dma_wait3A_916] : memref<64x1000000xf32, #tpu.memory_space<hbm>> -> memref<64x128xf32, #tpu.memory_space<hbm>>
        tpu.wait_dma2 semaphore(%arg12 : memref<!tpu.dma_semaphore, #tpu.memory_space<semaphore_mem>>) src(%dma_wait3A_917 : memref<64x128xf32, #tpu.memory_space<hbm>>) dst(%dma_wait3A_914 : memref<64x128xf32, #tpu.memory_space<vmem>>)
        %broadcast_in_dim3A_918 = vector.broadcast %squeeze3A_556 : i32 to vector<16xi32>
        %broadcast_in_dim3A_919 = vector.broadcast %sub3A_902 : i32 to vector<16xi32>
        %add3A_920 = arith.constant 0 : i32
        %add3A_921 = vector.broadcast %add3A_920 : i32 to vector<16xi32>
        %add3A_922 = arith.addi %iota3A, %add3A_921 : vector<16xi32>
        %gather3A_923 = arith.constant 3 : i32
        %gather3A_924 = arith.constant 0 : i32
        %gather3A_925 = arith.constant 0 : i32
        %gather3A_926 = tpu.memref_slice %arg6[%gather3A_923, %gather3A_924, %gather3A_925] : memref<8x64x128xf32, #tpu.memory_space<vmem>> -> memref<1x64x128xf32, #tpu.memory_space<vmem>>
        %gather3A_927 = tpu.memref_squeeze %gather3A_926 : memref<1x64x128xf32, #tpu.memory_space<vmem>> -> memref<64x128xf32, #tpu.memory_space<vmem>>
        %gather3A_928 = tpu.vector_load_idx %gather3A_927[%add3A_922, %broadcast_in_dim3A_918] : memref<64x128xf32, #tpu.memory_space<vmem>>[vector<16xi32>, vector<16xi32>], vector<16xf32>,
        tpu.vector_store_idx %arg7[%add3A_922, %broadcast_in_dim3A_919], %gather3A_928 : memref<64x512xf32, #tpu.memory_space<vmem>>[vector<16xi32>, vector<16xi32>], vector<16xf32>,
        %add3A_929 = arith.constant 16 : i32
        %add3A_930 = vector.broadcast %add3A_929 : i32 to vector<16xi32>
        %add3A_931 = arith.addi %iota3A, %add3A_930 : vector<16xi32>
        %gather3A_932 = arith.constant 3 : i32
        %gather3A_933 = arith.constant 0 : i32
        %gather3A_934 = arith.constant 0 : i32
        %gather3A_935 = tpu.memref_slice %arg6[%gather3A_932, %gather3A_933, %gather3A_934] : memref<8x64x128xf32, #tpu.memory_space<vmem>> -> memref<1x64x128xf32, #tpu.memory_space<vmem>>
        %gather3A_936 = tpu.memref_squeeze %gather3A_935 : memref<1x64x128xf32, #tpu.memory_space<vmem>> -> memref<64x128xf32, #tpu.memory_space<vmem>>
        %gather3A_937 = tpu.vector_load_idx %gather3A_936[%add3A_931, %broadcast_in_dim3A_918] : memref<64x128xf32, #tpu.memory_space<vmem>>[vector<16xi32>, vector<16xi32>], vector<16xf32>,
        tpu.vector_store_idx %arg7[%add3A_931, %broadcast_in_dim3A_919], %gather3A_937 : memref<64x512xf32, #tpu.memory_space<vmem>>[vector<16xi32>, vector<16xi32>], vector<16xf32>,
        %add3A_938 = arith.constant 32 : i32
        %add3A_939 = vector.broadcast %add3A_938 : i32 to vector<16xi32>
        %add3A_940 = arith.addi %iota3A, %add3A_939 : vector<16xi32>
        %gather3A_941 = arith.constant 3 : i32
        %gather3A_942 = arith.constant 0 : i32
        %gather3A_943 = arith.constant 0 : i32
        %gather3A_944 = tpu.memref_slice %arg6[%gather3A_941, %gather3A_942, %gather3A_943] : memref<8x64x128xf32, #tpu.memory_space<vmem>> -> memref<1x64x128xf32, #tpu.memory_space<vmem>>
        %gather3A_945 = tpu.memref_squeeze %gather3A_944 : memref<1x64x128xf32, #tpu.memory_space<vmem>> -> memref<64x128xf32, #tpu.memory_space<vmem>>
        %gather3A_946 = tpu.vector_load_idx %gather3A_945[%add3A_940, %broadcast_in_dim3A_918] : memref<64x128xf32, #tpu.memory_space<vmem>>[vector<16xi32>, vector<16xi32>], vector<16xf32>,
        tpu.vector_store_idx %arg7[%add3A_940, %broadcast_in_dim3A_919], %gather3A_946 : memref<64x512xf32, #tpu.memory_space<vmem>>[vector<16xi32>, vector<16xi32>], vector<16xf32>,
        %add3A_947 = arith.constant 48 : i32
        %add3A_948 = vector.broadcast %add3A_947 : i32 to vector<16xi32>
        %add3A_949 = arith.addi %iota3A, %add3A_948 : vector<16xi32>
        %gather3A_950 = arith.constant 3 : i32
        %gather3A_951 = arith.constant 0 : i32
        %gather3A_952 = arith.constant 0 : i32
        %gather3A_953 = tpu.memref_slice %arg6[%gather3A_950, %gather3A_951, %gather3A_952] : memref<8x64x128xf32, #tpu.memory_space<vmem>> -> memref<1x64x128xf32, #tpu.memory_space<vmem>>
        %gather3A_954 = tpu.memref_squeeze %gather3A_953 : memref<1x64x128xf32, #tpu.memory_space<vmem>> -> memref<64x128xf32, #tpu.memory_space<vmem>>
        %gather3A_955 = tpu.vector_load_idx %gather3A_954[%add3A_949, %broadcast_in_dim3A_918] : memref<64x128xf32, #tpu.memory_space<vmem>>[vector<16xi32>, vector<16xi32>], vector<16xf32>,
        tpu.vector_store_idx %arg7[%add3A_949, %broadcast_in_dim3A_919], %gather3A_955 : memref<64x512xf32, #tpu.memory_space<vmem>>[vector<16xi32>, vector<16xi32>], vector<16xf32>,
      } else {
      }
      %slice3A_562 = vector.extract_strided_slice %and3A_470 {offsets = [3], sizes = [1], strides = [1]} : vector<16xi32> to vector<1xi32>
      %squeeze3A_563 = vector.extract %slice3A_562[0] : i32 from vector<1xi32>
      %multiple_of3A_564 = tpu.assume_multiple %squeeze3A_563, 128 : i32
      %dma_start3A_565 = arith.constant 3 : i32
      %dma_start3A_566 = arith.constant 0 : i32
      %dma_start3A_567 = arith.constant 0 : i32
      %dma_start3A_568 = tpu.memref_slice %arg6[%dma_start3A_565, %dma_start3A_566, %dma_start3A_567] : memref<8x64x128xf32, #tpu.memory_space<vmem>> -> memref<1x64x128xf32, #tpu.memory_space<vmem>>
      %dma_start3A_569 = tpu.memref_squeeze %dma_start3A_568 : memref<1x64x128xf32, #tpu.memory_space<vmem>> -> memref<64x128xf32, #tpu.memory_space<vmem>>
      %dma_start3A_570 = arith.constant 0 : i32
      %dma_start3A_571 = tpu.memref_slice %arg3[%dma_start3A_570, %multiple_of3A_564] : memref<64x1000000xf32, #tpu.memory_space<hbm>> -> memref<64x128xf32, #tpu.memory_space<hbm>>
      %dma_start3A_572 = arith.constant 0 : i32
      %dma_start3A_573 = arith.constant 0 : i32
      %dma_start3A_574 = tpu.memref_slice %arg6[%dma_start3A_565, %dma_start3A_572, %dma_start3A_573] : memref<8x64x128xf32, #tpu.memory_space<vmem>> -> memref<1x64x128xf32, #tpu.memory_space<vmem>>
      %dma_start3A_575 = tpu.memref_squeeze %dma_start3A_574 : memref<1x64x128xf32, #tpu.memory_space<vmem>> -> memref<64x128xf32, #tpu.memory_space<vmem>>
      %dma_start3A_576 = arith.constant 0 : i32
      %dma_start3A_577 = tpu.memref_slice %arg3[%dma_start3A_576, %multiple_of3A_564] : memref<64x1000000xf32, #tpu.memory_space<hbm>> -> memref<64x128xf32, #tpu.memory_space<hbm>>
      tpu.enqueue_dma source(%dma_start3A_577 : memref<64x128xf32, #tpu.memory_space<hbm>>) target(%dma_start3A_575 : memref<64x128xf32, #tpu.memory_space<vmem>>) target_semaphore(%arg12 : memref<!tpu.dma_semaphore, #tpu.memory_space<semaphore_mem>>)
      %mul3A_578 = arith.constant 16 : i32
      %mul3A_579 = arith.muli %scan3A_464, %mul3A_578 : i32
      %add3A_580 = arith.constant 4 : i32
      %add3A_581 = arith.addi %mul3A_579, %add3A_580 : i32
      %slice3A_582 = vector.extract_strided_slice %scan3A_465 {offsets = [12], sizes = [1], strides = [1]} : vector<16xi32> to vector<1xi32>
      %squeeze3A_583 = vector.extract %slice3A_582[0] : i32 from vector<1xi32>
      %ge3A_584 = arith.constant 8 : i32
      %ge3A_585 = arith.cmpi sge, %add3A_581, %ge3A_584 : i32
      %convert_element_type3A_586 = arith.extui %ge3A_585 : i1 to i32
      %cond3A_587 = arith.constant 0 : i32
      %cond3A_588 = arith.cmpi ne, %convert_element_type3A_586, %cond3A_587 : i32
      scf.if %cond3A_588 {
        %sub3A = arith.constant 8 : i32
        %sub3A_902 = arith.subi %add3A_581, %sub3A : i32
        %dma_wait3A_903 = arith.constant 4 : i32
        %dma_wait3A_904 = arith.constant 0 : i32
        %dma_wait3A_905 = arith.constant 0 : i32
        %dma_wait3A_906 = tpu.memref_slice %arg6[%dma_wait3A_903, %dma_wait3A_904, %dma_wait3A_905] : memref<8x64x128xf32, #tpu.memory_space<vmem>> -> memref<1x64x128xf32, #tpu.memory_space<vmem>>
        %dma_wait3A_907 = tpu.memref_squeeze %dma_wait3A_906 : memref<1x64x128xf32, #tpu.memory_space<vmem>> -> memref<64x128xf32, #tpu.memory_space<vmem>>
        %dma_wait3A_908 = arith.constant 0 : i32
        %dma_wait3A_909 = arith.constant 0 : i32
        %dma_wait3A_910 = tpu.memref_slice %arg3[%dma_wait3A_908, %dma_wait3A_909] : memref<64x1000000xf32, #tpu.memory_space<hbm>> -> memref<64x128xf32, #tpu.memory_space<hbm>>
        %dma_wait3A_911 = arith.constant 0 : i32
        %dma_wait3A_912 = arith.constant 0 : i32
        %dma_wait3A_913 = tpu.memref_slice %arg6[%dma_wait3A_903, %dma_wait3A_911, %dma_wait3A_912] : memref<8x64x128xf32, #tpu.memory_space<vmem>> -> memref<1x64x128xf32, #tpu.memory_space<vmem>>
        %dma_wait3A_914 = tpu.memref_squeeze %dma_wait3A_913 : memref<1x64x128xf32, #tpu.memory_space<vmem>> -> memref<64x128xf32, #tpu.memory_space<vmem>>
        %dma_wait3A_915 = arith.constant 0 : i32
        %dma_wait3A_916 = arith.constant 0 : i32
        %dma_wait3A_917 = tpu.memref_slice %arg3[%dma_wait3A_915, %dma_wait3A_916] : memref<64x1000000xf32, #tpu.memory_space<hbm>> -> memref<64x128xf32, #tpu.memory_space<hbm>>
        tpu.wait_dma2 semaphore(%arg13 : memref<!tpu.dma_semaphore, #tpu.memory_space<semaphore_mem>>) src(%dma_wait3A_917 : memref<64x128xf32, #tpu.memory_space<hbm>>) dst(%dma_wait3A_914 : memref<64x128xf32, #tpu.memory_space<vmem>>)
        %broadcast_in_dim3A_918 = vector.broadcast %squeeze3A_583 : i32 to vector<16xi32>
        %broadcast_in_dim3A_919 = vector.broadcast %sub3A_902 : i32 to vector<16xi32>
        %add3A_920 = arith.constant 0 : i32
        %add3A_921 = vector.broadcast %add3A_920 : i32 to vector<16xi32>
        %add3A_922 = arith.addi %iota3A, %add3A_921 : vector<16xi32>
        %gather3A_923 = arith.constant 4 : i32
        %gather3A_924 = arith.constant 0 : i32
        %gather3A_925 = arith.constant 0 : i32
        %gather3A_926 = tpu.memref_slice %arg6[%gather3A_923, %gather3A_924, %gather3A_925] : memref<8x64x128xf32, #tpu.memory_space<vmem>> -> memref<1x64x128xf32, #tpu.memory_space<vmem>>
        %gather3A_927 = tpu.memref_squeeze %gather3A_926 : memref<1x64x128xf32, #tpu.memory_space<vmem>> -> memref<64x128xf32, #tpu.memory_space<vmem>>
        %gather3A_928 = tpu.vector_load_idx %gather3A_927[%add3A_922, %broadcast_in_dim3A_918] : memref<64x128xf32, #tpu.memory_space<vmem>>[vector<16xi32>, vector<16xi32>], vector<16xf32>,
        tpu.vector_store_idx %arg7[%add3A_922, %broadcast_in_dim3A_919], %gather3A_928 : memref<64x512xf32, #tpu.memory_space<vmem>>[vector<16xi32>, vector<16xi32>], vector<16xf32>,
        %add3A_929 = arith.constant 16 : i32
        %add3A_930 = vector.broadcast %add3A_929 : i32 to vector<16xi32>
        %add3A_931 = arith.addi %iota3A, %add3A_930 : vector<16xi32>
        %gather3A_932 = arith.constant 4 : i32
        %gather3A_933 = arith.constant 0 : i32
        %gather3A_934 = arith.constant 0 : i32
        %gather3A_935 = tpu.memref_slice %arg6[%gather3A_932, %gather3A_933, %gather3A_934] : memref<8x64x128xf32, #tpu.memory_space<vmem>> -> memref<1x64x128xf32, #tpu.memory_space<vmem>>
        %gather3A_936 = tpu.memref_squeeze %gather3A_935 : memref<1x64x128xf32, #tpu.memory_space<vmem>> -> memref<64x128xf32, #tpu.memory_space<vmem>>
        %gather3A_937 = tpu.vector_load_idx %gather3A_936[%add3A_931, %broadcast_in_dim3A_918] : memref<64x128xf32, #tpu.memory_space<vmem>>[vector<16xi32>, vector<16xi32>], vector<16xf32>,
        tpu.vector_store_idx %arg7[%add3A_931, %broadcast_in_dim3A_919], %gather3A_937 : memref<64x512xf32, #tpu.memory_space<vmem>>[vector<16xi32>, vector<16xi32>], vector<16xf32>,
        %add3A_938 = arith.constant 32 : i32
        %add3A_939 = vector.broadcast %add3A_938 : i32 to vector<16xi32>
        %add3A_940 = arith.addi %iota3A, %add3A_939 : vector<16xi32>
        %gather3A_941 = arith.constant 4 : i32
        %gather3A_942 = arith.constant 0 : i32
        %gather3A_943 = arith.constant 0 : i32
        %gather3A_944 = tpu.memref_slice %arg6[%gather3A_941, %gather3A_942, %gather3A_943] : memref<8x64x128xf32, #tpu.memory_space<vmem>> -> memref<1x64x128xf32, #tpu.memory_space<vmem>>
        %gather3A_945 = tpu.memref_squeeze %gather3A_944 : memref<1x64x128xf32, #tpu.memory_space<vmem>> -> memref<64x128xf32, #tpu.memory_space<vmem>>
        %gather3A_946 = tpu.vector_load_idx %gather3A_945[%add3A_940, %broadcast_in_dim3A_918] : memref<64x128xf32, #tpu.memory_space<vmem>>[vector<16xi32>, vector<16xi32>], vector<16xf32>,
        tpu.vector_store_idx %arg7[%add3A_940, %broadcast_in_dim3A_919], %gather3A_946 : memref<64x512xf32, #tpu.memory_space<vmem>>[vector<16xi32>, vector<16xi32>], vector<16xf32>,
        %add3A_947 = arith.constant 48 : i32
        %add3A_948 = vector.broadcast %add3A_947 : i32 to vector<16xi32>
        %add3A_949 = arith.addi %iota3A, %add3A_948 : vector<16xi32>
        %gather3A_950 = arith.constant 4 : i32
        %gather3A_951 = arith.constant 0 : i32
        %gather3A_952 = arith.constant 0 : i32
        %gather3A_953 = tpu.memref_slice %arg6[%gather3A_950, %gather3A_951, %gather3A_952] : memref<8x64x128xf32, #tpu.memory_space<vmem>> -> memref<1x64x128xf32, #tpu.memory_space<vmem>>
        %gather3A_954 = tpu.memref_squeeze %gather3A_953 : memref<1x64x128xf32, #tpu.memory_space<vmem>> -> memref<64x128xf32, #tpu.memory_space<vmem>>
        %gather3A_955 = tpu.vector_load_idx %gather3A_954[%add3A_949, %broadcast_in_dim3A_918] : memref<64x128xf32, #tpu.memory_space<vmem>>[vector<16xi32>, vector<16xi32>], vector<16xf32>,
        tpu.vector_store_idx %arg7[%add3A_949, %broadcast_in_dim3A_919], %gather3A_955 : memref<64x512xf32, #tpu.memory_space<vmem>>[vector<16xi32>, vector<16xi32>], vector<16xf32>,
      } else {
      }
      %slice3A_589 = vector.extract_strided_slice %and3A_470 {offsets = [4], sizes = [1], strides = [1]} : vector<16xi32> to vector<1xi32>
      %squeeze3A_590 = vector.extract %slice3A_589[0] : i32 from vector<1xi32>
      %multiple_of3A_591 = tpu.assume_multiple %squeeze3A_590, 128 : i32
      %dma_start3A_592 = arith.constant 4 : i32
      %dma_start3A_593 = arith.constant 0 : i32
      %dma_start3A_594 = arith.constant 0 : i32
      %dma_start3A_595 = tpu.memref_slice %arg6[%dma_start3A_592, %dma_start3A_593, %dma_start3A_594] : memref<8x64x128xf32, #tpu.memory_space<vmem>> -> memref<1x64x128xf32, #tpu.memory_space<vmem>>
      %dma_start3A_596 = tpu.memref_squeeze %dma_start3A_595 : memref<1x64x128xf32, #tpu.memory_space<vmem>> -> memref<64x128xf32, #tpu.memory_space<vmem>>
      %dma_start3A_597 = arith.constant 0 : i32
      %dma_start3A_598 = tpu.memref_slice %arg3[%dma_start3A_597, %multiple_of3A_591] : memref<64x1000000xf32, #tpu.memory_space<hbm>> -> memref<64x128xf32, #tpu.memory_space<hbm>>
      %dma_start3A_599 = arith.constant 0 : i32
      %dma_start3A_600 = arith.constant 0 : i32
      %dma_start3A_601 = tpu.memref_slice %arg6[%dma_start3A_592, %dma_start3A_599, %dma_start3A_600] : memref<8x64x128xf32, #tpu.memory_space<vmem>> -> memref<1x64x128xf32, #tpu.memory_space<vmem>>
      %dma_start3A_602 = tpu.memref_squeeze %dma_start3A_601 : memref<1x64x128xf32, #tpu.memory_space<vmem>> -> memref<64x128xf32, #tpu.memory_space<vmem>>
      %dma_start3A_603 = arith.constant 0 : i32
      %dma_start3A_604 = tpu.memref_slice %arg3[%dma_start3A_603, %multiple_of3A_591] : memref<64x1000000xf32, #tpu.memory_space<hbm>> -> memref<64x128xf32, #tpu.memory_space<hbm>>
      tpu.enqueue_dma source(%dma_start3A_604 : memref<64x128xf32, #tpu.memory_space<hbm>>) target(%dma_start3A_602 : memref<64x128xf32, #tpu.memory_space<vmem>>) target_semaphore(%arg13 : memref<!tpu.dma_semaphore, #tpu.memory_space<semaphore_mem>>)
      %mul3A_605 = arith.constant 16 : i32
      %mul3A_606 = arith.muli %scan3A_464, %mul3A_605 : i32
      %add3A_607 = arith.constant 5 : i32
      %add3A_608 = arith.addi %mul3A_606, %add3A_607 : i32
      %slice3A_609 = vector.extract_strided_slice %scan3A_465 {offsets = [13], sizes = [1], strides = [1]} : vector<16xi32> to vector<1xi32>
      %squeeze3A_610 = vector.extract %slice3A_609[0] : i32 from vector<1xi32>
      %ge3A_611 = arith.constant 8 : i32
      %ge3A_612 = arith.cmpi sge, %add3A_608, %ge3A_611 : i32
      %convert_element_type3A_613 = arith.extui %ge3A_612 : i1 to i32
      %cond3A_614 = arith.constant 0 : i32
      %cond3A_615 = arith.cmpi ne, %convert_element_type3A_613, %cond3A_614 : i32
      scf.if %cond3A_615 {
        %sub3A = arith.constant 8 : i32
        %sub3A_902 = arith.subi %add3A_608, %sub3A : i32
        %dma_wait3A_903 = arith.constant 5 : i32
        %dma_wait3A_904 = arith.constant 0 : i32
        %dma_wait3A_905 = arith.constant 0 : i32
        %dma_wait3A_906 = tpu.memref_slice %arg6[%dma_wait3A_903, %dma_wait3A_904, %dma_wait3A_905] : memref<8x64x128xf32, #tpu.memory_space<vmem>> -> memref<1x64x128xf32, #tpu.memory_space<vmem>>
        %dma_wait3A_907 = tpu.memref_squeeze %dma_wait3A_906 : memref<1x64x128xf32, #tpu.memory_space<vmem>> -> memref<64x128xf32, #tpu.memory_space<vmem>>
        %dma_wait3A_908 = arith.constant 0 : i32
        %dma_wait3A_909 = arith.constant 0 : i32
        %dma_wait3A_910 = tpu.memref_slice %arg3[%dma_wait3A_908, %dma_wait3A_909] : memref<64x1000000xf32, #tpu.memory_space<hbm>> -> memref<64x128xf32, #tpu.memory_space<hbm>>
        %dma_wait3A_911 = arith.constant 0 : i32
        %dma_wait3A_912 = arith.constant 0 : i32
        %dma_wait3A_913 = tpu.memref_slice %arg6[%dma_wait3A_903, %dma_wait3A_911, %dma_wait3A_912] : memref<8x64x128xf32, #tpu.memory_space<vmem>> -> memref<1x64x128xf32, #tpu.memory_space<vmem>>
        %dma_wait3A_914 = tpu.memref_squeeze %dma_wait3A_913 : memref<1x64x128xf32, #tpu.memory_space<vmem>> -> memref<64x128xf32, #tpu.memory_space<vmem>>
        %dma_wait3A_915 = arith.constant 0 : i32
        %dma_wait3A_916 = arith.constant 0 : i32
        %dma_wait3A_917 = tpu.memref_slice %arg3[%dma_wait3A_915, %dma_wait3A_916] : memref<64x1000000xf32, #tpu.memory_space<hbm>> -> memref<64x128xf32, #tpu.memory_space<hbm>>
        tpu.wait_dma2 semaphore(%arg14 : memref<!tpu.dma_semaphore, #tpu.memory_space<semaphore_mem>>) src(%dma_wait3A_917 : memref<64x128xf32, #tpu.memory_space<hbm>>) dst(%dma_wait3A_914 : memref<64x128xf32, #tpu.memory_space<vmem>>)
        %broadcast_in_dim3A_918 = vector.broadcast %squeeze3A_610 : i32 to vector<16xi32>
        %broadcast_in_dim3A_919 = vector.broadcast %sub3A_902 : i32 to vector<16xi32>
        %add3A_920 = arith.constant 0 : i32
        %add3A_921 = vector.broadcast %add3A_920 : i32 to vector<16xi32>
        %add3A_922 = arith.addi %iota3A, %add3A_921 : vector<16xi32>
        %gather3A_923 = arith.constant 5 : i32
        %gather3A_924 = arith.constant 0 : i32
        %gather3A_925 = arith.constant 0 : i32
        %gather3A_926 = tpu.memref_slice %arg6[%gather3A_923, %gather3A_924, %gather3A_925] : memref<8x64x128xf32, #tpu.memory_space<vmem>> -> memref<1x64x128xf32, #tpu.memory_space<vmem>>
        %gather3A_927 = tpu.memref_squeeze %gather3A_926 : memref<1x64x128xf32, #tpu.memory_space<vmem>> -> memref<64x128xf32, #tpu.memory_space<vmem>>
        %gather3A_928 = tpu.vector_load_idx %gather3A_927[%add3A_922, %broadcast_in_dim3A_918] : memref<64x128xf32, #tpu.memory_space<vmem>>[vector<16xi32>, vector<16xi32>], vector<16xf32>,
        tpu.vector_store_idx %arg7[%add3A_922, %broadcast_in_dim3A_919], %gather3A_928 : memref<64x512xf32, #tpu.memory_space<vmem>>[vector<16xi32>, vector<16xi32>], vector<16xf32>,
        %add3A_929 = arith.constant 16 : i32
        %add3A_930 = vector.broadcast %add3A_929 : i32 to vector<16xi32>
        %add3A_931 = arith.addi %iota3A, %add3A_930 : vector<16xi32>
        %gather3A_932 = arith.constant 5 : i32
        %gather3A_933 = arith.constant 0 : i32
        %gather3A_934 = arith.constant 0 : i32
        %gather3A_935 = tpu.memref_slice %arg6[%gather3A_932, %gather3A_933, %gather3A_934] : memref<8x64x128xf32, #tpu.memory_space<vmem>> -> memref<1x64x128xf32, #tpu.memory_space<vmem>>
        %gather3A_936 = tpu.memref_squeeze %gather3A_935 : memref<1x64x128xf32, #tpu.memory_space<vmem>> -> memref<64x128xf32, #tpu.memory_space<vmem>>
        %gather3A_937 = tpu.vector_load_idx %gather3A_936[%add3A_931, %broadcast_in_dim3A_918] : memref<64x128xf32, #tpu.memory_space<vmem>>[vector<16xi32>, vector<16xi32>], vector<16xf32>,
        tpu.vector_store_idx %arg7[%add3A_931, %broadcast_in_dim3A_919], %gather3A_937 : memref<64x512xf32, #tpu.memory_space<vmem>>[vector<16xi32>, vector<16xi32>], vector<16xf32>,
        %add3A_938 = arith.constant 32 : i32
        %add3A_939 = vector.broadcast %add3A_938 : i32 to vector<16xi32>
        %add3A_940 = arith.addi %iota3A, %add3A_939 : vector<16xi32>
        %gather3A_941 = arith.constant 5 : i32
        %gather3A_942 = arith.constant 0 : i32
        %gather3A_943 = arith.constant 0 : i32
        %gather3A_944 = tpu.memref_slice %arg6[%gather3A_941, %gather3A_942, %gather3A_943] : memref<8x64x128xf32, #tpu.memory_space<vmem>> -> memref<1x64x128xf32, #tpu.memory_space<vmem>>
        %gather3A_945 = tpu.memref_squeeze %gather3A_944 : memref<1x64x128xf32, #tpu.memory_space<vmem>> -> memref<64x128xf32, #tpu.memory_space<vmem>>
        %gather3A_946 = tpu.vector_load_idx %gather3A_945[%add3A_940, %broadcast_in_dim3A_918] : memref<64x128xf32, #tpu.memory_space<vmem>>[vector<16xi32>, vector<16xi32>], vector<16xf32>,
        tpu.vector_store_idx %arg7[%add3A_940, %broadcast_in_dim3A_919], %gather3A_946 : memref<64x512xf32, #tpu.memory_space<vmem>>[vector<16xi32>, vector<16xi32>], vector<16xf32>,
        %add3A_947 = arith.constant 48 : i32
        %add3A_948 = vector.broadcast %add3A_947 : i32 to vector<16xi32>
        %add3A_949 = arith.addi %iota3A, %add3A_948 : vector<16xi32>
        %gather3A_950 = arith.constant 5 : i32
        %gather3A_951 = arith.constant 0 : i32
        %gather3A_952 = arith.constant 0 : i32
        %gather3A_953 = tpu.memref_slice %arg6[%gather3A_950, %gather3A_951, %gather3A_952] : memref<8x64x128xf32, #tpu.memory_space<vmem>> -> memref<1x64x128xf32, #tpu.memory_space<vmem>>
        %gather3A_954 = tpu.memref_squeeze %gather3A_953 : memref<1x64x128xf32, #tpu.memory_space<vmem>> -> memref<64x128xf32, #tpu.memory_space<vmem>>
        %gather3A_955 = tpu.vector_load_idx %gather3A_954[%add3A_949, %broadcast_in_dim3A_918] : memref<64x128xf32, #tpu.memory_space<vmem>>[vector<16xi32>, vector<16xi32>], vector<16xf32>,
        tpu.vector_store_idx %arg7[%add3A_949, %broadcast_in_dim3A_919], %gather3A_955 : memref<64x512xf32, #tpu.memory_space<vmem>>[vector<16xi32>, vector<16xi32>], vector<16xf32>,
      } else {
      }
      %slice3A_616 = vector.extract_strided_slice %and3A_470 {offsets = [5], sizes = [1], strides = [1]} : vector<16xi32> to vector<1xi32>
      %squeeze3A_617 = vector.extract %slice3A_616[0] : i32 from vector<1xi32>
      %multiple_of3A_618 = tpu.assume_multiple %squeeze3A_617, 128 : i32
      %dma_start3A_619 = arith.constant 5 : i32
      %dma_start3A_620 = arith.constant 0 : i32
      %dma_start3A_621 = arith.constant 0 : i32
      %dma_start3A_622 = tpu.memref_slice %arg6[%dma_start3A_619, %dma_start3A_620, %dma_start3A_621] : memref<8x64x128xf32, #tpu.memory_space<vmem>> -> memref<1x64x128xf32, #tpu.memory_space<vmem>>
      %dma_start3A_623 = tpu.memref_squeeze %dma_start3A_622 : memref<1x64x128xf32, #tpu.memory_space<vmem>> -> memref<64x128xf32, #tpu.memory_space<vmem>>
      %dma_start3A_624 = arith.constant 0 : i32
      %dma_start3A_625 = tpu.memref_slice %arg3[%dma_start3A_624, %multiple_of3A_618] : memref<64x1000000xf32, #tpu.memory_space<hbm>> -> memref<64x128xf32, #tpu.memory_space<hbm>>
      %dma_start3A_626 = arith.constant 0 : i32
      %dma_start3A_627 = arith.constant 0 : i32
      %dma_start3A_628 = tpu.memref_slice %arg6[%dma_start3A_619, %dma_start3A_626, %dma_start3A_627] : memref<8x64x128xf32, #tpu.memory_space<vmem>> -> memref<1x64x128xf32, #tpu.memory_space<vmem>>
      %dma_start3A_629 = tpu.memref_squeeze %dma_start3A_628 : memref<1x64x128xf32, #tpu.memory_space<vmem>> -> memref<64x128xf32, #tpu.memory_space<vmem>>
      %dma_start3A_630 = arith.constant 0 : i32
      %dma_start3A_631 = tpu.memref_slice %arg3[%dma_start3A_630, %multiple_of3A_618] : memref<64x1000000xf32, #tpu.memory_space<hbm>> -> memref<64x128xf32, #tpu.memory_space<hbm>>
      tpu.enqueue_dma source(%dma_start3A_631 : memref<64x128xf32, #tpu.memory_space<hbm>>) target(%dma_start3A_629 : memref<64x128xf32, #tpu.memory_space<vmem>>) target_semaphore(%arg14 : memref<!tpu.dma_semaphore, #tpu.memory_space<semaphore_mem>>)
      %mul3A_632 = arith.constant 16 : i32
      %mul3A_633 = arith.muli %scan3A_464, %mul3A_632 : i32
      %add3A_634 = arith.constant 6 : i32
      %add3A_635 = arith.addi %mul3A_633, %add3A_634 : i32
      %slice3A_636 = vector.extract_strided_slice %scan3A_465 {offsets = [14], sizes = [1], strides = [1]} : vector<16xi32> to vector<1xi32>
      %squeeze3A_637 = vector.extract %slice3A_636[0] : i32 from vector<1xi32>
      %ge3A_638 = arith.constant 8 : i32
      %ge3A_639 = arith.cmpi sge, %add3A_635, %ge3A_638 : i32
      %convert_element_type3A_640 = arith.extui %ge3A_639 : i1 to i32
      %cond3A_641 = arith.constant 0 : i32
      %cond3A_642 = arith.cmpi ne, %convert_element_type3A_640, %cond3A_641 : i32
      scf.if %cond3A_642 {
        %sub3A = arith.constant 8 : i32
        %sub3A_902 = arith.subi %add3A_635, %sub3A : i32
        %dma_wait3A_903 = arith.constant 6 : i32
        %dma_wait3A_904 = arith.constant 0 : i32
        %dma_wait3A_905 = arith.constant 0 : i32
        %dma_wait3A_906 = tpu.memref_slice %arg6[%dma_wait3A_903, %dma_wait3A_904, %dma_wait3A_905] : memref<8x64x128xf32, #tpu.memory_space<vmem>> -> memref<1x64x128xf32, #tpu.memory_space<vmem>>
        %dma_wait3A_907 = tpu.memref_squeeze %dma_wait3A_906 : memref<1x64x128xf32, #tpu.memory_space<vmem>> -> memref<64x128xf32, #tpu.memory_space<vmem>>
        %dma_wait3A_908 = arith.constant 0 : i32
        %dma_wait3A_909 = arith.constant 0 : i32
        %dma_wait3A_910 = tpu.memref_slice %arg3[%dma_wait3A_908, %dma_wait3A_909] : memref<64x1000000xf32, #tpu.memory_space<hbm>> -> memref<64x128xf32, #tpu.memory_space<hbm>>
        %dma_wait3A_911 = arith.constant 0 : i32
        %dma_wait3A_912 = arith.constant 0 : i32
        %dma_wait3A_913 = tpu.memref_slice %arg6[%dma_wait3A_903, %dma_wait3A_911, %dma_wait3A_912] : memref<8x64x128xf32, #tpu.memory_space<vmem>> -> memref<1x64x128xf32, #tpu.memory_space<vmem>>
        %dma_wait3A_914 = tpu.memref_squeeze %dma_wait3A_913 : memref<1x64x128xf32, #tpu.memory_space<vmem>> -> memref<64x128xf32, #tpu.memory_space<vmem>>
        %dma_wait3A_915 = arith.constant 0 : i32
        %dma_wait3A_916 = arith.constant 0 : i32
        %dma_wait3A_917 = tpu.memref_slice %arg3[%dma_wait3A_915, %dma_wait3A_916] : memref<64x1000000xf32, #tpu.memory_space<hbm>> -> memref<64x128xf32, #tpu.memory_space<hbm>>
        tpu.wait_dma2 semaphore(%arg15 : memref<!tpu.dma_semaphore, #tpu.memory_space<semaphore_mem>>) src(%dma_wait3A_917 : memref<64x128xf32, #tpu.memory_space<hbm>>) dst(%dma_wait3A_914 : memref<64x128xf32, #tpu.memory_space<vmem>>)
        %broadcast_in_dim3A_918 = vector.broadcast %squeeze3A_637 : i32 to vector<16xi32>
        %broadcast_in_dim3A_919 = vector.broadcast %sub3A_902 : i32 to vector<16xi32>
        %add3A_920 = arith.constant 0 : i32
        %add3A_921 = vector.broadcast %add3A_920 : i32 to vector<16xi32>
        %add3A_922 = arith.addi %iota3A, %add3A_921 : vector<16xi32>
        %gather3A_923 = arith.constant 6 : i32
        %gather3A_924 = arith.constant 0 : i32
        %gather3A_925 = arith.constant 0 : i32
        %gather3A_926 = tpu.memref_slice %arg6[%gather3A_923, %gather3A_924, %gather3A_925] : memref<8x64x128xf32, #tpu.memory_space<vmem>> -> memref<1x64x128xf32, #tpu.memory_space<vmem>>
        %gather3A_927 = tpu.memref_squeeze %gather3A_926 : memref<1x64x128xf32, #tpu.memory_space<vmem>> -> memref<64x128xf32, #tpu.memory_space<vmem>>
        %gather3A_928 = tpu.vector_load_idx %gather3A_927[%add3A_922, %broadcast_in_dim3A_918] : memref<64x128xf32, #tpu.memory_space<vmem>>[vector<16xi32>, vector<16xi32>], vector<16xf32>,
        tpu.vector_store_idx %arg7[%add3A_922, %broadcast_in_dim3A_919], %gather3A_928 : memref<64x512xf32, #tpu.memory_space<vmem>>[vector<16xi32>, vector<16xi32>], vector<16xf32>,
        %add3A_929 = arith.constant 16 : i32
        %add3A_930 = vector.broadcast %add3A_929 : i32 to vector<16xi32>
        %add3A_931 = arith.addi %iota3A, %add3A_930 : vector<16xi32>
        %gather3A_932 = arith.constant 6 : i32
        %gather3A_933 = arith.constant 0 : i32
        %gather3A_934 = arith.constant 0 : i32
        %gather3A_935 = tpu.memref_slice %arg6[%gather3A_932, %gather3A_933, %gather3A_934] : memref<8x64x128xf32, #tpu.memory_space<vmem>> -> memref<1x64x128xf32, #tpu.memory_space<vmem>>
        %gather3A_936 = tpu.memref_squeeze %gather3A_935 : memref<1x64x128xf32, #tpu.memory_space<vmem>> -> memref<64x128xf32, #tpu.memory_space<vmem>>
        %gather3A_937 = tpu.vector_load_idx %gather3A_936[%add3A_931, %broadcast_in_dim3A_918] : memref<64x128xf32, #tpu.memory_space<vmem>>[vector<16xi32>, vector<16xi32>], vector<16xf32>,
        tpu.vector_store_idx %arg7[%add3A_931, %broadcast_in_dim3A_919], %gather3A_937 : memref<64x512xf32, #tpu.memory_space<vmem>>[vector<16xi32>, vector<16xi32>], vector<16xf32>,
        %add3A_938 = arith.constant 32 : i32
        %add3A_939 = vector.broadcast %add3A_938 : i32 to vector<16xi32>
        %add3A_940 = arith.addi %iota3A, %add3A_939 : vector<16xi32>
        %gather3A_941 = arith.constant 6 : i32
        %gather3A_942 = arith.constant 0 : i32
        %gather3A_943 = arith.constant 0 : i32
        %gather3A_944 = tpu.memref_slice %arg6[%gather3A_941, %gather3A_942, %gather3A_943] : memref<8x64x128xf32, #tpu.memory_space<vmem>> -> memref<1x64x128xf32, #tpu.memory_space<vmem>>
        %gather3A_945 = tpu.memref_squeeze %gather3A_944 : memref<1x64x128xf32, #tpu.memory_space<vmem>> -> memref<64x128xf32, #tpu.memory_space<vmem>>
        %gather3A_946 = tpu.vector_load_idx %gather3A_945[%add3A_940, %broadcast_in_dim3A_918] : memref<64x128xf32, #tpu.memory_space<vmem>>[vector<16xi32>, vector<16xi32>], vector<16xf32>,
        tpu.vector_store_idx %arg7[%add3A_940, %broadcast_in_dim3A_919], %gather3A_946 : memref<64x512xf32, #tpu.memory_space<vmem>>[vector<16xi32>, vector<16xi32>], vector<16xf32>,
        %add3A_947 = arith.constant 48 : i32
        %add3A_948 = vector.broadcast %add3A_947 : i32 to vector<16xi32>
        %add3A_949 = arith.addi %iota3A, %add3A_948 : vector<16xi32>
        %gather3A_950 = arith.constant 6 : i32
        %gather3A_951 = arith.constant 0 : i32
        %gather3A_952 = arith.constant 0 : i32
        %gather3A_953 = tpu.memref_slice %arg6[%gather3A_950, %gather3A_951, %gather3A_952] : memref<8x64x128xf32, #tpu.memory_space<vmem>> -> memref<1x64x128xf32, #tpu.memory_space<vmem>>
        %gather3A_954 = tpu.memref_squeeze %gather3A_953 : memref<1x64x128xf32, #tpu.memory_space<vmem>> -> memref<64x128xf32, #tpu.memory_space<vmem>>
        %gather3A_955 = tpu.vector_load_idx %gather3A_954[%add3A_949, %broadcast_in_dim3A_918] : memref<64x128xf32, #tpu.memory_space<vmem>>[vector<16xi32>, vector<16xi32>], vector<16xf32>,
        tpu.vector_store_idx %arg7[%add3A_949, %broadcast_in_dim3A_919], %gather3A_955 : memref<64x512xf32, #tpu.memory_space<vmem>>[vector<16xi32>, vector<16xi32>], vector<16xf32>,
      } else {
      }
      %slice3A_643 = vector.extract_strided_slice %and3A_470 {offsets = [6], sizes = [1], strides = [1]} : vector<16xi32> to vector<1xi32>
      %squeeze3A_644 = vector.extract %slice3A_643[0] : i32 from vector<1xi32>
      %multiple_of3A_645 = tpu.assume_multiple %squeeze3A_644, 128 : i32
      %dma_start3A_646 = arith.constant 6 : i32
      %dma_start3A_647 = arith.constant 0 : i32
      %dma_start3A_648 = arith.constant 0 : i32
      %dma_start3A_649 = tpu.memref_slice %arg6[%dma_start3A_646, %dma_start3A_647, %dma_start3A_648] : memref<8x64x128xf32, #tpu.memory_space<vmem>> -> memref<1x64x128xf32, #tpu.memory_space<vmem>>
      %dma_start3A_650 = tpu.memref_squeeze %dma_start3A_649 : memref<1x64x128xf32, #tpu.memory_space<vmem>> -> memref<64x128xf32, #tpu.memory_space<vmem>>
      %dma_start3A_651 = arith.constant 0 : i32
      %dma_start3A_652 = tpu.memref_slice %arg3[%dma_start3A_651, %multiple_of3A_645] : memref<64x1000000xf32, #tpu.memory_space<hbm>> -> memref<64x128xf32, #tpu.memory_space<hbm>>
      %dma_start3A_653 = arith.constant 0 : i32
      %dma_start3A_654 = arith.constant 0 : i32
      %dma_start3A_655 = tpu.memref_slice %arg6[%dma_start3A_646, %dma_start3A_653, %dma_start3A_654] : memref<8x64x128xf32, #tpu.memory_space<vmem>> -> memref<1x64x128xf32, #tpu.memory_space<vmem>>
      %dma_start3A_656 = tpu.memref_squeeze %dma_start3A_655 : memref<1x64x128xf32, #tpu.memory_space<vmem>> -> memref<64x128xf32, #tpu.memory_space<vmem>>
      %dma_start3A_657 = arith.constant 0 : i32
      %dma_start3A_658 = tpu.memref_slice %arg3[%dma_start3A_657, %multiple_of3A_645] : memref<64x1000000xf32, #tpu.memory_space<hbm>> -> memref<64x128xf32, #tpu.memory_space<hbm>>
      tpu.enqueue_dma source(%dma_start3A_658 : memref<64x128xf32, #tpu.memory_space<hbm>>) target(%dma_start3A_656 : memref<64x128xf32, #tpu.memory_space<vmem>>) target_semaphore(%arg15 : memref<!tpu.dma_semaphore, #tpu.memory_space<semaphore_mem>>)
      %mul3A_659 = arith.constant 16 : i32
      %mul3A_660 = arith.muli %scan3A_464, %mul3A_659 : i32
      %add3A_661 = arith.constant 7 : i32
      %add3A_662 = arith.addi %mul3A_660, %add3A_661 : i32
      %slice3A_663 = vector.extract_strided_slice %scan3A_465 {offsets = [15], sizes = [1], strides = [1]} : vector<16xi32> to vector<1xi32>
      %squeeze3A_664 = vector.extract %slice3A_663[0] : i32 from vector<1xi32>
      %ge3A_665 = arith.constant 8 : i32
      %ge3A_666 = arith.cmpi sge, %add3A_662, %ge3A_665 : i32
      %convert_element_type3A_667 = arith.extui %ge3A_666 : i1 to i32
      %cond3A_668 = arith.constant 0 : i32
      %cond3A_669 = arith.cmpi ne, %convert_element_type3A_667, %cond3A_668 : i32
      scf.if %cond3A_669 {
        %sub3A = arith.constant 8 : i32
        %sub3A_902 = arith.subi %add3A_662, %sub3A : i32
        %dma_wait3A_903 = arith.constant 7 : i32
        %dma_wait3A_904 = arith.constant 0 : i32
        %dma_wait3A_905 = arith.constant 0 : i32
        %dma_wait3A_906 = tpu.memref_slice %arg6[%dma_wait3A_903, %dma_wait3A_904, %dma_wait3A_905] : memref<8x64x128xf32, #tpu.memory_space<vmem>> -> memref<1x64x128xf32, #tpu.memory_space<vmem>>
        %dma_wait3A_907 = tpu.memref_squeeze %dma_wait3A_906 : memref<1x64x128xf32, #tpu.memory_space<vmem>> -> memref<64x128xf32, #tpu.memory_space<vmem>>
        %dma_wait3A_908 = arith.constant 0 : i32
        %dma_wait3A_909 = arith.constant 0 : i32
        %dma_wait3A_910 = tpu.memref_slice %arg3[%dma_wait3A_908, %dma_wait3A_909] : memref<64x1000000xf32, #tpu.memory_space<hbm>> -> memref<64x128xf32, #tpu.memory_space<hbm>>
        %dma_wait3A_911 = arith.constant 0 : i32
        %dma_wait3A_912 = arith.constant 0 : i32
        %dma_wait3A_913 = tpu.memref_slice %arg6[%dma_wait3A_903, %dma_wait3A_911, %dma_wait3A_912] : memref<8x64x128xf32, #tpu.memory_space<vmem>> -> memref<1x64x128xf32, #tpu.memory_space<vmem>>
        %dma_wait3A_914 = tpu.memref_squeeze %dma_wait3A_913 : memref<1x64x128xf32, #tpu.memory_space<vmem>> -> memref<64x128xf32, #tpu.memory_space<vmem>>
        %dma_wait3A_915 = arith.constant 0 : i32
        %dma_wait3A_916 = arith.constant 0 : i32
        %dma_wait3A_917 = tpu.memref_slice %arg3[%dma_wait3A_915, %dma_wait3A_916] : memref<64x1000000xf32, #tpu.memory_space<hbm>> -> memref<64x128xf32, #tpu.memory_space<hbm>>
        tpu.wait_dma2 semaphore(%arg16 : memref<!tpu.dma_semaphore, #tpu.memory_space<semaphore_mem>>) src(%dma_wait3A_917 : memref<64x128xf32, #tpu.memory_space<hbm>>) dst(%dma_wait3A_914 : memref<64x128xf32, #tpu.memory_space<vmem>>)
        %broadcast_in_dim3A_918 = vector.broadcast %squeeze3A_664 : i32 to vector<16xi32>
        %broadcast_in_dim3A_919 = vector.broadcast %sub3A_902 : i32 to vector<16xi32>
        %add3A_920 = arith.constant 0 : i32
        %add3A_921 = vector.broadcast %add3A_920 : i32 to vector<16xi32>
        %add3A_922 = arith.addi %iota3A, %add3A_921 : vector<16xi32>
        %gather3A_923 = arith.constant 7 : i32
        %gather3A_924 = arith.constant 0 : i32
        %gather3A_925 = arith.constant 0 : i32
        %gather3A_926 = tpu.memref_slice %arg6[%gather3A_923, %gather3A_924, %gather3A_925] : memref<8x64x128xf32, #tpu.memory_space<vmem>> -> memref<1x64x128xf32, #tpu.memory_space<vmem>>
        %gather3A_927 = tpu.memref_squeeze %gather3A_926 : memref<1x64x128xf32, #tpu.memory_space<vmem>> -> memref<64x128xf32, #tpu.memory_space<vmem>>
        %gather3A_928 = tpu.vector_load_idx %gather3A_927[%add3A_922, %broadcast_in_dim3A_918] : memref<64x128xf32, #tpu.memory_space<vmem>>[vector<16xi32>, vector<16xi32>], vector<16xf32>,
        tpu.vector_store_idx %arg7[%add3A_922, %broadcast_in_dim3A_919], %gather3A_928 : memref<64x512xf32, #tpu.memory_space<vmem>>[vector<16xi32>, vector<16xi32>], vector<16xf32>,
        %add3A_929 = arith.constant 16 : i32
        %add3A_930 = vector.broadcast %add3A_929 : i32 to vector<16xi32>
        %add3A_931 = arith.addi %iota3A, %add3A_930 : vector<16xi32>
        %gather3A_932 = arith.constant 7 : i32
        %gather3A_933 = arith.constant 0 : i32
        %gather3A_934 = arith.constant 0 : i32
        %gather3A_935 = tpu.memref_slice %arg6[%gather3A_932, %gather3A_933, %gather3A_934] : memref<8x64x128xf32, #tpu.memory_space<vmem>> -> memref<1x64x128xf32, #tpu.memory_space<vmem>>
        %gather3A_936 = tpu.memref_squeeze %gather3A_935 : memref<1x64x128xf32, #tpu.memory_space<vmem>> -> memref<64x128xf32, #tpu.memory_space<vmem>>
        %gather3A_937 = tpu.vector_load_idx %gather3A_936[%add3A_931, %broadcast_in_dim3A_918] : memref<64x128xf32, #tpu.memory_space<vmem>>[vector<16xi32>, vector<16xi32>], vector<16xf32>,
        tpu.vector_store_idx %arg7[%add3A_931, %broadcast_in_dim3A_919], %gather3A_937 : memref<64x512xf32, #tpu.memory_space<vmem>>[vector<16xi32>, vector<16xi32>], vector<16xf32>,
        %add3A_938 = arith.constant 32 : i32
        %add3A_939 = vector.broadcast %add3A_938 : i32 to vector<16xi32>
        %add3A_940 = arith.addi %iota3A, %add3A_939 : vector<16xi32>
        %gather3A_941 = arith.constant 7 : i32
        %gather3A_942 = arith.constant 0 : i32
        %gather3A_943 = arith.constant 0 : i32
        %gather3A_944 = tpu.memref_slice %arg6[%gather3A_941, %gather3A_942, %gather3A_943] : memref<8x64x128xf32, #tpu.memory_space<vmem>> -> memref<1x64x128xf32, #tpu.memory_space<vmem>>
        %gather3A_945 = tpu.memref_squeeze %gather3A_944 : memref<1x64x128xf32, #tpu.memory_space<vmem>> -> memref<64x128xf32, #tpu.memory_space<vmem>>
        %gather3A_946 = tpu.vector_load_idx %gather3A_945[%add3A_940, %broadcast_in_dim3A_918] : memref<64x128xf32, #tpu.memory_space<vmem>>[vector<16xi32>, vector<16xi32>], vector<16xf32>,
        tpu.vector_store_idx %arg7[%add3A_940, %broadcast_in_dim3A_919], %gather3A_946 : memref<64x512xf32, #tpu.memory_space<vmem>>[vector<16xi32>, vector<16xi32>], vector<16xf32>,
        %add3A_947 = arith.constant 48 : i32
        %add3A_948 = vector.broadcast %add3A_947 : i32 to vector<16xi32>
        %add3A_949 = arith.addi %iota3A, %add3A_948 : vector<16xi32>
        %gather3A_950 = arith.constant 7 : i32
        %gather3A_951 = arith.constant 0 : i32
        %gather3A_952 = arith.constant 0 : i32
        %gather3A_953 = tpu.memref_slice %arg6[%gather3A_950, %gather3A_951, %gather3A_952] : memref<8x64x128xf32, #tpu.memory_space<vmem>> -> memref<1x64x128xf32, #tpu.memory_space<vmem>>
        %gather3A_954 = tpu.memref_squeeze %gather3A_953 : memref<1x64x128xf32, #tpu.memory_space<vmem>> -> memref<64x128xf32, #tpu.memory_space<vmem>>
        %gather3A_955 = tpu.vector_load_idx %gather3A_954[%add3A_949, %broadcast_in_dim3A_918] : memref<64x128xf32, #tpu.memory_space<vmem>>[vector<16xi32>, vector<16xi32>], vector<16xf32>,
        tpu.vector_store_idx %arg7[%add3A_949, %broadcast_in_dim3A_919], %gather3A_955 : memref<64x512xf32, #tpu.memory_space<vmem>>[vector<16xi32>, vector<16xi32>], vector<16xf32>,
      } else {
      }
      %slice3A_670 = vector.extract_strided_slice %and3A_470 {offsets = [7], sizes = [1], strides = [1]} : vector<16xi32> to vector<1xi32>
      %squeeze3A_671 = vector.extract %slice3A_670[0] : i32 from vector<1xi32>
      %multiple_of3A_672 = tpu.assume_multiple %squeeze3A_671, 128 : i32
      %dma_start3A_673 = arith.constant 7 : i32
      %dma_start3A_674 = arith.constant 0 : i32
      %dma_start3A_675 = arith.constant 0 : i32
      %dma_start3A_676 = tpu.memref_slice %arg6[%dma_start3A_673, %dma_start3A_674, %dma_start3A_675] : memref<8x64x128xf32, #tpu.memory_space<vmem>> -> memref<1x64x128xf32, #tpu.memory_space<vmem>>
      %dma_start3A_677 = tpu.memref_squeeze %dma_start3A_676 : memref<1x64x128xf32, #tpu.memory_space<vmem>> -> memref<64x128xf32, #tpu.memory_space<vmem>>
      %dma_start3A_678 = arith.constant 0 : i32
      %dma_start3A_679 = tpu.memref_slice %arg3[%dma_start3A_678, %multiple_of3A_672] : memref<64x1000000xf32, #tpu.memory_space<hbm>> -> memref<64x128xf32, #tpu.memory_space<hbm>>
      %dma_start3A_680 = arith.constant 0 : i32
      %dma_start3A_681 = arith.constant 0 : i32
      %dma_start3A_682 = tpu.memref_slice %arg6[%dma_start3A_673, %dma_start3A_680, %dma_start3A_681] : memref<8x64x128xf32, #tpu.memory_space<vmem>> -> memref<1x64x128xf32, #tpu.memory_space<vmem>>
      %dma_start3A_683 = tpu.memref_squeeze %dma_start3A_682 : memref<1x64x128xf32, #tpu.memory_space<vmem>> -> memref<64x128xf32, #tpu.memory_space<vmem>>
      %dma_start3A_684 = arith.constant 0 : i32
      %dma_start3A_685 = tpu.memref_slice %arg3[%dma_start3A_684, %multiple_of3A_672] : memref<64x1000000xf32, #tpu.memory_space<hbm>> -> memref<64x128xf32, #tpu.memory_space<hbm>>
      tpu.enqueue_dma source(%dma_start3A_685 : memref<64x128xf32, #tpu.memory_space<hbm>>) target(%dma_start3A_683 : memref<64x128xf32, #tpu.memory_space<vmem>>) target_semaphore(%arg16 : memref<!tpu.dma_semaphore, #tpu.memory_space<semaphore_mem>>)
      %mul3A_686 = arith.constant 16 : i32
      %mul3A_687 = arith.muli %scan3A_464, %mul3A_686 : i32
      %add3A_688 = arith.constant 8 : i32
      %add3A_689 = arith.addi %mul3A_687, %add3A_688 : i32
      %slice3A_690 = vector.extract_strided_slice %and3A_473 {offsets = [0], sizes = [1], strides = [1]} : vector<16xi32> to vector<1xi32>
      %squeeze3A_691 = vector.extract %slice3A_690[0] : i32 from vector<1xi32>
      %ge3A_692 = arith.constant 8 : i32
      %ge3A_693 = arith.cmpi sge, %add3A_689, %ge3A_692 : i32
      %convert_element_type3A_694 = arith.extui %ge3A_693 : i1 to i32
      %cond3A_695 = arith.constant 0 : i32
      %cond3A_696 = arith.cmpi ne, %convert_element_type3A_694, %cond3A_695 : i32
      scf.if %cond3A_696 {
        %sub3A = arith.constant 8 : i32
        %sub3A_902 = arith.subi %add3A_689, %sub3A : i32
        %dma_wait3A_903 = arith.constant 0 : i32
        %dma_wait3A_904 = arith.constant 0 : i32
        %dma_wait3A_905 = arith.constant 0 : i32
        %dma_wait3A_906 = tpu.memref_slice %arg6[%dma_wait3A_903, %dma_wait3A_904, %dma_wait3A_905] : memref<8x64x128xf32, #tpu.memory_space<vmem>> -> memref<1x64x128xf32, #tpu.memory_space<vmem>>
        %dma_wait3A_907 = tpu.memref_squeeze %dma_wait3A_906 : memref<1x64x128xf32, #tpu.memory_space<vmem>> -> memref<64x128xf32, #tpu.memory_space<vmem>>
        %dma_wait3A_908 = arith.constant 0 : i32
        %dma_wait3A_909 = arith.constant 0 : i32
        %dma_wait3A_910 = tpu.memref_slice %arg3[%dma_wait3A_908, %dma_wait3A_909] : memref<64x1000000xf32, #tpu.memory_space<hbm>> -> memref<64x128xf32, #tpu.memory_space<hbm>>
        %dma_wait3A_911 = arith.constant 0 : i32
        %dma_wait3A_912 = arith.constant 0 : i32
        %dma_wait3A_913 = tpu.memref_slice %arg6[%dma_wait3A_903, %dma_wait3A_911, %dma_wait3A_912] : memref<8x64x128xf32, #tpu.memory_space<vmem>> -> memref<1x64x128xf32, #tpu.memory_space<vmem>>
        %dma_wait3A_914 = tpu.memref_squeeze %dma_wait3A_913 : memref<1x64x128xf32, #tpu.memory_space<vmem>> -> memref<64x128xf32, #tpu.memory_space<vmem>>
        %dma_wait3A_915 = arith.constant 0 : i32
        %dma_wait3A_916 = arith.constant 0 : i32
        %dma_wait3A_917 = tpu.memref_slice %arg3[%dma_wait3A_915, %dma_wait3A_916] : memref<64x1000000xf32, #tpu.memory_space<hbm>> -> memref<64x128xf32, #tpu.memory_space<hbm>>
        tpu.wait_dma2 semaphore(%arg9 : memref<!tpu.dma_semaphore, #tpu.memory_space<semaphore_mem>>) src(%dma_wait3A_917 : memref<64x128xf32, #tpu.memory_space<hbm>>) dst(%dma_wait3A_914 : memref<64x128xf32, #tpu.memory_space<vmem>>)
        %broadcast_in_dim3A_918 = vector.broadcast %squeeze3A_691 : i32 to vector<16xi32>
        %broadcast_in_dim3A_919 = vector.broadcast %sub3A_902 : i32 to vector<16xi32>
        %add3A_920 = arith.constant 0 : i32
        %add3A_921 = vector.broadcast %add3A_920 : i32 to vector<16xi32>
        %add3A_922 = arith.addi %iota3A, %add3A_921 : vector<16xi32>
        %gather3A_923 = arith.constant 0 : i32
        %gather3A_924 = arith.constant 0 : i32
        %gather3A_925 = arith.constant 0 : i32
        %gather3A_926 = tpu.memref_slice %arg6[%gather3A_923, %gather3A_924, %gather3A_925] : memref<8x64x128xf32, #tpu.memory_space<vmem>> -> memref<1x64x128xf32, #tpu.memory_space<vmem>>
        %gather3A_927 = tpu.memref_squeeze %gather3A_926 : memref<1x64x128xf32, #tpu.memory_space<vmem>> -> memref<64x128xf32, #tpu.memory_space<vmem>>
        %gather3A_928 = tpu.vector_load_idx %gather3A_927[%add3A_922, %broadcast_in_dim3A_918] : memref<64x128xf32, #tpu.memory_space<vmem>>[vector<16xi32>, vector<16xi32>], vector<16xf32>,
        tpu.vector_store_idx %arg7[%add3A_922, %broadcast_in_dim3A_919], %gather3A_928 : memref<64x512xf32, #tpu.memory_space<vmem>>[vector<16xi32>, vector<16xi32>], vector<16xf32>,
        %add3A_929 = arith.constant 16 : i32
        %add3A_930 = vector.broadcast %add3A_929 : i32 to vector<16xi32>
        %add3A_931 = arith.addi %iota3A, %add3A_930 : vector<16xi32>
        %gather3A_932 = arith.constant 0 : i32
        %gather3A_933 = arith.constant 0 : i32
        %gather3A_934 = arith.constant 0 : i32
        %gather3A_935 = tpu.memref_slice %arg6[%gather3A_932, %gather3A_933, %gather3A_934] : memref<8x64x128xf32, #tpu.memory_space<vmem>> -> memref<1x64x128xf32, #tpu.memory_space<vmem>>
        %gather3A_936 = tpu.memref_squeeze %gather3A_935 : memref<1x64x128xf32, #tpu.memory_space<vmem>> -> memref<64x128xf32, #tpu.memory_space<vmem>>
        %gather3A_937 = tpu.vector_load_idx %gather3A_936[%add3A_931, %broadcast_in_dim3A_918] : memref<64x128xf32, #tpu.memory_space<vmem>>[vector<16xi32>, vector<16xi32>], vector<16xf32>,
        tpu.vector_store_idx %arg7[%add3A_931, %broadcast_in_dim3A_919], %gather3A_937 : memref<64x512xf32, #tpu.memory_space<vmem>>[vector<16xi32>, vector<16xi32>], vector<16xf32>,
        %add3A_938 = arith.constant 32 : i32
        %add3A_939 = vector.broadcast %add3A_938 : i32 to vector<16xi32>
        %add3A_940 = arith.addi %iota3A, %add3A_939 : vector<16xi32>
        %gather3A_941 = arith.constant 0 : i32
        %gather3A_942 = arith.constant 0 : i32
        %gather3A_943 = arith.constant 0 : i32
        %gather3A_944 = tpu.memref_slice %arg6[%gather3A_941, %gather3A_942, %gather3A_943] : memref<8x64x128xf32, #tpu.memory_space<vmem>> -> memref<1x64x128xf32, #tpu.memory_space<vmem>>
        %gather3A_945 = tpu.memref_squeeze %gather3A_944 : memref<1x64x128xf32, #tpu.memory_space<vmem>> -> memref<64x128xf32, #tpu.memory_space<vmem>>
        %gather3A_946 = tpu.vector_load_idx %gather3A_945[%add3A_940, %broadcast_in_dim3A_918] : memref<64x128xf32, #tpu.memory_space<vmem>>[vector<16xi32>, vector<16xi32>], vector<16xf32>,
        tpu.vector_store_idx %arg7[%add3A_940, %broadcast_in_dim3A_919], %gather3A_946 : memref<64x512xf32, #tpu.memory_space<vmem>>[vector<16xi32>, vector<16xi32>], vector<16xf32>,
        %add3A_947 = arith.constant 48 : i32
        %add3A_948 = vector.broadcast %add3A_947 : i32 to vector<16xi32>
        %add3A_949 = arith.addi %iota3A, %add3A_948 : vector<16xi32>
        %gather3A_950 = arith.constant 0 : i32
        %gather3A_951 = arith.constant 0 : i32
        %gather3A_952 = arith.constant 0 : i32
        %gather3A_953 = tpu.memref_slice %arg6[%gather3A_950, %gather3A_951, %gather3A_952] : memref<8x64x128xf32, #tpu.memory_space<vmem>> -> memref<1x64x128xf32, #tpu.memory_space<vmem>>
        %gather3A_954 = tpu.memref_squeeze %gather3A_953 : memref<1x64x128xf32, #tpu.memory_space<vmem>> -> memref<64x128xf32, #tpu.memory_space<vmem>>
        %gather3A_955 = tpu.vector_load_idx %gather3A_954[%add3A_949, %broadcast_in_dim3A_918] : memref<64x128xf32, #tpu.memory_space<vmem>>[vector<16xi32>, vector<16xi32>], vector<16xf32>,
        tpu.vector_store_idx %arg7[%add3A_949, %broadcast_in_dim3A_919], %gather3A_955 : memref<64x512xf32, #tpu.memory_space<vmem>>[vector<16xi32>, vector<16xi32>], vector<16xf32>,
      } else {
      }
      %slice3A_697 = vector.extract_strided_slice %and3A_470 {offsets = [8], sizes = [1], strides = [1]} : vector<16xi32> to vector<1xi32>
      %squeeze3A_698 = vector.extract %slice3A_697[0] : i32 from vector<1xi32>
      %multiple_of3A_699 = tpu.assume_multiple %squeeze3A_698, 128 : i32
      %dma_start3A_700 = arith.constant 0 : i32
      %dma_start3A_701 = arith.constant 0 : i32
      %dma_start3A_702 = arith.constant 0 : i32
      %dma_start3A_703 = tpu.memref_slice %arg6[%dma_start3A_700, %dma_start3A_701, %dma_start3A_702] : memref<8x64x128xf32, #tpu.memory_space<vmem>> -> memref<1x64x128xf32, #tpu.memory_space<vmem>>
      %dma_start3A_704 = tpu.memref_squeeze %dma_start3A_703 : memref<1x64x128xf32, #tpu.memory_space<vmem>> -> memref<64x128xf32, #tpu.memory_space<vmem>>
      %dma_start3A_705 = arith.constant 0 : i32
      %dma_start3A_706 = tpu.memref_slice %arg3[%dma_start3A_705, %multiple_of3A_699] : memref<64x1000000xf32, #tpu.memory_space<hbm>> -> memref<64x128xf32, #tpu.memory_space<hbm>>
      %dma_start3A_707 = arith.constant 0 : i32
      %dma_start3A_708 = arith.constant 0 : i32
      %dma_start3A_709 = tpu.memref_slice %arg6[%dma_start3A_700, %dma_start3A_707, %dma_start3A_708] : memref<8x64x128xf32, #tpu.memory_space<vmem>> -> memref<1x64x128xf32, #tpu.memory_space<vmem>>
      %dma_start3A_710 = tpu.memref_squeeze %dma_start3A_709 : memref<1x64x128xf32, #tpu.memory_space<vmem>> -> memref<64x128xf32, #tpu.memory_space<vmem>>
      %dma_start3A_711 = arith.constant 0 : i32
      %dma_start3A_712 = tpu.memref_slice %arg3[%dma_start3A_711, %multiple_of3A_699] : memref<64x1000000xf32, #tpu.memory_space<hbm>> -> memref<64x128xf32, #tpu.memory_space<hbm>>
      tpu.enqueue_dma source(%dma_start3A_712 : memref<64x128xf32, #tpu.memory_space<hbm>>) target(%dma_start3A_710 : memref<64x128xf32, #tpu.memory_space<vmem>>) target_semaphore(%arg9 : memref<!tpu.dma_semaphore, #tpu.memory_space<semaphore_mem>>)
      %mul3A_713 = arith.constant 16 : i32
      %mul3A_714 = arith.muli %scan3A_464, %mul3A_713 : i32
      %add3A_715 = arith.constant 9 : i32
      %add3A_716 = arith.addi %mul3A_714, %add3A_715 : i32
      %slice3A_717 = vector.extract_strided_slice %and3A_473 {offsets = [1], sizes = [1], strides = [1]} : vector<16xi32> to vector<1xi32>
      %squeeze3A_718 = vector.extract %slice3A_717[0] : i32 from vector<1xi32>
      %ge3A_719 = arith.constant 8 : i32
      %ge3A_720 = arith.cmpi sge, %add3A_716, %ge3A_719 : i32
      %convert_element_type3A_721 = arith.extui %ge3A_720 : i1 to i32
      %cond3A_722 = arith.constant 0 : i32
      %cond3A_723 = arith.cmpi ne, %convert_element_type3A_721, %cond3A_722 : i32
      scf.if %cond3A_723 {
        %sub3A = arith.constant 8 : i32
        %sub3A_902 = arith.subi %add3A_716, %sub3A : i32
        %dma_wait3A_903 = arith.constant 1 : i32
        %dma_wait3A_904 = arith.constant 0 : i32
        %dma_wait3A_905 = arith.constant 0 : i32
        %dma_wait3A_906 = tpu.memref_slice %arg6[%dma_wait3A_903, %dma_wait3A_904, %dma_wait3A_905] : memref<8x64x128xf32, #tpu.memory_space<vmem>> -> memref<1x64x128xf32, #tpu.memory_space<vmem>>
        %dma_wait3A_907 = tpu.memref_squeeze %dma_wait3A_906 : memref<1x64x128xf32, #tpu.memory_space<vmem>> -> memref<64x128xf32, #tpu.memory_space<vmem>>
        %dma_wait3A_908 = arith.constant 0 : i32
        %dma_wait3A_909 = arith.constant 0 : i32
        %dma_wait3A_910 = tpu.memref_slice %arg3[%dma_wait3A_908, %dma_wait3A_909] : memref<64x1000000xf32, #tpu.memory_space<hbm>> -> memref<64x128xf32, #tpu.memory_space<hbm>>
        %dma_wait3A_911 = arith.constant 0 : i32
        %dma_wait3A_912 = arith.constant 0 : i32
        %dma_wait3A_913 = tpu.memref_slice %arg6[%dma_wait3A_903, %dma_wait3A_911, %dma_wait3A_912] : memref<8x64x128xf32, #tpu.memory_space<vmem>> -> memref<1x64x128xf32, #tpu.memory_space<vmem>>
        %dma_wait3A_914 = tpu.memref_squeeze %dma_wait3A_913 : memref<1x64x128xf32, #tpu.memory_space<vmem>> -> memref<64x128xf32, #tpu.memory_space<vmem>>
        %dma_wait3A_915 = arith.constant 0 : i32
        %dma_wait3A_916 = arith.constant 0 : i32
        %dma_wait3A_917 = tpu.memref_slice %arg3[%dma_wait3A_915, %dma_wait3A_916] : memref<64x1000000xf32, #tpu.memory_space<hbm>> -> memref<64x128xf32, #tpu.memory_space<hbm>>
        tpu.wait_dma2 semaphore(%arg10 : memref<!tpu.dma_semaphore, #tpu.memory_space<semaphore_mem>>) src(%dma_wait3A_917 : memref<64x128xf32, #tpu.memory_space<hbm>>) dst(%dma_wait3A_914 : memref<64x128xf32, #tpu.memory_space<vmem>>)
        %broadcast_in_dim3A_918 = vector.broadcast %squeeze3A_718 : i32 to vector<16xi32>
        %broadcast_in_dim3A_919 = vector.broadcast %sub3A_902 : i32 to vector<16xi32>
        %add3A_920 = arith.constant 0 : i32
        %add3A_921 = vector.broadcast %add3A_920 : i32 to vector<16xi32>
        %add3A_922 = arith.addi %iota3A, %add3A_921 : vector<16xi32>
        %gather3A_923 = arith.constant 1 : i32
        %gather3A_924 = arith.constant 0 : i32
        %gather3A_925 = arith.constant 0 : i32
        %gather3A_926 = tpu.memref_slice %arg6[%gather3A_923, %gather3A_924, %gather3A_925] : memref<8x64x128xf32, #tpu.memory_space<vmem>> -> memref<1x64x128xf32, #tpu.memory_space<vmem>>
        %gather3A_927 = tpu.memref_squeeze %gather3A_926 : memref<1x64x128xf32, #tpu.memory_space<vmem>> -> memref<64x128xf32, #tpu.memory_space<vmem>>
        %gather3A_928 = tpu.vector_load_idx %gather3A_927[%add3A_922, %broadcast_in_dim3A_918] : memref<64x128xf32, #tpu.memory_space<vmem>>[vector<16xi32>, vector<16xi32>], vector<16xf32>,
        tpu.vector_store_idx %arg7[%add3A_922, %broadcast_in_dim3A_919], %gather3A_928 : memref<64x512xf32, #tpu.memory_space<vmem>>[vector<16xi32>, vector<16xi32>], vector<16xf32>,
        %add3A_929 = arith.constant 16 : i32
        %add3A_930 = vector.broadcast %add3A_929 : i32 to vector<16xi32>
        %add3A_931 = arith.addi %iota3A, %add3A_930 : vector<16xi32>
        %gather3A_932 = arith.constant 1 : i32
        %gather3A_933 = arith.constant 0 : i32
        %gather3A_934 = arith.constant 0 : i32
        %gather3A_935 = tpu.memref_slice %arg6[%gather3A_932, %gather3A_933, %gather3A_934] : memref<8x64x128xf32, #tpu.memory_space<vmem>> -> memref<1x64x128xf32, #tpu.memory_space<vmem>>
        %gather3A_936 = tpu.memref_squeeze %gather3A_935 : memref<1x64x128xf32, #tpu.memory_space<vmem>> -> memref<64x128xf32, #tpu.memory_space<vmem>>
        %gather3A_937 = tpu.vector_load_idx %gather3A_936[%add3A_931, %broadcast_in_dim3A_918] : memref<64x128xf32, #tpu.memory_space<vmem>>[vector<16xi32>, vector<16xi32>], vector<16xf32>,
        tpu.vector_store_idx %arg7[%add3A_931, %broadcast_in_dim3A_919], %gather3A_937 : memref<64x512xf32, #tpu.memory_space<vmem>>[vector<16xi32>, vector<16xi32>], vector<16xf32>,
        %add3A_938 = arith.constant 32 : i32
        %add3A_939 = vector.broadcast %add3A_938 : i32 to vector<16xi32>
        %add3A_940 = arith.addi %iota3A, %add3A_939 : vector<16xi32>
        %gather3A_941 = arith.constant 1 : i32
        %gather3A_942 = arith.constant 0 : i32
        %gather3A_943 = arith.constant 0 : i32
        %gather3A_944 = tpu.memref_slice %arg6[%gather3A_941, %gather3A_942, %gather3A_943] : memref<8x64x128xf32, #tpu.memory_space<vmem>> -> memref<1x64x128xf32, #tpu.memory_space<vmem>>
        %gather3A_945 = tpu.memref_squeeze %gather3A_944 : memref<1x64x128xf32, #tpu.memory_space<vmem>> -> memref<64x128xf32, #tpu.memory_space<vmem>>
        %gather3A_946 = tpu.vector_load_idx %gather3A_945[%add3A_940, %broadcast_in_dim3A_918] : memref<64x128xf32, #tpu.memory_space<vmem>>[vector<16xi32>, vector<16xi32>], vector<16xf32>,
        tpu.vector_store_idx %arg7[%add3A_940, %broadcast_in_dim3A_919], %gather3A_946 : memref<64x512xf32, #tpu.memory_space<vmem>>[vector<16xi32>, vector<16xi32>], vector<16xf32>,
        %add3A_947 = arith.constant 48 : i32
        %add3A_948 = vector.broadcast %add3A_947 : i32 to vector<16xi32>
        %add3A_949 = arith.addi %iota3A, %add3A_948 : vector<16xi32>
        %gather3A_950 = arith.constant 1 : i32
        %gather3A_951 = arith.constant 0 : i32
        %gather3A_952 = arith.constant 0 : i32
        %gather3A_953 = tpu.memref_slice %arg6[%gather3A_950, %gather3A_951, %gather3A_952] : memref<8x64x128xf32, #tpu.memory_space<vmem>> -> memref<1x64x128xf32, #tpu.memory_space<vmem>>
        %gather3A_954 = tpu.memref_squeeze %gather3A_953 : memref<1x64x128xf32, #tpu.memory_space<vmem>> -> memref<64x128xf32, #tpu.memory_space<vmem>>
        %gather3A_955 = tpu.vector_load_idx %gather3A_954[%add3A_949, %broadcast_in_dim3A_918] : memref<64x128xf32, #tpu.memory_space<vmem>>[vector<16xi32>, vector<16xi32>], vector<16xf32>,
        tpu.vector_store_idx %arg7[%add3A_949, %broadcast_in_dim3A_919], %gather3A_955 : memref<64x512xf32, #tpu.memory_space<vmem>>[vector<16xi32>, vector<16xi32>], vector<16xf32>,
      } else {
      }
      %slice3A_724 = vector.extract_strided_slice %and3A_470 {offsets = [9], sizes = [1], strides = [1]} : vector<16xi32> to vector<1xi32>
      %squeeze3A_725 = vector.extract %slice3A_724[0] : i32 from vector<1xi32>
      %multiple_of3A_726 = tpu.assume_multiple %squeeze3A_725, 128 : i32
      %dma_start3A_727 = arith.constant 1 : i32
      %dma_start3A_728 = arith.constant 0 : i32
      %dma_start3A_729 = arith.constant 0 : i32
      %dma_start3A_730 = tpu.memref_slice %arg6[%dma_start3A_727, %dma_start3A_728, %dma_start3A_729] : memref<8x64x128xf32, #tpu.memory_space<vmem>> -> memref<1x64x128xf32, #tpu.memory_space<vmem>>
      %dma_start3A_731 = tpu.memref_squeeze %dma_start3A_730 : memref<1x64x128xf32, #tpu.memory_space<vmem>> -> memref<64x128xf32, #tpu.memory_space<vmem>>
      %dma_start3A_732 = arith.constant 0 : i32
      %dma_start3A_733 = tpu.memref_slice %arg3[%dma_start3A_732, %multiple_of3A_726] : memref<64x1000000xf32, #tpu.memory_space<hbm>> -> memref<64x128xf32, #tpu.memory_space<hbm>>
      %dma_start3A_734 = arith.constant 0 : i32
      %dma_start3A_735 = arith.constant 0 : i32
      %dma_start3A_736 = tpu.memref_slice %arg6[%dma_start3A_727, %dma_start3A_734, %dma_start3A_735] : memref<8x64x128xf32, #tpu.memory_space<vmem>> -> memref<1x64x128xf32, #tpu.memory_space<vmem>>
      %dma_start3A_737 = tpu.memref_squeeze %dma_start3A_736 : memref<1x64x128xf32, #tpu.memory_space<vmem>> -> memref<64x128xf32, #tpu.memory_space<vmem>>
      %dma_start3A_738 = arith.constant 0 : i32
      %dma_start3A_739 = tpu.memref_slice %arg3[%dma_start3A_738, %multiple_of3A_726] : memref<64x1000000xf32, #tpu.memory_space<hbm>> -> memref<64x128xf32, #tpu.memory_space<hbm>>
      tpu.enqueue_dma source(%dma_start3A_739 : memref<64x128xf32, #tpu.memory_space<hbm>>) target(%dma_start3A_737 : memref<64x128xf32, #tpu.memory_space<vmem>>) target_semaphore(%arg10 : memref<!tpu.dma_semaphore, #tpu.memory_space<semaphore_mem>>)
      %mul3A_740 = arith.constant 16 : i32
      %mul3A_741 = arith.muli %scan3A_464, %mul3A_740 : i32
      %add3A_742 = arith.constant 10 : i32
      %add3A_743 = arith.addi %mul3A_741, %add3A_742 : i32
      %slice3A_744 = vector.extract_strided_slice %and3A_473 {offsets = [2], sizes = [1], strides = [1]} : vector<16xi32> to vector<1xi32>
      %squeeze3A_745 = vector.extract %slice3A_744[0] : i32 from vector<1xi32>
      %ge3A_746 = arith.constant 8 : i32
      %ge3A_747 = arith.cmpi sge, %add3A_743, %ge3A_746 : i32
      %convert_element_type3A_748 = arith.extui %ge3A_747 : i1 to i32
      %cond3A_749 = arith.constant 0 : i32
      %cond3A_750 = arith.cmpi ne, %convert_element_type3A_748, %cond3A_749 : i32
      scf.if %cond3A_750 {
        %sub3A = arith.constant 8 : i32
        %sub3A_902 = arith.subi %add3A_743, %sub3A : i32
        %dma_wait3A_903 = arith.constant 2 : i32
        %dma_wait3A_904 = arith.constant 0 : i32
        %dma_wait3A_905 = arith.constant 0 : i32
        %dma_wait3A_906 = tpu.memref_slice %arg6[%dma_wait3A_903, %dma_wait3A_904, %dma_wait3A_905] : memref<8x64x128xf32, #tpu.memory_space<vmem>> -> memref<1x64x128xf32, #tpu.memory_space<vmem>>
        %dma_wait3A_907 = tpu.memref_squeeze %dma_wait3A_906 : memref<1x64x128xf32, #tpu.memory_space<vmem>> -> memref<64x128xf32, #tpu.memory_space<vmem>>
        %dma_wait3A_908 = arith.constant 0 : i32
        %dma_wait3A_909 = arith.constant 0 : i32
        %dma_wait3A_910 = tpu.memref_slice %arg3[%dma_wait3A_908, %dma_wait3A_909] : memref<64x1000000xf32, #tpu.memory_space<hbm>> -> memref<64x128xf32, #tpu.memory_space<hbm>>
        %dma_wait3A_911 = arith.constant 0 : i32
        %dma_wait3A_912 = arith.constant 0 : i32
        %dma_wait3A_913 = tpu.memref_slice %arg6[%dma_wait3A_903, %dma_wait3A_911, %dma_wait3A_912] : memref<8x64x128xf32, #tpu.memory_space<vmem>> -> memref<1x64x128xf32, #tpu.memory_space<vmem>>
        %dma_wait3A_914 = tpu.memref_squeeze %dma_wait3A_913 : memref<1x64x128xf32, #tpu.memory_space<vmem>> -> memref<64x128xf32, #tpu.memory_space<vmem>>
        %dma_wait3A_915 = arith.constant 0 : i32
        %dma_wait3A_916 = arith.constant 0 : i32
        %dma_wait3A_917 = tpu.memref_slice %arg3[%dma_wait3A_915, %dma_wait3A_916] : memref<64x1000000xf32, #tpu.memory_space<hbm>> -> memref<64x128xf32, #tpu.memory_space<hbm>>
        tpu.wait_dma2 semaphore(%arg11 : memref<!tpu.dma_semaphore, #tpu.memory_space<semaphore_mem>>) src(%dma_wait3A_917 : memref<64x128xf32, #tpu.memory_space<hbm>>) dst(%dma_wait3A_914 : memref<64x128xf32, #tpu.memory_space<vmem>>)
        %broadcast_in_dim3A_918 = vector.broadcast %squeeze3A_745 : i32 to vector<16xi32>
        %broadcast_in_dim3A_919 = vector.broadcast %sub3A_902 : i32 to vector<16xi32>
        %add3A_920 = arith.constant 0 : i32
        %add3A_921 = vector.broadcast %add3A_920 : i32 to vector<16xi32>
        %add3A_922 = arith.addi %iota3A, %add3A_921 : vector<16xi32>
        %gather3A_923 = arith.constant 2 : i32
        %gather3A_924 = arith.constant 0 : i32
        %gather3A_925 = arith.constant 0 : i32
        %gather3A_926 = tpu.memref_slice %arg6[%gather3A_923, %gather3A_924, %gather3A_925] : memref<8x64x128xf32, #tpu.memory_space<vmem>> -> memref<1x64x128xf32, #tpu.memory_space<vmem>>
        %gather3A_927 = tpu.memref_squeeze %gather3A_926 : memref<1x64x128xf32, #tpu.memory_space<vmem>> -> memref<64x128xf32, #tpu.memory_space<vmem>>
        %gather3A_928 = tpu.vector_load_idx %gather3A_927[%add3A_922, %broadcast_in_dim3A_918] : memref<64x128xf32, #tpu.memory_space<vmem>>[vector<16xi32>, vector<16xi32>], vector<16xf32>,
        tpu.vector_store_idx %arg7[%add3A_922, %broadcast_in_dim3A_919], %gather3A_928 : memref<64x512xf32, #tpu.memory_space<vmem>>[vector<16xi32>, vector<16xi32>], vector<16xf32>,
        %add3A_929 = arith.constant 16 : i32
        %add3A_930 = vector.broadcast %add3A_929 : i32 to vector<16xi32>
        %add3A_931 = arith.addi %iota3A, %add3A_930 : vector<16xi32>
        %gather3A_932 = arith.constant 2 : i32
        %gather3A_933 = arith.constant 0 : i32
        %gather3A_934 = arith.constant 0 : i32
        %gather3A_935 = tpu.memref_slice %arg6[%gather3A_932, %gather3A_933, %gather3A_934] : memref<8x64x128xf32, #tpu.memory_space<vmem>> -> memref<1x64x128xf32, #tpu.memory_space<vmem>>
        %gather3A_936 = tpu.memref_squeeze %gather3A_935 : memref<1x64x128xf32, #tpu.memory_space<vmem>> -> memref<64x128xf32, #tpu.memory_space<vmem>>
        %gather3A_937 = tpu.vector_load_idx %gather3A_936[%add3A_931, %broadcast_in_dim3A_918] : memref<64x128xf32, #tpu.memory_space<vmem>>[vector<16xi32>, vector<16xi32>], vector<16xf32>,
        tpu.vector_store_idx %arg7[%add3A_931, %broadcast_in_dim3A_919], %gather3A_937 : memref<64x512xf32, #tpu.memory_space<vmem>>[vector<16xi32>, vector<16xi32>], vector<16xf32>,
        %add3A_938 = arith.constant 32 : i32
        %add3A_939 = vector.broadcast %add3A_938 : i32 to vector<16xi32>
        %add3A_940 = arith.addi %iota3A, %add3A_939 : vector<16xi32>
        %gather3A_941 = arith.constant 2 : i32
        %gather3A_942 = arith.constant 0 : i32
        %gather3A_943 = arith.constant 0 : i32
        %gather3A_944 = tpu.memref_slice %arg6[%gather3A_941, %gather3A_942, %gather3A_943] : memref<8x64x128xf32, #tpu.memory_space<vmem>> -> memref<1x64x128xf32, #tpu.memory_space<vmem>>
        %gather3A_945 = tpu.memref_squeeze %gather3A_944 : memref<1x64x128xf32, #tpu.memory_space<vmem>> -> memref<64x128xf32, #tpu.memory_space<vmem>>
        %gather3A_946 = tpu.vector_load_idx %gather3A_945[%add3A_940, %broadcast_in_dim3A_918] : memref<64x128xf32, #tpu.memory_space<vmem>>[vector<16xi32>, vector<16xi32>], vector<16xf32>,
        tpu.vector_store_idx %arg7[%add3A_940, %broadcast_in_dim3A_919], %gather3A_946 : memref<64x512xf32, #tpu.memory_space<vmem>>[vector<16xi32>, vector<16xi32>], vector<16xf32>,
        %add3A_947 = arith.constant 48 : i32
        %add3A_948 = vector.broadcast %add3A_947 : i32 to vector<16xi32>
        %add3A_949 = arith.addi %iota3A, %add3A_948 : vector<16xi32>
        %gather3A_950 = arith.constant 2 : i32
        %gather3A_951 = arith.constant 0 : i32
        %gather3A_952 = arith.constant 0 : i32
        %gather3A_953 = tpu.memref_slice %arg6[%gather3A_950, %gather3A_951, %gather3A_952] : memref<8x64x128xf32, #tpu.memory_space<vmem>> -> memref<1x64x128xf32, #tpu.memory_space<vmem>>
        %gather3A_954 = tpu.memref_squeeze %gather3A_953 : memref<1x64x128xf32, #tpu.memory_space<vmem>> -> memref<64x128xf32, #tpu.memory_space<vmem>>
        %gather3A_955 = tpu.vector_load_idx %gather3A_954[%add3A_949, %broadcast_in_dim3A_918] : memref<64x128xf32, #tpu.memory_space<vmem>>[vector<16xi32>, vector<16xi32>], vector<16xf32>,
        tpu.vector_store_idx %arg7[%add3A_949, %broadcast_in_dim3A_919], %gather3A_955 : memref<64x512xf32, #tpu.memory_space<vmem>>[vector<16xi32>, vector<16xi32>], vector<16xf32>,
      } else {
      }
      %slice3A_751 = vector.extract_strided_slice %and3A_470 {offsets = [10], sizes = [1], strides = [1]} : vector<16xi32> to vector<1xi32>
      %squeeze3A_752 = vector.extract %slice3A_751[0] : i32 from vector<1xi32>
      %multiple_of3A_753 = tpu.assume_multiple %squeeze3A_752, 128 : i32
      %dma_start3A_754 = arith.constant 2 : i32
      %dma_start3A_755 = arith.constant 0 : i32
      %dma_start3A_756 = arith.constant 0 : i32
      %dma_start3A_757 = tpu.memref_slice %arg6[%dma_start3A_754, %dma_start3A_755, %dma_start3A_756] : memref<8x64x128xf32, #tpu.memory_space<vmem>> -> memref<1x64x128xf32, #tpu.memory_space<vmem>>
      %dma_start3A_758 = tpu.memref_squeeze %dma_start3A_757 : memref<1x64x128xf32, #tpu.memory_space<vmem>> -> memref<64x128xf32, #tpu.memory_space<vmem>>
      %dma_start3A_759 = arith.constant 0 : i32
      %dma_start3A_760 = tpu.memref_slice %arg3[%dma_start3A_759, %multiple_of3A_753] : memref<64x1000000xf32, #tpu.memory_space<hbm>> -> memref<64x128xf32, #tpu.memory_space<hbm>>
      %dma_start3A_761 = arith.constant 0 : i32
      %dma_start3A_762 = arith.constant 0 : i32
      %dma_start3A_763 = tpu.memref_slice %arg6[%dma_start3A_754, %dma_start3A_761, %dma_start3A_762] : memref<8x64x128xf32, #tpu.memory_space<vmem>> -> memref<1x64x128xf32, #tpu.memory_space<vmem>>
      %dma_start3A_764 = tpu.memref_squeeze %dma_start3A_763 : memref<1x64x128xf32, #tpu.memory_space<vmem>> -> memref<64x128xf32, #tpu.memory_space<vmem>>
      %dma_start3A_765 = arith.constant 0 : i32
      %dma_start3A_766 = tpu.memref_slice %arg3[%dma_start3A_765, %multiple_of3A_753] : memref<64x1000000xf32, #tpu.memory_space<hbm>> -> memref<64x128xf32, #tpu.memory_space<hbm>>
      tpu.enqueue_dma source(%dma_start3A_766 : memref<64x128xf32, #tpu.memory_space<hbm>>) target(%dma_start3A_764 : memref<64x128xf32, #tpu.memory_space<vmem>>) target_semaphore(%arg11 : memref<!tpu.dma_semaphore, #tpu.memory_space<semaphore_mem>>)
      %mul3A_767 = arith.constant 16 : i32
      %mul3A_768 = arith.muli %scan3A_464, %mul3A_767 : i32
      %add3A_769 = arith.constant 11 : i32
      %add3A_770 = arith.addi %mul3A_768, %add3A_769 : i32
      %slice3A_771 = vector.extract_strided_slice %and3A_473 {offsets = [3], sizes = [1], strides = [1]} : vector<16xi32> to vector<1xi32>
      %squeeze3A_772 = vector.extract %slice3A_771[0] : i32 from vector<1xi32>
      %ge3A_773 = arith.constant 8 : i32
      %ge3A_774 = arith.cmpi sge, %add3A_770, %ge3A_773 : i32
      %convert_element_type3A_775 = arith.extui %ge3A_774 : i1 to i32
      %cond3A_776 = arith.constant 0 : i32
      %cond3A_777 = arith.cmpi ne, %convert_element_type3A_775, %cond3A_776 : i32
      scf.if %cond3A_777 {
        %sub3A = arith.constant 8 : i32
        %sub3A_902 = arith.subi %add3A_770, %sub3A : i32
        %dma_wait3A_903 = arith.constant 3 : i32
        %dma_wait3A_904 = arith.constant 0 : i32
        %dma_wait3A_905 = arith.constant 0 : i32
        %dma_wait3A_906 = tpu.memref_slice %arg6[%dma_wait3A_903, %dma_wait3A_904, %dma_wait3A_905] : memref<8x64x128xf32, #tpu.memory_space<vmem>> -> memref<1x64x128xf32, #tpu.memory_space<vmem>>
        %dma_wait3A_907 = tpu.memref_squeeze %dma_wait3A_906 : memref<1x64x128xf32, #tpu.memory_space<vmem>> -> memref<64x128xf32, #tpu.memory_space<vmem>>
        %dma_wait3A_908 = arith.constant 0 : i32
        %dma_wait3A_909 = arith.constant 0 : i32
        %dma_wait3A_910 = tpu.memref_slice %arg3[%dma_wait3A_908, %dma_wait3A_909] : memref<64x1000000xf32, #tpu.memory_space<hbm>> -> memref<64x128xf32, #tpu.memory_space<hbm>>
        %dma_wait3A_911 = arith.constant 0 : i32
        %dma_wait3A_912 = arith.constant 0 : i32
        %dma_wait3A_913 = tpu.memref_slice %arg6[%dma_wait3A_903, %dma_wait3A_911, %dma_wait3A_912] : memref<8x64x128xf32, #tpu.memory_space<vmem>> -> memref<1x64x128xf32, #tpu.memory_space<vmem>>
        %dma_wait3A_914 = tpu.memref_squeeze %dma_wait3A_913 : memref<1x64x128xf32, #tpu.memory_space<vmem>> -> memref<64x128xf32, #tpu.memory_space<vmem>>
        %dma_wait3A_915 = arith.constant 0 : i32
        %dma_wait3A_916 = arith.constant 0 : i32
        %dma_wait3A_917 = tpu.memref_slice %arg3[%dma_wait3A_915, %dma_wait3A_916] : memref<64x1000000xf32, #tpu.memory_space<hbm>> -> memref<64x128xf32, #tpu.memory_space<hbm>>
        tpu.wait_dma2 semaphore(%arg12 : memref<!tpu.dma_semaphore, #tpu.memory_space<semaphore_mem>>) src(%dma_wait3A_917 : memref<64x128xf32, #tpu.memory_space<hbm>>) dst(%dma_wait3A_914 : memref<64x128xf32, #tpu.memory_space<vmem>>)
        %broadcast_in_dim3A_918 = vector.broadcast %squeeze3A_772 : i32 to vector<16xi32>
        %broadcast_in_dim3A_919 = vector.broadcast %sub3A_902 : i32 to vector<16xi32>
        %add3A_920 = arith.constant 0 : i32
        %add3A_921 = vector.broadcast %add3A_920 : i32 to vector<16xi32>
        %add3A_922 = arith.addi %iota3A, %add3A_921 : vector<16xi32>
        %gather3A_923 = arith.constant 3 : i32
        %gather3A_924 = arith.constant 0 : i32
        %gather3A_925 = arith.constant 0 : i32
        %gather3A_926 = tpu.memref_slice %arg6[%gather3A_923, %gather3A_924, %gather3A_925] : memref<8x64x128xf32, #tpu.memory_space<vmem>> -> memref<1x64x128xf32, #tpu.memory_space<vmem>>
        %gather3A_927 = tpu.memref_squeeze %gather3A_926 : memref<1x64x128xf32, #tpu.memory_space<vmem>> -> memref<64x128xf32, #tpu.memory_space<vmem>>
        %gather3A_928 = tpu.vector_load_idx %gather3A_927[%add3A_922, %broadcast_in_dim3A_918] : memref<64x128xf32, #tpu.memory_space<vmem>>[vector<16xi32>, vector<16xi32>], vector<16xf32>,
        tpu.vector_store_idx %arg7[%add3A_922, %broadcast_in_dim3A_919], %gather3A_928 : memref<64x512xf32, #tpu.memory_space<vmem>>[vector<16xi32>, vector<16xi32>], vector<16xf32>,
        %add3A_929 = arith.constant 16 : i32
        %add3A_930 = vector.broadcast %add3A_929 : i32 to vector<16xi32>
        %add3A_931 = arith.addi %iota3A, %add3A_930 : vector<16xi32>
        %gather3A_932 = arith.constant 3 : i32
        %gather3A_933 = arith.constant 0 : i32
        %gather3A_934 = arith.constant 0 : i32
        %gather3A_935 = tpu.memref_slice %arg6[%gather3A_932, %gather3A_933, %gather3A_934] : memref<8x64x128xf32, #tpu.memory_space<vmem>> -> memref<1x64x128xf32, #tpu.memory_space<vmem>>
        %gather3A_936 = tpu.memref_squeeze %gather3A_935 : memref<1x64x128xf32, #tpu.memory_space<vmem>> -> memref<64x128xf32, #tpu.memory_space<vmem>>
        %gather3A_937 = tpu.vector_load_idx %gather3A_936[%add3A_931, %broadcast_in_dim3A_918] : memref<64x128xf32, #tpu.memory_space<vmem>>[vector<16xi32>, vector<16xi32>], vector<16xf32>,
        tpu.vector_store_idx %arg7[%add3A_931, %broadcast_in_dim3A_919], %gather3A_937 : memref<64x512xf32, #tpu.memory_space<vmem>>[vector<16xi32>, vector<16xi32>], vector<16xf32>,
        %add3A_938 = arith.constant 32 : i32
        %add3A_939 = vector.broadcast %add3A_938 : i32 to vector<16xi32>
        %add3A_940 = arith.addi %iota3A, %add3A_939 : vector<16xi32>
        %gather3A_941 = arith.constant 3 : i32
        %gather3A_942 = arith.constant 0 : i32
        %gather3A_943 = arith.constant 0 : i32
        %gather3A_944 = tpu.memref_slice %arg6[%gather3A_941, %gather3A_942, %gather3A_943] : memref<8x64x128xf32, #tpu.memory_space<vmem>> -> memref<1x64x128xf32, #tpu.memory_space<vmem>>
        %gather3A_945 = tpu.memref_squeeze %gather3A_944 : memref<1x64x128xf32, #tpu.memory_space<vmem>> -> memref<64x128xf32, #tpu.memory_space<vmem>>
        %gather3A_946 = tpu.vector_load_idx %gather3A_945[%add3A_940, %broadcast_in_dim3A_918] : memref<64x128xf32, #tpu.memory_space<vmem>>[vector<16xi32>, vector<16xi32>], vector<16xf32>,
        tpu.vector_store_idx %arg7[%add3A_940, %broadcast_in_dim3A_919], %gather3A_946 : memref<64x512xf32, #tpu.memory_space<vmem>>[vector<16xi32>, vector<16xi32>], vector<16xf32>,
        %add3A_947 = arith.constant 48 : i32
        %add3A_948 = vector.broadcast %add3A_947 : i32 to vector<16xi32>
        %add3A_949 = arith.addi %iota3A, %add3A_948 : vector<16xi32>
        %gather3A_950 = arith.constant 3 : i32
        %gather3A_951 = arith.constant 0 : i32
        %gather3A_952 = arith.constant 0 : i32
        %gather3A_953 = tpu.memref_slice %arg6[%gather3A_950, %gather3A_951, %gather3A_952] : memref<8x64x128xf32, #tpu.memory_space<vmem>> -> memref<1x64x128xf32, #tpu.memory_space<vmem>>
        %gather3A_954 = tpu.memref_squeeze %gather3A_953 : memref<1x64x128xf32, #tpu.memory_space<vmem>> -> memref<64x128xf32, #tpu.memory_space<vmem>>
        %gather3A_955 = tpu.vector_load_idx %gather3A_954[%add3A_949, %broadcast_in_dim3A_918] : memref<64x128xf32, #tpu.memory_space<vmem>>[vector<16xi32>, vector<16xi32>], vector<16xf32>,
        tpu.vector_store_idx %arg7[%add3A_949, %broadcast_in_dim3A_919], %gather3A_955 : memref<64x512xf32, #tpu.memory_space<vmem>>[vector<16xi32>, vector<16xi32>], vector<16xf32>,
      } else {
      }
      %slice3A_778 = vector.extract_strided_slice %and3A_470 {offsets = [11], sizes = [1], strides = [1]} : vector<16xi32> to vector<1xi32>
      %squeeze3A_779 = vector.extract %slice3A_778[0] : i32 from vector<1xi32>
      %multiple_of3A_780 = tpu.assume_multiple %squeeze3A_779, 128 : i32
      %dma_start3A_781 = arith.constant 3 : i32
      %dma_start3A_782 = arith.constant 0 : i32
      %dma_start3A_783 = arith.constant 0 : i32
      %dma_start3A_784 = tpu.memref_slice %arg6[%dma_start3A_781, %dma_start3A_782, %dma_start3A_783] : memref<8x64x128xf32, #tpu.memory_space<vmem>> -> memref<1x64x128xf32, #tpu.memory_space<vmem>>
      %dma_start3A_785 = tpu.memref_squeeze %dma_start3A_784 : memref<1x64x128xf32, #tpu.memory_space<vmem>> -> memref<64x128xf32, #tpu.memory_space<vmem>>
      %dma_start3A_786 = arith.constant 0 : i32
      %dma_start3A_787 = tpu.memref_slice %arg3[%dma_start3A_786, %multiple_of3A_780] : memref<64x1000000xf32, #tpu.memory_space<hbm>> -> memref<64x128xf32, #tpu.memory_space<hbm>>
      %dma_start3A_788 = arith.constant 0 : i32
      %dma_start3A_789 = arith.constant 0 : i32
      %dma_start3A_790 = tpu.memref_slice %arg6[%dma_start3A_781, %dma_start3A_788, %dma_start3A_789] : memref<8x64x128xf32, #tpu.memory_space<vmem>> -> memref<1x64x128xf32, #tpu.memory_space<vmem>>
      %dma_start3A_791 = tpu.memref_squeeze %dma_start3A_790 : memref<1x64x128xf32, #tpu.memory_space<vmem>> -> memref<64x128xf32, #tpu.memory_space<vmem>>
      %dma_start3A_792 = arith.constant 0 : i32
      %dma_start3A_793 = tpu.memref_slice %arg3[%dma_start3A_792, %multiple_of3A_780] : memref<64x1000000xf32, #tpu.memory_space<hbm>> -> memref<64x128xf32, #tpu.memory_space<hbm>>
      tpu.enqueue_dma source(%dma_start3A_793 : memref<64x128xf32, #tpu.memory_space<hbm>>) target(%dma_start3A_791 : memref<64x128xf32, #tpu.memory_space<vmem>>) target_semaphore(%arg12 : memref<!tpu.dma_semaphore, #tpu.memory_space<semaphore_mem>>)
      %mul3A_794 = arith.constant 16 : i32
      %mul3A_795 = arith.muli %scan3A_464, %mul3A_794 : i32
      %add3A_796 = arith.constant 12 : i32
      %add3A_797 = arith.addi %mul3A_795, %add3A_796 : i32
      %slice3A_798 = vector.extract_strided_slice %and3A_473 {offsets = [4], sizes = [1], strides = [1]} : vector<16xi32> to vector<1xi32>
      %squeeze3A_799 = vector.extract %slice3A_798[0] : i32 from vector<1xi32>
      %ge3A_800 = arith.constant 8 : i32
      %ge3A_801 = arith.cmpi sge, %add3A_797, %ge3A_800 : i32
      %convert_element_type3A_802 = arith.extui %ge3A_801 : i1 to i32
      %cond3A_803 = arith.constant 0 : i32
      %cond3A_804 = arith.cmpi ne, %convert_element_type3A_802, %cond3A_803 : i32
      scf.if %cond3A_804 {
        %sub3A = arith.constant 8 : i32
        %sub3A_902 = arith.subi %add3A_797, %sub3A : i32
        %dma_wait3A_903 = arith.constant 4 : i32
        %dma_wait3A_904 = arith.constant 0 : i32
        %dma_wait3A_905 = arith.constant 0 : i32
        %dma_wait3A_906 = tpu.memref_slice %arg6[%dma_wait3A_903, %dma_wait3A_904, %dma_wait3A_905] : memref<8x64x128xf32, #tpu.memory_space<vmem>> -> memref<1x64x128xf32, #tpu.memory_space<vmem>>
        %dma_wait3A_907 = tpu.memref_squeeze %dma_wait3A_906 : memref<1x64x128xf32, #tpu.memory_space<vmem>> -> memref<64x128xf32, #tpu.memory_space<vmem>>
        %dma_wait3A_908 = arith.constant 0 : i32
        %dma_wait3A_909 = arith.constant 0 : i32
        %dma_wait3A_910 = tpu.memref_slice %arg3[%dma_wait3A_908, %dma_wait3A_909] : memref<64x1000000xf32, #tpu.memory_space<hbm>> -> memref<64x128xf32, #tpu.memory_space<hbm>>
        %dma_wait3A_911 = arith.constant 0 : i32
        %dma_wait3A_912 = arith.constant 0 : i32
        %dma_wait3A_913 = tpu.memref_slice %arg6[%dma_wait3A_903, %dma_wait3A_911, %dma_wait3A_912] : memref<8x64x128xf32, #tpu.memory_space<vmem>> -> memref<1x64x128xf32, #tpu.memory_space<vmem>>
        %dma_wait3A_914 = tpu.memref_squeeze %dma_wait3A_913 : memref<1x64x128xf32, #tpu.memory_space<vmem>> -> memref<64x128xf32, #tpu.memory_space<vmem>>
        %dma_wait3A_915 = arith.constant 0 : i32
        %dma_wait3A_916 = arith.constant 0 : i32
        %dma_wait3A_917 = tpu.memref_slice %arg3[%dma_wait3A_915, %dma_wait3A_916] : memref<64x1000000xf32, #tpu.memory_space<hbm>> -> memref<64x128xf32, #tpu.memory_space<hbm>>
        tpu.wait_dma2 semaphore(%arg13 : memref<!tpu.dma_semaphore, #tpu.memory_space<semaphore_mem>>) src(%dma_wait3A_917 : memref<64x128xf32, #tpu.memory_space<hbm>>) dst(%dma_wait3A_914 : memref<64x128xf32, #tpu.memory_space<vmem>>)
        %broadcast_in_dim3A_918 = vector.broadcast %squeeze3A_799 : i32 to vector<16xi32>
        %broadcast_in_dim3A_919 = vector.broadcast %sub3A_902 : i32 to vector<16xi32>
        %add3A_920 = arith.constant 0 : i32
        %add3A_921 = vector.broadcast %add3A_920 : i32 to vector<16xi32>
        %add3A_922 = arith.addi %iota3A, %add3A_921 : vector<16xi32>
        %gather3A_923 = arith.constant 4 : i32
        %gather3A_924 = arith.constant 0 : i32
        %gather3A_925 = arith.constant 0 : i32
        %gather3A_926 = tpu.memref_slice %arg6[%gather3A_923, %gather3A_924, %gather3A_925] : memref<8x64x128xf32, #tpu.memory_space<vmem>> -> memref<1x64x128xf32, #tpu.memory_space<vmem>>
        %gather3A_927 = tpu.memref_squeeze %gather3A_926 : memref<1x64x128xf32, #tpu.memory_space<vmem>> -> memref<64x128xf32, #tpu.memory_space<vmem>>
        %gather3A_928 = tpu.vector_load_idx %gather3A_927[%add3A_922, %broadcast_in_dim3A_918] : memref<64x128xf32, #tpu.memory_space<vmem>>[vector<16xi32>, vector<16xi32>], vector<16xf32>,
        tpu.vector_store_idx %arg7[%add3A_922, %broadcast_in_dim3A_919], %gather3A_928 : memref<64x512xf32, #tpu.memory_space<vmem>>[vector<16xi32>, vector<16xi32>], vector<16xf32>,
        %add3A_929 = arith.constant 16 : i32
        %add3A_930 = vector.broadcast %add3A_929 : i32 to vector<16xi32>
        %add3A_931 = arith.addi %iota3A, %add3A_930 : vector<16xi32>
        %gather3A_932 = arith.constant 4 : i32
        %gather3A_933 = arith.constant 0 : i32
        %gather3A_934 = arith.constant 0 : i32
        %gather3A_935 = tpu.memref_slice %arg6[%gather3A_932, %gather3A_933, %gather3A_934] : memref<8x64x128xf32, #tpu.memory_space<vmem>> -> memref<1x64x128xf32, #tpu.memory_space<vmem>>
        %gather3A_936 = tpu.memref_squeeze %gather3A_935 : memref<1x64x128xf32, #tpu.memory_space<vmem>> -> memref<64x128xf32, #tpu.memory_space<vmem>>
        %gather3A_937 = tpu.vector_load_idx %gather3A_936[%add3A_931, %broadcast_in_dim3A_918] : memref<64x128xf32, #tpu.memory_space<vmem>>[vector<16xi32>, vector<16xi32>], vector<16xf32>,
        tpu.vector_store_idx %arg7[%add3A_931, %broadcast_in_dim3A_919], %gather3A_937 : memref<64x512xf32, #tpu.memory_space<vmem>>[vector<16xi32>, vector<16xi32>], vector<16xf32>,
        %add3A_938 = arith.constant 32 : i32
        %add3A_939 = vector.broadcast %add3A_938 : i32 to vector<16xi32>
        %add3A_940 = arith.addi %iota3A, %add3A_939 : vector<16xi32>
        %gather3A_941 = arith.constant 4 : i32
        %gather3A_942 = arith.constant 0 : i32
        %gather3A_943 = arith.constant 0 : i32
        %gather3A_944 = tpu.memref_slice %arg6[%gather3A_941, %gather3A_942, %gather3A_943] : memref<8x64x128xf32, #tpu.memory_space<vmem>> -> memref<1x64x128xf32, #tpu.memory_space<vmem>>
        %gather3A_945 = tpu.memref_squeeze %gather3A_944 : memref<1x64x128xf32, #tpu.memory_space<vmem>> -> memref<64x128xf32, #tpu.memory_space<vmem>>
        %gather3A_946 = tpu.vector_load_idx %gather3A_945[%add3A_940, %broadcast_in_dim3A_918] : memref<64x128xf32, #tpu.memory_space<vmem>>[vector<16xi32>, vector<16xi32>], vector<16xf32>,
        tpu.vector_store_idx %arg7[%add3A_940, %broadcast_in_dim3A_919], %gather3A_946 : memref<64x512xf32, #tpu.memory_space<vmem>>[vector<16xi32>, vector<16xi32>], vector<16xf32>,
        %add3A_947 = arith.constant 48 : i32
        %add3A_948 = vector.broadcast %add3A_947 : i32 to vector<16xi32>
        %add3A_949 = arith.addi %iota3A, %add3A_948 : vector<16xi32>
        %gather3A_950 = arith.constant 4 : i32
        %gather3A_951 = arith.constant 0 : i32
        %gather3A_952 = arith.constant 0 : i32
        %gather3A_953 = tpu.memref_slice %arg6[%gather3A_950, %gather3A_951, %gather3A_952] : memref<8x64x128xf32, #tpu.memory_space<vmem>> -> memref<1x64x128xf32, #tpu.memory_space<vmem>>
        %gather3A_954 = tpu.memref_squeeze %gather3A_953 : memref<1x64x128xf32, #tpu.memory_space<vmem>> -> memref<64x128xf32, #tpu.memory_space<vmem>>
        %gather3A_955 = tpu.vector_load_idx %gather3A_954[%add3A_949, %broadcast_in_dim3A_918] : memref<64x128xf32, #tpu.memory_space<vmem>>[vector<16xi32>, vector<16xi32>], vector<16xf32>,
        tpu.vector_store_idx %arg7[%add3A_949, %broadcast_in_dim3A_919], %gather3A_955 : memref<64x512xf32, #tpu.memory_space<vmem>>[vector<16xi32>, vector<16xi32>], vector<16xf32>,
      } else {
      }
      %slice3A_805 = vector.extract_strided_slice %and3A_470 {offsets = [12], sizes = [1], strides = [1]} : vector<16xi32> to vector<1xi32>
      %squeeze3A_806 = vector.extract %slice3A_805[0] : i32 from vector<1xi32>
      %multiple_of3A_807 = tpu.assume_multiple %squeeze3A_806, 128 : i32
      %dma_start3A_808 = arith.constant 4 : i32
      %dma_start3A_809 = arith.constant 0 : i32
      %dma_start3A_810 = arith.constant 0 : i32
      %dma_start3A_811 = tpu.memref_slice %arg6[%dma_start3A_808, %dma_start3A_809, %dma_start3A_810] : memref<8x64x128xf32, #tpu.memory_space<vmem>> -> memref<1x64x128xf32, #tpu.memory_space<vmem>>
      %dma_start3A_812 = tpu.memref_squeeze %dma_start3A_811 : memref<1x64x128xf32, #tpu.memory_space<vmem>> -> memref<64x128xf32, #tpu.memory_space<vmem>>
      %dma_start3A_813 = arith.constant 0 : i32
      %dma_start3A_814 = tpu.memref_slice %arg3[%dma_start3A_813, %multiple_of3A_807] : memref<64x1000000xf32, #tpu.memory_space<hbm>> -> memref<64x128xf32, #tpu.memory_space<hbm>>
      %dma_start3A_815 = arith.constant 0 : i32
      %dma_start3A_816 = arith.constant 0 : i32
      %dma_start3A_817 = tpu.memref_slice %arg6[%dma_start3A_808, %dma_start3A_815, %dma_start3A_816] : memref<8x64x128xf32, #tpu.memory_space<vmem>> -> memref<1x64x128xf32, #tpu.memory_space<vmem>>
      %dma_start3A_818 = tpu.memref_squeeze %dma_start3A_817 : memref<1x64x128xf32, #tpu.memory_space<vmem>> -> memref<64x128xf32, #tpu.memory_space<vmem>>
      %dma_start3A_819 = arith.constant 0 : i32
      %dma_start3A_820 = tpu.memref_slice %arg3[%dma_start3A_819, %multiple_of3A_807] : memref<64x1000000xf32, #tpu.memory_space<hbm>> -> memref<64x128xf32, #tpu.memory_space<hbm>>
      tpu.enqueue_dma source(%dma_start3A_820 : memref<64x128xf32, #tpu.memory_space<hbm>>) target(%dma_start3A_818 : memref<64x128xf32, #tpu.memory_space<vmem>>) target_semaphore(%arg13 : memref<!tpu.dma_semaphore, #tpu.memory_space<semaphore_mem>>)
      %mul3A_821 = arith.constant 16 : i32
      %mul3A_822 = arith.muli %scan3A_464, %mul3A_821 : i32
      %add3A_823 = arith.constant 13 : i32
      %add3A_824 = arith.addi %mul3A_822, %add3A_823 : i32
      %slice3A_825 = vector.extract_strided_slice %and3A_473 {offsets = [5], sizes = [1], strides = [1]} : vector<16xi32> to vector<1xi32>
      %squeeze3A_826 = vector.extract %slice3A_825[0] : i32 from vector<1xi32>
      %ge3A_827 = arith.constant 8 : i32
      %ge3A_828 = arith.cmpi sge, %add3A_824, %ge3A_827 : i32
      %convert_element_type3A_829 = arith.extui %ge3A_828 : i1 to i32
      %cond3A_830 = arith.constant 0 : i32
      %cond3A_831 = arith.cmpi ne, %convert_element_type3A_829, %cond3A_830 : i32
      scf.if %cond3A_831 {
        %sub3A = arith.constant 8 : i32
        %sub3A_902 = arith.subi %add3A_824, %sub3A : i32
        %dma_wait3A_903 = arith.constant 5 : i32
        %dma_wait3A_904 = arith.constant 0 : i32
        %dma_wait3A_905 = arith.constant 0 : i32
        %dma_wait3A_906 = tpu.memref_slice %arg6[%dma_wait3A_903, %dma_wait3A_904, %dma_wait3A_905] : memref<8x64x128xf32, #tpu.memory_space<vmem>> -> memref<1x64x128xf32, #tpu.memory_space<vmem>>
        %dma_wait3A_907 = tpu.memref_squeeze %dma_wait3A_906 : memref<1x64x128xf32, #tpu.memory_space<vmem>> -> memref<64x128xf32, #tpu.memory_space<vmem>>
        %dma_wait3A_908 = arith.constant 0 : i32
        %dma_wait3A_909 = arith.constant 0 : i32
        %dma_wait3A_910 = tpu.memref_slice %arg3[%dma_wait3A_908, %dma_wait3A_909] : memref<64x1000000xf32, #tpu.memory_space<hbm>> -> memref<64x128xf32, #tpu.memory_space<hbm>>
        %dma_wait3A_911 = arith.constant 0 : i32
        %dma_wait3A_912 = arith.constant 0 : i32
        %dma_wait3A_913 = tpu.memref_slice %arg6[%dma_wait3A_903, %dma_wait3A_911, %dma_wait3A_912] : memref<8x64x128xf32, #tpu.memory_space<vmem>> -> memref<1x64x128xf32, #tpu.memory_space<vmem>>
        %dma_wait3A_914 = tpu.memref_squeeze %dma_wait3A_913 : memref<1x64x128xf32, #tpu.memory_space<vmem>> -> memref<64x128xf32, #tpu.memory_space<vmem>>
        %dma_wait3A_915 = arith.constant 0 : i32
        %dma_wait3A_916 = arith.constant 0 : i32
        %dma_wait3A_917 = tpu.memref_slice %arg3[%dma_wait3A_915, %dma_wait3A_916] : memref<64x1000000xf32, #tpu.memory_space<hbm>> -> memref<64x128xf32, #tpu.memory_space<hbm>>
        tpu.wait_dma2 semaphore(%arg14 : memref<!tpu.dma_semaphore, #tpu.memory_space<semaphore_mem>>) src(%dma_wait3A_917 : memref<64x128xf32, #tpu.memory_space<hbm>>) dst(%dma_wait3A_914 : memref<64x128xf32, #tpu.memory_space<vmem>>)
        %broadcast_in_dim3A_918 = vector.broadcast %squeeze3A_826 : i32 to vector<16xi32>
        %broadcast_in_dim3A_919 = vector.broadcast %sub3A_902 : i32 to vector<16xi32>
        %add3A_920 = arith.constant 0 : i32
        %add3A_921 = vector.broadcast %add3A_920 : i32 to vector<16xi32>
        %add3A_922 = arith.addi %iota3A, %add3A_921 : vector<16xi32>
        %gather3A_923 = arith.constant 5 : i32
        %gather3A_924 = arith.constant 0 : i32
        %gather3A_925 = arith.constant 0 : i32
        %gather3A_926 = tpu.memref_slice %arg6[%gather3A_923, %gather3A_924, %gather3A_925] : memref<8x64x128xf32, #tpu.memory_space<vmem>> -> memref<1x64x128xf32, #tpu.memory_space<vmem>>
        %gather3A_927 = tpu.memref_squeeze %gather3A_926 : memref<1x64x128xf32, #tpu.memory_space<vmem>> -> memref<64x128xf32, #tpu.memory_space<vmem>>
        %gather3A_928 = tpu.vector_load_idx %gather3A_927[%add3A_922, %broadcast_in_dim3A_918] : memref<64x128xf32, #tpu.memory_space<vmem>>[vector<16xi32>, vector<16xi32>], vector<16xf32>,
        tpu.vector_store_idx %arg7[%add3A_922, %broadcast_in_dim3A_919], %gather3A_928 : memref<64x512xf32, #tpu.memory_space<vmem>>[vector<16xi32>, vector<16xi32>], vector<16xf32>,
        %add3A_929 = arith.constant 16 : i32
        %add3A_930 = vector.broadcast %add3A_929 : i32 to vector<16xi32>
        %add3A_931 = arith.addi %iota3A, %add3A_930 : vector<16xi32>
        %gather3A_932 = arith.constant 5 : i32
        %gather3A_933 = arith.constant 0 : i32
        %gather3A_934 = arith.constant 0 : i32
        %gather3A_935 = tpu.memref_slice %arg6[%gather3A_932, %gather3A_933, %gather3A_934] : memref<8x64x128xf32, #tpu.memory_space<vmem>> -> memref<1x64x128xf32, #tpu.memory_space<vmem>>
        %gather3A_936 = tpu.memref_squeeze %gather3A_935 : memref<1x64x128xf32, #tpu.memory_space<vmem>> -> memref<64x128xf32, #tpu.memory_space<vmem>>
        %gather3A_937 = tpu.vector_load_idx %gather3A_936[%add3A_931, %broadcast_in_dim3A_918] : memref<64x128xf32, #tpu.memory_space<vmem>>[vector<16xi32>, vector<16xi32>], vector<16xf32>,
        tpu.vector_store_idx %arg7[%add3A_931, %broadcast_in_dim3A_919], %gather3A_937 : memref<64x512xf32, #tpu.memory_space<vmem>>[vector<16xi32>, vector<16xi32>], vector<16xf32>,
        %add3A_938 = arith.constant 32 : i32
        %add3A_939 = vector.broadcast %add3A_938 : i32 to vector<16xi32>
        %add3A_940 = arith.addi %iota3A, %add3A_939 : vector<16xi32>
        %gather3A_941 = arith.constant 5 : i32
        %gather3A_942 = arith.constant 0 : i32
        %gather3A_943 = arith.constant 0 : i32
        %gather3A_944 = tpu.memref_slice %arg6[%gather3A_941, %gather3A_942, %gather3A_943] : memref<8x64x128xf32, #tpu.memory_space<vmem>> -> memref<1x64x128xf32, #tpu.memory_space<vmem>>
        %gather3A_945 = tpu.memref_squeeze %gather3A_944 : memref<1x64x128xf32, #tpu.memory_space<vmem>> -> memref<64x128xf32, #tpu.memory_space<vmem>>
        %gather3A_946 = tpu.vector_load_idx %gather3A_945[%add3A_940, %broadcast_in_dim3A_918] : memref<64x128xf32, #tpu.memory_space<vmem>>[vector<16xi32>, vector<16xi32>], vector<16xf32>,
        tpu.vector_store_idx %arg7[%add3A_940, %broadcast_in_dim3A_919], %gather3A_946 : memref<64x512xf32, #tpu.memory_space<vmem>>[vector<16xi32>, vector<16xi32>], vector<16xf32>,
        %add3A_947 = arith.constant 48 : i32
        %add3A_948 = vector.broadcast %add3A_947 : i32 to vector<16xi32>
        %add3A_949 = arith.addi %iota3A, %add3A_948 : vector<16xi32>
        %gather3A_950 = arith.constant 5 : i32
        %gather3A_951 = arith.constant 0 : i32
        %gather3A_952 = arith.constant 0 : i32
        %gather3A_953 = tpu.memref_slice %arg6[%gather3A_950, %gather3A_951, %gather3A_952] : memref<8x64x128xf32, #tpu.memory_space<vmem>> -> memref<1x64x128xf32, #tpu.memory_space<vmem>>
        %gather3A_954 = tpu.memref_squeeze %gather3A_953 : memref<1x64x128xf32, #tpu.memory_space<vmem>> -> memref<64x128xf32, #tpu.memory_space<vmem>>
        %gather3A_955 = tpu.vector_load_idx %gather3A_954[%add3A_949, %broadcast_in_dim3A_918] : memref<64x128xf32, #tpu.memory_space<vmem>>[vector<16xi32>, vector<16xi32>], vector<16xf32>,
        tpu.vector_store_idx %arg7[%add3A_949, %broadcast_in_dim3A_919], %gather3A_955 : memref<64x512xf32, #tpu.memory_space<vmem>>[vector<16xi32>, vector<16xi32>], vector<16xf32>,
      } else {
      }
      %slice3A_832 = vector.extract_strided_slice %and3A_470 {offsets = [13], sizes = [1], strides = [1]} : vector<16xi32> to vector<1xi32>
      %squeeze3A_833 = vector.extract %slice3A_832[0] : i32 from vector<1xi32>
      %multiple_of3A_834 = tpu.assume_multiple %squeeze3A_833, 128 : i32
      %dma_start3A_835 = arith.constant 5 : i32
      %dma_start3A_836 = arith.constant 0 : i32
      %dma_start3A_837 = arith.constant 0 : i32
      %dma_start3A_838 = tpu.memref_slice %arg6[%dma_start3A_835, %dma_start3A_836, %dma_start3A_837] : memref<8x64x128xf32, #tpu.memory_space<vmem>> -> memref<1x64x128xf32, #tpu.memory_space<vmem>>
      %dma_start3A_839 = tpu.memref_squeeze %dma_start3A_838 : memref<1x64x128xf32, #tpu.memory_space<vmem>> -> memref<64x128xf32, #tpu.memory_space<vmem>>
      %dma_start3A_840 = arith.constant 0 : i32
      %dma_start3A_841 = tpu.memref_slice %arg3[%dma_start3A_840, %multiple_of3A_834] : memref<64x1000000xf32, #tpu.memory_space<hbm>> -> memref<64x128xf32, #tpu.memory_space<hbm>>
      %dma_start3A_842 = arith.constant 0 : i32
      %dma_start3A_843 = arith.constant 0 : i32
      %dma_start3A_844 = tpu.memref_slice %arg6[%dma_start3A_835, %dma_start3A_842, %dma_start3A_843] : memref<8x64x128xf32, #tpu.memory_space<vmem>> -> memref<1x64x128xf32, #tpu.memory_space<vmem>>
      %dma_start3A_845 = tpu.memref_squeeze %dma_start3A_844 : memref<1x64x128xf32, #tpu.memory_space<vmem>> -> memref<64x128xf32, #tpu.memory_space<vmem>>
      %dma_start3A_846 = arith.constant 0 : i32
      %dma_start3A_847 = tpu.memref_slice %arg3[%dma_start3A_846, %multiple_of3A_834] : memref<64x1000000xf32, #tpu.memory_space<hbm>> -> memref<64x128xf32, #tpu.memory_space<hbm>>
      tpu.enqueue_dma source(%dma_start3A_847 : memref<64x128xf32, #tpu.memory_space<hbm>>) target(%dma_start3A_845 : memref<64x128xf32, #tpu.memory_space<vmem>>) target_semaphore(%arg14 : memref<!tpu.dma_semaphore, #tpu.memory_space<semaphore_mem>>)
      %mul3A_848 = arith.constant 16 : i32
      %mul3A_849 = arith.muli %scan3A_464, %mul3A_848 : i32
      %add3A_850 = arith.constant 14 : i32
      %add3A_851 = arith.addi %mul3A_849, %add3A_850 : i32
      %slice3A_852 = vector.extract_strided_slice %and3A_473 {offsets = [6], sizes = [1], strides = [1]} : vector<16xi32> to vector<1xi32>
      %squeeze3A_853 = vector.extract %slice3A_852[0] : i32 from vector<1xi32>
      %ge3A_854 = arith.constant 8 : i32
      %ge3A_855 = arith.cmpi sge, %add3A_851, %ge3A_854 : i32
      %convert_element_type3A_856 = arith.extui %ge3A_855 : i1 to i32
      %cond3A_857 = arith.constant 0 : i32
      %cond3A_858 = arith.cmpi ne, %convert_element_type3A_856, %cond3A_857 : i32
      scf.if %cond3A_858 {
        %sub3A = arith.constant 8 : i32
        %sub3A_902 = arith.subi %add3A_851, %sub3A : i32
        %dma_wait3A_903 = arith.constant 6 : i32
        %dma_wait3A_904 = arith.constant 0 : i32
        %dma_wait3A_905 = arith.constant 0 : i32
        %dma_wait3A_906 = tpu.memref_slice %arg6[%dma_wait3A_903, %dma_wait3A_904, %dma_wait3A_905] : memref<8x64x128xf32, #tpu.memory_space<vmem>> -> memref<1x64x128xf32, #tpu.memory_space<vmem>>
        %dma_wait3A_907 = tpu.memref_squeeze %dma_wait3A_906 : memref<1x64x128xf32, #tpu.memory_space<vmem>> -> memref<64x128xf32, #tpu.memory_space<vmem>>
        %dma_wait3A_908 = arith.constant 0 : i32
        %dma_wait3A_909 = arith.constant 0 : i32
        %dma_wait3A_910 = tpu.memref_slice %arg3[%dma_wait3A_908, %dma_wait3A_909] : memref<64x1000000xf32, #tpu.memory_space<hbm>> -> memref<64x128xf32, #tpu.memory_space<hbm>>
        %dma_wait3A_911 = arith.constant 0 : i32
        %dma_wait3A_912 = arith.constant 0 : i32
        %dma_wait3A_913 = tpu.memref_slice %arg6[%dma_wait3A_903, %dma_wait3A_911, %dma_wait3A_912] : memref<8x64x128xf32, #tpu.memory_space<vmem>> -> memref<1x64x128xf32, #tpu.memory_space<vmem>>
        %dma_wait3A_914 = tpu.memref_squeeze %dma_wait3A_913 : memref<1x64x128xf32, #tpu.memory_space<vmem>> -> memref<64x128xf32, #tpu.memory_space<vmem>>
        %dma_wait3A_915 = arith.constant 0 : i32
        %dma_wait3A_916 = arith.constant 0 : i32
        %dma_wait3A_917 = tpu.memref_slice %arg3[%dma_wait3A_915, %dma_wait3A_916] : memref<64x1000000xf32, #tpu.memory_space<hbm>> -> memref<64x128xf32, #tpu.memory_space<hbm>>
        tpu.wait_dma2 semaphore(%arg15 : memref<!tpu.dma_semaphore, #tpu.memory_space<semaphore_mem>>) src(%dma_wait3A_917 : memref<64x128xf32, #tpu.memory_space<hbm>>) dst(%dma_wait3A_914 : memref<64x128xf32, #tpu.memory_space<vmem>>)
        %broadcast_in_dim3A_918 = vector.broadcast %squeeze3A_853 : i32 to vector<16xi32>
        %broadcast_in_dim3A_919 = vector.broadcast %sub3A_902 : i32 to vector<16xi32>
        %add3A_920 = arith.constant 0 : i32
        %add3A_921 = vector.broadcast %add3A_920 : i32 to vector<16xi32>
        %add3A_922 = arith.addi %iota3A, %add3A_921 : vector<16xi32>
        %gather3A_923 = arith.constant 6 : i32
        %gather3A_924 = arith.constant 0 : i32
        %gather3A_925 = arith.constant 0 : i32
        %gather3A_926 = tpu.memref_slice %arg6[%gather3A_923, %gather3A_924, %gather3A_925] : memref<8x64x128xf32, #tpu.memory_space<vmem>> -> memref<1x64x128xf32, #tpu.memory_space<vmem>>
        %gather3A_927 = tpu.memref_squeeze %gather3A_926 : memref<1x64x128xf32, #tpu.memory_space<vmem>> -> memref<64x128xf32, #tpu.memory_space<vmem>>
        %gather3A_928 = tpu.vector_load_idx %gather3A_927[%add3A_922, %broadcast_in_dim3A_918] : memref<64x128xf32, #tpu.memory_space<vmem>>[vector<16xi32>, vector<16xi32>], vector<16xf32>,
        tpu.vector_store_idx %arg7[%add3A_922, %broadcast_in_dim3A_919], %gather3A_928 : memref<64x512xf32, #tpu.memory_space<vmem>>[vector<16xi32>, vector<16xi32>], vector<16xf32>,
        %add3A_929 = arith.constant 16 : i32
        %add3A_930 = vector.broadcast %add3A_929 : i32 to vector<16xi32>
        %add3A_931 = arith.addi %iota3A, %add3A_930 : vector<16xi32>
        %gather3A_932 = arith.constant 6 : i32
        %gather3A_933 = arith.constant 0 : i32
        %gather3A_934 = arith.constant 0 : i32
        %gather3A_935 = tpu.memref_slice %arg6[%gather3A_932, %gather3A_933, %gather3A_934] : memref<8x64x128xf32, #tpu.memory_space<vmem>> -> memref<1x64x128xf32, #tpu.memory_space<vmem>>
        %gather3A_936 = tpu.memref_squeeze %gather3A_935 : memref<1x64x128xf32, #tpu.memory_space<vmem>> -> memref<64x128xf32, #tpu.memory_space<vmem>>
        %gather3A_937 = tpu.vector_load_idx %gather3A_936[%add3A_931, %broadcast_in_dim3A_918] : memref<64x128xf32, #tpu.memory_space<vmem>>[vector<16xi32>, vector<16xi32>], vector<16xf32>,
        tpu.vector_store_idx %arg7[%add3A_931, %broadcast_in_dim3A_919], %gather3A_937 : memref<64x512xf32, #tpu.memory_space<vmem>>[vector<16xi32>, vector<16xi32>], vector<16xf32>,
        %add3A_938 = arith.constant 32 : i32
        %add3A_939 = vector.broadcast %add3A_938 : i32 to vector<16xi32>
        %add3A_940 = arith.addi %iota3A, %add3A_939 : vector<16xi32>
        %gather3A_941 = arith.constant 6 : i32
        %gather3A_942 = arith.constant 0 : i32
        %gather3A_943 = arith.constant 0 : i32
        %gather3A_944 = tpu.memref_slice %arg6[%gather3A_941, %gather3A_942, %gather3A_943] : memref<8x64x128xf32, #tpu.memory_space<vmem>> -> memref<1x64x128xf32, #tpu.memory_space<vmem>>
        %gather3A_945 = tpu.memref_squeeze %gather3A_944 : memref<1x64x128xf32, #tpu.memory_space<vmem>> -> memref<64x128xf32, #tpu.memory_space<vmem>>
        %gather3A_946 = tpu.vector_load_idx %gather3A_945[%add3A_940, %broadcast_in_dim3A_918] : memref<64x128xf32, #tpu.memory_space<vmem>>[vector<16xi32>, vector<16xi32>], vector<16xf32>,
        tpu.vector_store_idx %arg7[%add3A_940, %broadcast_in_dim3A_919], %gather3A_946 : memref<64x512xf32, #tpu.memory_space<vmem>>[vector<16xi32>, vector<16xi32>], vector<16xf32>,
        %add3A_947 = arith.constant 48 : i32
        %add3A_948 = vector.broadcast %add3A_947 : i32 to vector<16xi32>
        %add3A_949 = arith.addi %iota3A, %add3A_948 : vector<16xi32>
        %gather3A_950 = arith.constant 6 : i32
        %gather3A_951 = arith.constant 0 : i32
        %gather3A_952 = arith.constant 0 : i32
        %gather3A_953 = tpu.memref_slice %arg6[%gather3A_950, %gather3A_951, %gather3A_952] : memref<8x64x128xf32, #tpu.memory_space<vmem>> -> memref<1x64x128xf32, #tpu.memory_space<vmem>>
        %gather3A_954 = tpu.memref_squeeze %gather3A_953 : memref<1x64x128xf32, #tpu.memory_space<vmem>> -> memref<64x128xf32, #tpu.memory_space<vmem>>
        %gather3A_955 = tpu.vector_load_idx %gather3A_954[%add3A_949, %broadcast_in_dim3A_918] : memref<64x128xf32, #tpu.memory_space<vmem>>[vector<16xi32>, vector<16xi32>], vector<16xf32>,
        tpu.vector_store_idx %arg7[%add3A_949, %broadcast_in_dim3A_919], %gather3A_955 : memref<64x512xf32, #tpu.memory_space<vmem>>[vector<16xi32>, vector<16xi32>], vector<16xf32>,
      } else {
      }
      %slice3A_859 = vector.extract_strided_slice %and3A_470 {offsets = [14], sizes = [1], strides = [1]} : vector<16xi32> to vector<1xi32>
      %squeeze3A_860 = vector.extract %slice3A_859[0] : i32 from vector<1xi32>
      %multiple_of3A_861 = tpu.assume_multiple %squeeze3A_860, 128 : i32
      %dma_start3A_862 = arith.constant 6 : i32
      %dma_start3A_863 = arith.constant 0 : i32
      %dma_start3A_864 = arith.constant 0 : i32
      %dma_start3A_865 = tpu.memref_slice %arg6[%dma_start3A_862, %dma_start3A_863, %dma_start3A_864] : memref<8x64x128xf32, #tpu.memory_space<vmem>> -> memref<1x64x128xf32, #tpu.memory_space<vmem>>
      %dma_start3A_866 = tpu.memref_squeeze %dma_start3A_865 : memref<1x64x128xf32, #tpu.memory_space<vmem>> -> memref<64x128xf32, #tpu.memory_space<vmem>>
      %dma_start3A_867 = arith.constant 0 : i32
      %dma_start3A_868 = tpu.memref_slice %arg3[%dma_start3A_867, %multiple_of3A_861] : memref<64x1000000xf32, #tpu.memory_space<hbm>> -> memref<64x128xf32, #tpu.memory_space<hbm>>
      %dma_start3A_869 = arith.constant 0 : i32
      %dma_start3A_870 = arith.constant 0 : i32
      %dma_start3A_871 = tpu.memref_slice %arg6[%dma_start3A_862, %dma_start3A_869, %dma_start3A_870] : memref<8x64x128xf32, #tpu.memory_space<vmem>> -> memref<1x64x128xf32, #tpu.memory_space<vmem>>
      %dma_start3A_872 = tpu.memref_squeeze %dma_start3A_871 : memref<1x64x128xf32, #tpu.memory_space<vmem>> -> memref<64x128xf32, #tpu.memory_space<vmem>>
      %dma_start3A_873 = arith.constant 0 : i32
      %dma_start3A_874 = tpu.memref_slice %arg3[%dma_start3A_873, %multiple_of3A_861] : memref<64x1000000xf32, #tpu.memory_space<hbm>> -> memref<64x128xf32, #tpu.memory_space<hbm>>
      tpu.enqueue_dma source(%dma_start3A_874 : memref<64x128xf32, #tpu.memory_space<hbm>>) target(%dma_start3A_872 : memref<64x128xf32, #tpu.memory_space<vmem>>) target_semaphore(%arg15 : memref<!tpu.dma_semaphore, #tpu.memory_space<semaphore_mem>>)
      %mul3A_875 = arith.constant 16 : i32
      %mul3A_876 = arith.muli %scan3A_464, %mul3A_875 : i32
      %add3A_877 = arith.constant 15 : i32
      %add3A_878 = arith.addi %mul3A_876, %add3A_877 : i32
      %slice3A_879 = vector.extract_strided_slice %and3A_473 {offsets = [7], sizes = [1], strides = [1]} : vector<16xi32> to vector<1xi32>
      %squeeze3A_880 = vector.extract %slice3A_879[0] : i32 from vector<1xi32>
      %ge3A_881 = arith.constant 8 : i32
      %ge3A_882 = arith.cmpi sge, %add3A_878, %ge3A_881 : i32
      %convert_element_type3A_883 = arith.extui %ge3A_882 : i1 to i32
      %cond3A_884 = arith.constant 0 : i32
      %cond3A_885 = arith.cmpi ne, %convert_element_type3A_883, %cond3A_884 : i32
      scf.if %cond3A_885 {
        %sub3A = arith.constant 8 : i32
        %sub3A_902 = arith.subi %add3A_878, %sub3A : i32
        %dma_wait3A_903 = arith.constant 7 : i32
        %dma_wait3A_904 = arith.constant 0 : i32
        %dma_wait3A_905 = arith.constant 0 : i32
        %dma_wait3A_906 = tpu.memref_slice %arg6[%dma_wait3A_903, %dma_wait3A_904, %dma_wait3A_905] : memref<8x64x128xf32, #tpu.memory_space<vmem>> -> memref<1x64x128xf32, #tpu.memory_space<vmem>>
        %dma_wait3A_907 = tpu.memref_squeeze %dma_wait3A_906 : memref<1x64x128xf32, #tpu.memory_space<vmem>> -> memref<64x128xf32, #tpu.memory_space<vmem>>
        %dma_wait3A_908 = arith.constant 0 : i32
        %dma_wait3A_909 = arith.constant 0 : i32
        %dma_wait3A_910 = tpu.memref_slice %arg3[%dma_wait3A_908, %dma_wait3A_909] : memref<64x1000000xf32, #tpu.memory_space<hbm>> -> memref<64x128xf32, #tpu.memory_space<hbm>>
        %dma_wait3A_911 = arith.constant 0 : i32
        %dma_wait3A_912 = arith.constant 0 : i32
        %dma_wait3A_913 = tpu.memref_slice %arg6[%dma_wait3A_903, %dma_wait3A_911, %dma_wait3A_912] : memref<8x64x128xf32, #tpu.memory_space<vmem>> -> memref<1x64x128xf32, #tpu.memory_space<vmem>>
        %dma_wait3A_914 = tpu.memref_squeeze %dma_wait3A_913 : memref<1x64x128xf32, #tpu.memory_space<vmem>> -> memref<64x128xf32, #tpu.memory_space<vmem>>
        %dma_wait3A_915 = arith.constant 0 : i32
        %dma_wait3A_916 = arith.constant 0 : i32
        %dma_wait3A_917 = tpu.memref_slice %arg3[%dma_wait3A_915, %dma_wait3A_916] : memref<64x1000000xf32, #tpu.memory_space<hbm>> -> memref<64x128xf32, #tpu.memory_space<hbm>>
        tpu.wait_dma2 semaphore(%arg16 : memref<!tpu.dma_semaphore, #tpu.memory_space<semaphore_mem>>) src(%dma_wait3A_917 : memref<64x128xf32, #tpu.memory_space<hbm>>) dst(%dma_wait3A_914 : memref<64x128xf32, #tpu.memory_space<vmem>>)
        %broadcast_in_dim3A_918 = vector.broadcast %squeeze3A_880 : i32 to vector<16xi32>
        %broadcast_in_dim3A_919 = vector.broadcast %sub3A_902 : i32 to vector<16xi32>
        %add3A_920 = arith.constant 0 : i32
        %add3A_921 = vector.broadcast %add3A_920 : i32 to vector<16xi32>
        %add3A_922 = arith.addi %iota3A, %add3A_921 : vector<16xi32>
        %gather3A_923 = arith.constant 7 : i32
        %gather3A_924 = arith.constant 0 : i32
        %gather3A_925 = arith.constant 0 : i32
        %gather3A_926 = tpu.memref_slice %arg6[%gather3A_923, %gather3A_924, %gather3A_925] : memref<8x64x128xf32, #tpu.memory_space<vmem>> -> memref<1x64x128xf32, #tpu.memory_space<vmem>>
        %gather3A_927 = tpu.memref_squeeze %gather3A_926 : memref<1x64x128xf32, #tpu.memory_space<vmem>> -> memref<64x128xf32, #tpu.memory_space<vmem>>
        %gather3A_928 = tpu.vector_load_idx %gather3A_927[%add3A_922, %broadcast_in_dim3A_918] : memref<64x128xf32, #tpu.memory_space<vmem>>[vector<16xi32>, vector<16xi32>], vector<16xf32>,
        tpu.vector_store_idx %arg7[%add3A_922, %broadcast_in_dim3A_919], %gather3A_928 : memref<64x512xf32, #tpu.memory_space<vmem>>[vector<16xi32>, vector<16xi32>], vector<16xf32>,
        %add3A_929 = arith.constant 16 : i32
        %add3A_930 = vector.broadcast %add3A_929 : i32 to vector<16xi32>
        %add3A_931 = arith.addi %iota3A, %add3A_930 : vector<16xi32>
        %gather3A_932 = arith.constant 7 : i32
        %gather3A_933 = arith.constant 0 : i32
        %gather3A_934 = arith.constant 0 : i32
        %gather3A_935 = tpu.memref_slice %arg6[%gather3A_932, %gather3A_933, %gather3A_934] : memref<8x64x128xf32, #tpu.memory_space<vmem>> -> memref<1x64x128xf32, #tpu.memory_space<vmem>>
        %gather3A_936 = tpu.memref_squeeze %gather3A_935 : memref<1x64x128xf32, #tpu.memory_space<vmem>> -> memref<64x128xf32, #tpu.memory_space<vmem>>
        %gather3A_937 = tpu.vector_load_idx %gather3A_936[%add3A_931, %broadcast_in_dim3A_918] : memref<64x128xf32, #tpu.memory_space<vmem>>[vector<16xi32>, vector<16xi32>], vector<16xf32>,
        tpu.vector_store_idx %arg7[%add3A_931, %broadcast_in_dim3A_919], %gather3A_937 : memref<64x512xf32, #tpu.memory_space<vmem>>[vector<16xi32>, vector<16xi32>], vector<16xf32>,
        %add3A_938 = arith.constant 32 : i32
        %add3A_939 = vector.broadcast %add3A_938 : i32 to vector<16xi32>
        %add3A_940 = arith.addi %iota3A, %add3A_939 : vector<16xi32>
        %gather3A_941 = arith.constant 7 : i32
        %gather3A_942 = arith.constant 0 : i32
        %gather3A_943 = arith.constant 0 : i32
        %gather3A_944 = tpu.memref_slice %arg6[%gather3A_941, %gather3A_942, %gather3A_943] : memref<8x64x128xf32, #tpu.memory_space<vmem>> -> memref<1x64x128xf32, #tpu.memory_space<vmem>>
        %gather3A_945 = tpu.memref_squeeze %gather3A_944 : memref<1x64x128xf32, #tpu.memory_space<vmem>> -> memref<64x128xf32, #tpu.memory_space<vmem>>
        %gather3A_946 = tpu.vector_load_idx %gather3A_945[%add3A_940, %broadcast_in_dim3A_918] : memref<64x128xf32, #tpu.memory_space<vmem>>[vector<16xi32>, vector<16xi32>], vector<16xf32>,
        tpu.vector_store_idx %arg7[%add3A_940, %broadcast_in_dim3A_919], %gather3A_946 : memref<64x512xf32, #tpu.memory_space<vmem>>[vector<16xi32>, vector<16xi32>], vector<16xf32>,
        %add3A_947 = arith.constant 48 : i32
        %add3A_948 = vector.broadcast %add3A_947 : i32 to vector<16xi32>
        %add3A_949 = arith.addi %iota3A, %add3A_948 : vector<16xi32>
        %gather3A_950 = arith.constant 7 : i32
        %gather3A_951 = arith.constant 0 : i32
        %gather3A_952 = arith.constant 0 : i32
        %gather3A_953 = tpu.memref_slice %arg6[%gather3A_950, %gather3A_951, %gather3A_952] : memref<8x64x128xf32, #tpu.memory_space<vmem>> -> memref<1x64x128xf32, #tpu.memory_space<vmem>>
        %gather3A_954 = tpu.memref_squeeze %gather3A_953 : memref<1x64x128xf32, #tpu.memory_space<vmem>> -> memref<64x128xf32, #tpu.memory_space<vmem>>
        %gather3A_955 = tpu.vector_load_idx %gather3A_954[%add3A_949, %broadcast_in_dim3A_918] : memref<64x128xf32, #tpu.memory_space<vmem>>[vector<16xi32>, vector<16xi32>], vector<16xf32>,
        tpu.vector_store_idx %arg7[%add3A_949, %broadcast_in_dim3A_919], %gather3A_955 : memref<64x512xf32, #tpu.memory_space<vmem>>[vector<16xi32>, vector<16xi32>], vector<16xf32>,
      } else {
      }
      %slice3A_886 = vector.extract_strided_slice %and3A_470 {offsets = [15], sizes = [1], strides = [1]} : vector<16xi32> to vector<1xi32>
      %squeeze3A_887 = vector.extract %slice3A_886[0] : i32 from vector<1xi32>
      %multiple_of3A_888 = tpu.assume_multiple %squeeze3A_887, 128 : i32
      %dma_start3A_889 = arith.constant 7 : i32
      %dma_start3A_890 = arith.constant 0 : i32
      %dma_start3A_891 = arith.constant 0 : i32
      %dma_start3A_892 = tpu.memref_slice %arg6[%dma_start3A_889, %dma_start3A_890, %dma_start3A_891] : memref<8x64x128xf32, #tpu.memory_space<vmem>> -> memref<1x64x128xf32, #tpu.memory_space<vmem>>
      %dma_start3A_893 = tpu.memref_squeeze %dma_start3A_892 : memref<1x64x128xf32, #tpu.memory_space<vmem>> -> memref<64x128xf32, #tpu.memory_space<vmem>>
      %dma_start3A_894 = arith.constant 0 : i32
      %dma_start3A_895 = tpu.memref_slice %arg3[%dma_start3A_894, %multiple_of3A_888] : memref<64x1000000xf32, #tpu.memory_space<hbm>> -> memref<64x128xf32, #tpu.memory_space<hbm>>
      %dma_start3A_896 = arith.constant 0 : i32
      %dma_start3A_897 = arith.constant 0 : i32
      %dma_start3A_898 = tpu.memref_slice %arg6[%dma_start3A_889, %dma_start3A_896, %dma_start3A_897] : memref<8x64x128xf32, #tpu.memory_space<vmem>> -> memref<1x64x128xf32, #tpu.memory_space<vmem>>
      %dma_start3A_899 = tpu.memref_squeeze %dma_start3A_898 : memref<1x64x128xf32, #tpu.memory_space<vmem>> -> memref<64x128xf32, #tpu.memory_space<vmem>>
      %dma_start3A_900 = arith.constant 0 : i32
      %dma_start3A_901 = tpu.memref_slice %arg3[%dma_start3A_900, %multiple_of3A_888] : memref<64x1000000xf32, #tpu.memory_space<hbm>> -> memref<64x128xf32, #tpu.memory_space<hbm>>
      tpu.enqueue_dma source(%dma_start3A_901 : memref<64x128xf32, #tpu.memory_space<hbm>>) target(%dma_start3A_899 : memref<64x128xf32, #tpu.memory_space<vmem>>) target_semaphore(%arg16 : memref<!tpu.dma_semaphore, #tpu.memory_space<semaphore_mem>>)
      scf.yield %and3A_473 : vector<16xi32>
    }
    %scan3A_10 = arith.constant 32 : i32
    %slice3A = vector.extract_strided_slice %scan3A_9 {offsets = [8], sizes = [1], strides = [1]} : vector<16xi32> to vector<1xi32>
    %squeeze3A = vector.extract %slice3A[0] : i32 from vector<1xi32>
    %dma_wait3A_11 = arith.constant 0 : i32
    %dma_wait3A_12 = arith.constant 0 : i32
    %dma_wait3A_13 = arith.constant 0 : i32
    %dma_wait3A_14 = tpu.memref_slice %arg6[%dma_wait3A_11, %dma_wait3A_12, %dma_wait3A_13] : memref<8x64x128xf32, #tpu.memory_space<vmem>> -> memref<1x64x128xf32, #tpu.memory_space<vmem>>
    %dma_wait3A_15 = tpu.memref_squeeze %dma_wait3A_14 : memref<1x64x128xf32, #tpu.memory_space<vmem>> -> memref<64x128xf32, #tpu.memory_space<vmem>>
    %dma_wait3A_16 = arith.constant 0 : i32
    %dma_wait3A_17 = arith.constant 0 : i32
    %dma_wait3A_18 = tpu.memref_slice %arg3[%dma_wait3A_16, %dma_wait3A_17] : memref<64x1000000xf32, #tpu.memory_space<hbm>> -> memref<64x128xf32, #tpu.memory_space<hbm>>
    %dma_wait3A_19 = arith.constant 0 : i32
    %dma_wait3A_20 = arith.constant 0 : i32
    %dma_wait3A_21 = tpu.memref_slice %arg6[%dma_wait3A_11, %dma_wait3A_19, %dma_wait3A_20] : memref<8x64x128xf32, #tpu.memory_space<vmem>> -> memref<1x64x128xf32, #tpu.memory_space<vmem>>
    %dma_wait3A_22 = tpu.memref_squeeze %dma_wait3A_21 : memref<1x64x128xf32, #tpu.memory_space<vmem>> -> memref<64x128xf32, #tpu.memory_space<vmem>>
    %dma_wait3A_23 = arith.constant 0 : i32
    %dma_wait3A_24 = arith.constant 0 : i32
    %dma_wait3A_25 = tpu.memref_slice %arg3[%dma_wait3A_23, %dma_wait3A_24] : memref<64x1000000xf32, #tpu.memory_space<hbm>> -> memref<64x128xf32, #tpu.memory_space<hbm>>
    tpu.wait_dma2 semaphore(%arg9 : memref<!tpu.dma_semaphore, #tpu.memory_space<semaphore_mem>>) src(%dma_wait3A_25 : memref<64x128xf32, #tpu.memory_space<hbm>>) dst(%dma_wait3A_22 : memref<64x128xf32, #tpu.memory_space<vmem>>)
    %broadcast_in_dim3A_26 = vector.broadcast %squeeze3A : i32 to vector<16xi32>
    %broadcast_in_dim3A_27 = arith.constant 504 : i32
    %broadcast_in_dim3A_28 = vector.broadcast %broadcast_in_dim3A_27 : i32 to vector<16xi32>
    %add3A_29 = arith.constant 0 : i32
    %add3A_30 = vector.broadcast %add3A_29 : i32 to vector<16xi32>
    %add3A_31 = arith.addi %iota3A, %add3A_30 : vector<16xi32>
    %gather3A = arith.constant 0 : i32
    %gather3A_32 = arith.constant 0 : i32
    %gather3A_33 = arith.constant 0 : i32
    %gather3A_34 = tpu.memref_slice %arg6[%gather3A, %gather3A_32, %gather3A_33] : memref<8x64x128xf32, #tpu.memory_space<vmem>> -> memref<1x64x128xf32, #tpu.memory_space<vmem>>
    %gather3A_35 = tpu.memref_squeeze %gather3A_34 : memref<1x64x128xf32, #tpu.memory_space<vmem>> -> memref<64x128xf32, #tpu.memory_space<vmem>>
    %gather3A_36 = tpu.vector_load_idx %gather3A_35[%add3A_31, %broadcast_in_dim3A_26] : memref<64x128xf32, #tpu.memory_space<vmem>>[vector<16xi32>, vector<16xi32>], vector<16xf32>,
    tpu.vector_store_idx %arg7[%add3A_31, %broadcast_in_dim3A_28], %gather3A_36 : memref<64x512xf32, #tpu.memory_space<vmem>>[vector<16xi32>, vector<16xi32>], vector<16xf32>,
    %add3A_37 = arith.constant 16 : i32
    %add3A_38 = vector.broadcast %add3A_37 : i32 to vector<16xi32>
    %add3A_39 = arith.addi %iota3A, %add3A_38 : vector<16xi32>
    %gather3A_40 = arith.constant 0 : i32
    %gather3A_41 = arith.constant 0 : i32
    %gather3A_42 = arith.constant 0 : i32
    %gather3A_43 = tpu.memref_slice %arg6[%gather3A_40, %gather3A_41, %gather3A_42] : memref<8x64x128xf32, #tpu.memory_space<vmem>> -> memref<1x64x128xf32, #tpu.memory_space<vmem>>
    %gather3A_44 = tpu.memref_squeeze %gather3A_43 : memref<1x64x128xf32, #tpu.memory_space<vmem>> -> memref<64x128xf32, #tpu.memory_space<vmem>>
    %gather3A_45 = tpu.vector_load_idx %gather3A_44[%add3A_39, %broadcast_in_dim3A_26] : memref<64x128xf32, #tpu.memory_space<vmem>>[vector<16xi32>, vector<16xi32>], vector<16xf32>,
    tpu.vector_store_idx %arg7[%add3A_39, %broadcast_in_dim3A_28], %gather3A_45 : memref<64x512xf32, #tpu.memory_space<vmem>>[vector<16xi32>, vector<16xi32>], vector<16xf32>,
    %add3A_46 = arith.constant 32 : i32
    %add3A_47 = vector.broadcast %add3A_46 : i32 to vector<16xi32>
    %add3A_48 = arith.addi %iota3A, %add3A_47 : vector<16xi32>
    %gather3A_49 = arith.constant 0 : i32
    %gather3A_50 = arith.constant 0 : i32
    %gather3A_51 = arith.constant 0 : i32
    %gather3A_52 = tpu.memref_slice %arg6[%gather3A_49, %gather3A_50, %gather3A_51] : memref<8x64x128xf32, #tpu.memory_space<vmem>> -> memref<1x64x128xf32, #tpu.memory_space<vmem>>
    %gather3A_53 = tpu.memref_squeeze %gather3A_52 : memref<1x64x128xf32, #tpu.memory_space<vmem>> -> memref<64x128xf32, #tpu.memory_space<vmem>>
    %gather3A_54 = tpu.vector_load_idx %gather3A_53[%add3A_48, %broadcast_in_dim3A_26] : memref<64x128xf32, #tpu.memory_space<vmem>>[vector<16xi32>, vector<16xi32>], vector<16xf32>,
    tpu.vector_store_idx %arg7[%add3A_48, %broadcast_in_dim3A_28], %gather3A_54 : memref<64x512xf32, #tpu.memory_space<vmem>>[vector<16xi32>, vector<16xi32>], vector<16xf32>,
    %add3A_55 = arith.constant 48 : i32
    %add3A_56 = vector.broadcast %add3A_55 : i32 to vector<16xi32>
    %add3A_57 = arith.addi %iota3A, %add3A_56 : vector<16xi32>
    %gather3A_58 = arith.constant 0 : i32
    %gather3A_59 = arith.constant 0 : i32
    %gather3A_60 = arith.constant 0 : i32
    %gather3A_61 = tpu.memref_slice %arg6[%gather3A_58, %gather3A_59, %gather3A_60] : memref<8x64x128xf32, #tpu.memory_space<vmem>> -> memref<1x64x128xf32, #tpu.memory_space<vmem>>
    %gather3A_62 = tpu.memref_squeeze %gather3A_61 : memref<1x64x128xf32, #tpu.memory_space<vmem>> -> memref<64x128xf32, #tpu.memory_space<vmem>>
    %gather3A_63 = tpu.vector_load_idx %gather3A_62[%add3A_57, %broadcast_in_dim3A_26] : memref<64x128xf32, #tpu.memory_space<vmem>>[vector<16xi32>, vector<16xi32>], vector<16xf32>,
    tpu.vector_store_idx %arg7[%add3A_57, %broadcast_in_dim3A_28], %gather3A_63 : memref<64x512xf32, #tpu.memory_space<vmem>>[vector<16xi32>, vector<16xi32>], vector<16xf32>,
    %slice3A_64 = vector.extract_strided_slice %scan3A_9 {offsets = [9], sizes = [1], strides = [1]} : vector<16xi32> to vector<1xi32>
    %squeeze3A_65 = vector.extract %slice3A_64[0] : i32 from vector<1xi32>
    %dma_wait3A_66 = arith.constant 1 : i32
    %dma_wait3A_67 = arith.constant 0 : i32
    %dma_wait3A_68 = arith.constant 0 : i32
    %dma_wait3A_69 = tpu.memref_slice %arg6[%dma_wait3A_66, %dma_wait3A_67, %dma_wait3A_68] : memref<8x64x128xf32, #tpu.memory_space<vmem>> -> memref<1x64x128xf32, #tpu.memory_space<vmem>>
    %dma_wait3A_70 = tpu.memref_squeeze %dma_wait3A_69 : memref<1x64x128xf32, #tpu.memory_space<vmem>> -> memref<64x128xf32, #tpu.memory_space<vmem>>
    %dma_wait3A_71 = arith.constant 0 : i32
    %dma_wait3A_72 = arith.constant 0 : i32
    %dma_wait3A_73 = tpu.memref_slice %arg3[%dma_wait3A_71, %dma_wait3A_72] : memref<64x1000000xf32, #tpu.memory_space<hbm>> -> memref<64x128xf32, #tpu.memory_space<hbm>>
    %dma_wait3A_74 = arith.constant 0 : i32
    %dma_wait3A_75 = arith.constant 0 : i32
    %dma_wait3A_76 = tpu.memref_slice %arg6[%dma_wait3A_66, %dma_wait3A_74, %dma_wait3A_75] : memref<8x64x128xf32, #tpu.memory_space<vmem>> -> memref<1x64x128xf32, #tpu.memory_space<vmem>>
    %dma_wait3A_77 = tpu.memref_squeeze %dma_wait3A_76 : memref<1x64x128xf32, #tpu.memory_space<vmem>> -> memref<64x128xf32, #tpu.memory_space<vmem>>
    %dma_wait3A_78 = arith.constant 0 : i32
    %dma_wait3A_79 = arith.constant 0 : i32
    %dma_wait3A_80 = tpu.memref_slice %arg3[%dma_wait3A_78, %dma_wait3A_79] : memref<64x1000000xf32, #tpu.memory_space<hbm>> -> memref<64x128xf32, #tpu.memory_space<hbm>>
    tpu.wait_dma2 semaphore(%arg10 : memref<!tpu.dma_semaphore, #tpu.memory_space<semaphore_mem>>) src(%dma_wait3A_80 : memref<64x128xf32, #tpu.memory_space<hbm>>) dst(%dma_wait3A_77 : memref<64x128xf32, #tpu.memory_space<vmem>>)
    %broadcast_in_dim3A_81 = vector.broadcast %squeeze3A_65 : i32 to vector<16xi32>
    %broadcast_in_dim3A_82 = arith.constant 505 : i32
    %broadcast_in_dim3A_83 = vector.broadcast %broadcast_in_dim3A_82 : i32 to vector<16xi32>
    %add3A_84 = arith.constant 0 : i32
    %add3A_85 = vector.broadcast %add3A_84 : i32 to vector<16xi32>
    %add3A_86 = arith.addi %iota3A, %add3A_85 : vector<16xi32>
    %gather3A_87 = arith.constant 1 : i32
    %gather3A_88 = arith.constant 0 : i32
    %gather3A_89 = arith.constant 0 : i32
    %gather3A_90 = tpu.memref_slice %arg6[%gather3A_87, %gather3A_88, %gather3A_89] : memref<8x64x128xf32, #tpu.memory_space<vmem>> -> memref<1x64x128xf32, #tpu.memory_space<vmem>>
    %gather3A_91 = tpu.memref_squeeze %gather3A_90 : memref<1x64x128xf32, #tpu.memory_space<vmem>> -> memref<64x128xf32, #tpu.memory_space<vmem>>
    %gather3A_92 = tpu.vector_load_idx %gather3A_91[%add3A_86, %broadcast_in_dim3A_81] : memref<64x128xf32, #tpu.memory_space<vmem>>[vector<16xi32>, vector<16xi32>], vector<16xf32>,
    tpu.vector_store_idx %arg7[%add3A_86, %broadcast_in_dim3A_83], %gather3A_92 : memref<64x512xf32, #tpu.memory_space<vmem>>[vector<16xi32>, vector<16xi32>], vector<16xf32>,
    %add3A_93 = arith.constant 16 : i32
    %add3A_94 = vector.broadcast %add3A_93 : i32 to vector<16xi32>
    %add3A_95 = arith.addi %iota3A, %add3A_94 : vector<16xi32>
    %gather3A_96 = arith.constant 1 : i32
    %gather3A_97 = arith.constant 0 : i32
    %gather3A_98 = arith.constant 0 : i32
    %gather3A_99 = tpu.memref_slice %arg6[%gather3A_96, %gather3A_97, %gather3A_98] : memref<8x64x128xf32, #tpu.memory_space<vmem>> -> memref<1x64x128xf32, #tpu.memory_space<vmem>>
    %gather3A_100 = tpu.memref_squeeze %gather3A_99 : memref<1x64x128xf32, #tpu.memory_space<vmem>> -> memref<64x128xf32, #tpu.memory_space<vmem>>
    %gather3A_101 = tpu.vector_load_idx %gather3A_100[%add3A_95, %broadcast_in_dim3A_81] : memref<64x128xf32, #tpu.memory_space<vmem>>[vector<16xi32>, vector<16xi32>], vector<16xf32>,
    tpu.vector_store_idx %arg7[%add3A_95, %broadcast_in_dim3A_83], %gather3A_101 : memref<64x512xf32, #tpu.memory_space<vmem>>[vector<16xi32>, vector<16xi32>], vector<16xf32>,
    %add3A_102 = arith.constant 32 : i32
    %add3A_103 = vector.broadcast %add3A_102 : i32 to vector<16xi32>
    %add3A_104 = arith.addi %iota3A, %add3A_103 : vector<16xi32>
    %gather3A_105 = arith.constant 1 : i32
    %gather3A_106 = arith.constant 0 : i32
    %gather3A_107 = arith.constant 0 : i32
    %gather3A_108 = tpu.memref_slice %arg6[%gather3A_105, %gather3A_106, %gather3A_107] : memref<8x64x128xf32, #tpu.memory_space<vmem>> -> memref<1x64x128xf32, #tpu.memory_space<vmem>>
    %gather3A_109 = tpu.memref_squeeze %gather3A_108 : memref<1x64x128xf32, #tpu.memory_space<vmem>> -> memref<64x128xf32, #tpu.memory_space<vmem>>
    %gather3A_110 = tpu.vector_load_idx %gather3A_109[%add3A_104, %broadcast_in_dim3A_81] : memref<64x128xf32, #tpu.memory_space<vmem>>[vector<16xi32>, vector<16xi32>], vector<16xf32>,
    tpu.vector_store_idx %arg7[%add3A_104, %broadcast_in_dim3A_83], %gather3A_110 : memref<64x512xf32, #tpu.memory_space<vmem>>[vector<16xi32>, vector<16xi32>], vector<16xf32>,
    %add3A_111 = arith.constant 48 : i32
    %add3A_112 = vector.broadcast %add3A_111 : i32 to vector<16xi32>
    %add3A_113 = arith.addi %iota3A, %add3A_112 : vector<16xi32>
    %gather3A_114 = arith.constant 1 : i32
    %gather3A_115 = arith.constant 0 : i32
    %gather3A_116 = arith.constant 0 : i32
    %gather3A_117 = tpu.memref_slice %arg6[%gather3A_114, %gather3A_115, %gather3A_116] : memref<8x64x128xf32, #tpu.memory_space<vmem>> -> memref<1x64x128xf32, #tpu.memory_space<vmem>>
    %gather3A_118 = tpu.memref_squeeze %gather3A_117 : memref<1x64x128xf32, #tpu.memory_space<vmem>> -> memref<64x128xf32, #tpu.memory_space<vmem>>
    %gather3A_119 = tpu.vector_load_idx %gather3A_118[%add3A_113, %broadcast_in_dim3A_81] : memref<64x128xf32, #tpu.memory_space<vmem>>[vector<16xi32>, vector<16xi32>], vector<16xf32>,
    tpu.vector_store_idx %arg7[%add3A_113, %broadcast_in_dim3A_83], %gather3A_119 : memref<64x512xf32, #tpu.memory_space<vmem>>[vector<16xi32>, vector<16xi32>], vector<16xf32>,
    %slice3A_120 = vector.extract_strided_slice %scan3A_9 {offsets = [10], sizes = [1], strides = [1]} : vector<16xi32> to vector<1xi32>
    %squeeze3A_121 = vector.extract %slice3A_120[0] : i32 from vector<1xi32>
    %dma_wait3A_122 = arith.constant 2 : i32
    %dma_wait3A_123 = arith.constant 0 : i32
    %dma_wait3A_124 = arith.constant 0 : i32
    %dma_wait3A_125 = tpu.memref_slice %arg6[%dma_wait3A_122, %dma_wait3A_123, %dma_wait3A_124] : memref<8x64x128xf32, #tpu.memory_space<vmem>> -> memref<1x64x128xf32, #tpu.memory_space<vmem>>
    %dma_wait3A_126 = tpu.memref_squeeze %dma_wait3A_125 : memref<1x64x128xf32, #tpu.memory_space<vmem>> -> memref<64x128xf32, #tpu.memory_space<vmem>>
    %dma_wait3A_127 = arith.constant 0 : i32
    %dma_wait3A_128 = arith.constant 0 : i32
    %dma_wait3A_129 = tpu.memref_slice %arg3[%dma_wait3A_127, %dma_wait3A_128] : memref<64x1000000xf32, #tpu.memory_space<hbm>> -> memref<64x128xf32, #tpu.memory_space<hbm>>
    %dma_wait3A_130 = arith.constant 0 : i32
    %dma_wait3A_131 = arith.constant 0 : i32
    %dma_wait3A_132 = tpu.memref_slice %arg6[%dma_wait3A_122, %dma_wait3A_130, %dma_wait3A_131] : memref<8x64x128xf32, #tpu.memory_space<vmem>> -> memref<1x64x128xf32, #tpu.memory_space<vmem>>
    %dma_wait3A_133 = tpu.memref_squeeze %dma_wait3A_132 : memref<1x64x128xf32, #tpu.memory_space<vmem>> -> memref<64x128xf32, #tpu.memory_space<vmem>>
    %dma_wait3A_134 = arith.constant 0 : i32
    %dma_wait3A_135 = arith.constant 0 : i32
    %dma_wait3A_136 = tpu.memref_slice %arg3[%dma_wait3A_134, %dma_wait3A_135] : memref<64x1000000xf32, #tpu.memory_space<hbm>> -> memref<64x128xf32, #tpu.memory_space<hbm>>
    tpu.wait_dma2 semaphore(%arg11 : memref<!tpu.dma_semaphore, #tpu.memory_space<semaphore_mem>>) src(%dma_wait3A_136 : memref<64x128xf32, #tpu.memory_space<hbm>>) dst(%dma_wait3A_133 : memref<64x128xf32, #tpu.memory_space<vmem>>)
    %broadcast_in_dim3A_137 = vector.broadcast %squeeze3A_121 : i32 to vector<16xi32>
    %broadcast_in_dim3A_138 = arith.constant 506 : i32
    %broadcast_in_dim3A_139 = vector.broadcast %broadcast_in_dim3A_138 : i32 to vector<16xi32>
    %add3A_140 = arith.constant 0 : i32
    %add3A_141 = vector.broadcast %add3A_140 : i32 to vector<16xi32>
    %add3A_142 = arith.addi %iota3A, %add3A_141 : vector<16xi32>
    %gather3A_143 = arith.constant 2 : i32
    %gather3A_144 = arith.constant 0 : i32
    %gather3A_145 = arith.constant 0 : i32
    %gather3A_146 = tpu.memref_slice %arg6[%gather3A_143, %gather3A_144, %gather3A_145] : memref<8x64x128xf32, #tpu.memory_space<vmem>> -> memref<1x64x128xf32, #tpu.memory_space<vmem>>
    %gather3A_147 = tpu.memref_squeeze %gather3A_146 : memref<1x64x128xf32, #tpu.memory_space<vmem>> -> memref<64x128xf32, #tpu.memory_space<vmem>>
    %gather3A_148 = tpu.vector_load_idx %gather3A_147[%add3A_142, %broadcast_in_dim3A_137] : memref<64x128xf32, #tpu.memory_space<vmem>>[vector<16xi32>, vector<16xi32>], vector<16xf32>,
    tpu.vector_store_idx %arg7[%add3A_142, %broadcast_in_dim3A_139], %gather3A_148 : memref<64x512xf32, #tpu.memory_space<vmem>>[vector<16xi32>, vector<16xi32>], vector<16xf32>,
    %add3A_149 = arith.constant 16 : i32
    %add3A_150 = vector.broadcast %add3A_149 : i32 to vector<16xi32>
    %add3A_151 = arith.addi %iota3A, %add3A_150 : vector<16xi32>
    %gather3A_152 = arith.constant 2 : i32
    %gather3A_153 = arith.constant 0 : i32
    %gather3A_154 = arith.constant 0 : i32
    %gather3A_155 = tpu.memref_slice %arg6[%gather3A_152, %gather3A_153, %gather3A_154] : memref<8x64x128xf32, #tpu.memory_space<vmem>> -> memref<1x64x128xf32, #tpu.memory_space<vmem>>
    %gather3A_156 = tpu.memref_squeeze %gather3A_155 : memref<1x64x128xf32, #tpu.memory_space<vmem>> -> memref<64x128xf32, #tpu.memory_space<vmem>>
    %gather3A_157 = tpu.vector_load_idx %gather3A_156[%add3A_151, %broadcast_in_dim3A_137] : memref<64x128xf32, #tpu.memory_space<vmem>>[vector<16xi32>, vector<16xi32>], vector<16xf32>,
    tpu.vector_store_idx %arg7[%add3A_151, %broadcast_in_dim3A_139], %gather3A_157 : memref<64x512xf32, #tpu.memory_space<vmem>>[vector<16xi32>, vector<16xi32>], vector<16xf32>,
    %add3A_158 = arith.constant 32 : i32
    %add3A_159 = vector.broadcast %add3A_158 : i32 to vector<16xi32>
    %add3A_160 = arith.addi %iota3A, %add3A_159 : vector<16xi32>
    %gather3A_161 = arith.constant 2 : i32
    %gather3A_162 = arith.constant 0 : i32
    %gather3A_163 = arith.constant 0 : i32
    %gather3A_164 = tpu.memref_slice %arg6[%gather3A_161, %gather3A_162, %gather3A_163] : memref<8x64x128xf32, #tpu.memory_space<vmem>> -> memref<1x64x128xf32, #tpu.memory_space<vmem>>
    %gather3A_165 = tpu.memref_squeeze %gather3A_164 : memref<1x64x128xf32, #tpu.memory_space<vmem>> -> memref<64x128xf32, #tpu.memory_space<vmem>>
    %gather3A_166 = tpu.vector_load_idx %gather3A_165[%add3A_160, %broadcast_in_dim3A_137] : memref<64x128xf32, #tpu.memory_space<vmem>>[vector<16xi32>, vector<16xi32>], vector<16xf32>,
    tpu.vector_store_idx %arg7[%add3A_160, %broadcast_in_dim3A_139], %gather3A_166 : memref<64x512xf32, #tpu.memory_space<vmem>>[vector<16xi32>, vector<16xi32>], vector<16xf32>,
    %add3A_167 = arith.constant 48 : i32
    %add3A_168 = vector.broadcast %add3A_167 : i32 to vector<16xi32>
    %add3A_169 = arith.addi %iota3A, %add3A_168 : vector<16xi32>
    %gather3A_170 = arith.constant 2 : i32
    %gather3A_171 = arith.constant 0 : i32
    %gather3A_172 = arith.constant 0 : i32
    %gather3A_173 = tpu.memref_slice %arg6[%gather3A_170, %gather3A_171, %gather3A_172] : memref<8x64x128xf32, #tpu.memory_space<vmem>> -> memref<1x64x128xf32, #tpu.memory_space<vmem>>
    %gather3A_174 = tpu.memref_squeeze %gather3A_173 : memref<1x64x128xf32, #tpu.memory_space<vmem>> -> memref<64x128xf32, #tpu.memory_space<vmem>>
    %gather3A_175 = tpu.vector_load_idx %gather3A_174[%add3A_169, %broadcast_in_dim3A_137] : memref<64x128xf32, #tpu.memory_space<vmem>>[vector<16xi32>, vector<16xi32>], vector<16xf32>,
    tpu.vector_store_idx %arg7[%add3A_169, %broadcast_in_dim3A_139], %gather3A_175 : memref<64x512xf32, #tpu.memory_space<vmem>>[vector<16xi32>, vector<16xi32>], vector<16xf32>,
    %slice3A_176 = vector.extract_strided_slice %scan3A_9 {offsets = [11], sizes = [1], strides = [1]} : vector<16xi32> to vector<1xi32>
    %squeeze3A_177 = vector.extract %slice3A_176[0] : i32 from vector<1xi32>
    %dma_wait3A_178 = arith.constant 3 : i32
    %dma_wait3A_179 = arith.constant 0 : i32
    %dma_wait3A_180 = arith.constant 0 : i32
    %dma_wait3A_181 = tpu.memref_slice %arg6[%dma_wait3A_178, %dma_wait3A_179, %dma_wait3A_180] : memref<8x64x128xf32, #tpu.memory_space<vmem>> -> memref<1x64x128xf32, #tpu.memory_space<vmem>>
    %dma_wait3A_182 = tpu.memref_squeeze %dma_wait3A_181 : memref<1x64x128xf32, #tpu.memory_space<vmem>> -> memref<64x128xf32, #tpu.memory_space<vmem>>
    %dma_wait3A_183 = arith.constant 0 : i32
    %dma_wait3A_184 = arith.constant 0 : i32
    %dma_wait3A_185 = tpu.memref_slice %arg3[%dma_wait3A_183, %dma_wait3A_184] : memref<64x1000000xf32, #tpu.memory_space<hbm>> -> memref<64x128xf32, #tpu.memory_space<hbm>>
    %dma_wait3A_186 = arith.constant 0 : i32
    %dma_wait3A_187 = arith.constant 0 : i32
    %dma_wait3A_188 = tpu.memref_slice %arg6[%dma_wait3A_178, %dma_wait3A_186, %dma_wait3A_187] : memref<8x64x128xf32, #tpu.memory_space<vmem>> -> memref<1x64x128xf32, #tpu.memory_space<vmem>>
    %dma_wait3A_189 = tpu.memref_squeeze %dma_wait3A_188 : memref<1x64x128xf32, #tpu.memory_space<vmem>> -> memref<64x128xf32, #tpu.memory_space<vmem>>
    %dma_wait3A_190 = arith.constant 0 : i32
    %dma_wait3A_191 = arith.constant 0 : i32
    %dma_wait3A_192 = tpu.memref_slice %arg3[%dma_wait3A_190, %dma_wait3A_191] : memref<64x1000000xf32, #tpu.memory_space<hbm>> -> memref<64x128xf32, #tpu.memory_space<hbm>>
    tpu.wait_dma2 semaphore(%arg12 : memref<!tpu.dma_semaphore, #tpu.memory_space<semaphore_mem>>) src(%dma_wait3A_192 : memref<64x128xf32, #tpu.memory_space<hbm>>) dst(%dma_wait3A_189 : memref<64x128xf32, #tpu.memory_space<vmem>>)
    %broadcast_in_dim3A_193 = vector.broadcast %squeeze3A_177 : i32 to vector<16xi32>
    %broadcast_in_dim3A_194 = arith.constant 507 : i32
    %broadcast_in_dim3A_195 = vector.broadcast %broadcast_in_dim3A_194 : i32 to vector<16xi32>
    %add3A_196 = arith.constant 0 : i32
    %add3A_197 = vector.broadcast %add3A_196 : i32 to vector<16xi32>
    %add3A_198 = arith.addi %iota3A, %add3A_197 : vector<16xi32>
    %gather3A_199 = arith.constant 3 : i32
    %gather3A_200 = arith.constant 0 : i32
    %gather3A_201 = arith.constant 0 : i32
    %gather3A_202 = tpu.memref_slice %arg6[%gather3A_199, %gather3A_200, %gather3A_201] : memref<8x64x128xf32, #tpu.memory_space<vmem>> -> memref<1x64x128xf32, #tpu.memory_space<vmem>>
    %gather3A_203 = tpu.memref_squeeze %gather3A_202 : memref<1x64x128xf32, #tpu.memory_space<vmem>> -> memref<64x128xf32, #tpu.memory_space<vmem>>
    %gather3A_204 = tpu.vector_load_idx %gather3A_203[%add3A_198, %broadcast_in_dim3A_193] : memref<64x128xf32, #tpu.memory_space<vmem>>[vector<16xi32>, vector<16xi32>], vector<16xf32>,
    tpu.vector_store_idx %arg7[%add3A_198, %broadcast_in_dim3A_195], %gather3A_204 : memref<64x512xf32, #tpu.memory_space<vmem>>[vector<16xi32>, vector<16xi32>], vector<16xf32>,
    %add3A_205 = arith.constant 16 : i32
    %add3A_206 = vector.broadcast %add3A_205 : i32 to vector<16xi32>
    %add3A_207 = arith.addi %iota3A, %add3A_206 : vector<16xi32>
    %gather3A_208 = arith.constant 3 : i32
    %gather3A_209 = arith.constant 0 : i32
    %gather3A_210 = arith.constant 0 : i32
    %gather3A_211 = tpu.memref_slice %arg6[%gather3A_208, %gather3A_209, %gather3A_210] : memref<8x64x128xf32, #tpu.memory_space<vmem>> -> memref<1x64x128xf32, #tpu.memory_space<vmem>>
    %gather3A_212 = tpu.memref_squeeze %gather3A_211 : memref<1x64x128xf32, #tpu.memory_space<vmem>> -> memref<64x128xf32, #tpu.memory_space<vmem>>
    %gather3A_213 = tpu.vector_load_idx %gather3A_212[%add3A_207, %broadcast_in_dim3A_193] : memref<64x128xf32, #tpu.memory_space<vmem>>[vector<16xi32>, vector<16xi32>], vector<16xf32>,
    tpu.vector_store_idx %arg7[%add3A_207, %broadcast_in_dim3A_195], %gather3A_213 : memref<64x512xf32, #tpu.memory_space<vmem>>[vector<16xi32>, vector<16xi32>], vector<16xf32>,
    %add3A_214 = arith.constant 32 : i32
    %add3A_215 = vector.broadcast %add3A_214 : i32 to vector<16xi32>
    %add3A_216 = arith.addi %iota3A, %add3A_215 : vector<16xi32>
    %gather3A_217 = arith.constant 3 : i32
    %gather3A_218 = arith.constant 0 : i32
    %gather3A_219 = arith.constant 0 : i32
    %gather3A_220 = tpu.memref_slice %arg6[%gather3A_217, %gather3A_218, %gather3A_219] : memref<8x64x128xf32, #tpu.memory_space<vmem>> -> memref<1x64x128xf32, #tpu.memory_space<vmem>>
    %gather3A_221 = tpu.memref_squeeze %gather3A_220 : memref<1x64x128xf32, #tpu.memory_space<vmem>> -> memref<64x128xf32, #tpu.memory_space<vmem>>
    %gather3A_222 = tpu.vector_load_idx %gather3A_221[%add3A_216, %broadcast_in_dim3A_193] : memref<64x128xf32, #tpu.memory_space<vmem>>[vector<16xi32>, vector<16xi32>], vector<16xf32>,
    tpu.vector_store_idx %arg7[%add3A_216, %broadcast_in_dim3A_195], %gather3A_222 : memref<64x512xf32, #tpu.memory_space<vmem>>[vector<16xi32>, vector<16xi32>], vector<16xf32>,
    %add3A_223 = arith.constant 48 : i32
    %add3A_224 = vector.broadcast %add3A_223 : i32 to vector<16xi32>
    %add3A_225 = arith.addi %iota3A, %add3A_224 : vector<16xi32>
    %gather3A_226 = arith.constant 3 : i32
    %gather3A_227 = arith.constant 0 : i32
    %gather3A_228 = arith.constant 0 : i32
    %gather3A_229 = tpu.memref_slice %arg6[%gather3A_226, %gather3A_227, %gather3A_228] : memref<8x64x128xf32, #tpu.memory_space<vmem>> -> memref<1x64x128xf32, #tpu.memory_space<vmem>>
    %gather3A_230 = tpu.memref_squeeze %gather3A_229 : memref<1x64x128xf32, #tpu.memory_space<vmem>> -> memref<64x128xf32, #tpu.memory_space<vmem>>
    %gather3A_231 = tpu.vector_load_idx %gather3A_230[%add3A_225, %broadcast_in_dim3A_193] : memref<64x128xf32, #tpu.memory_space<vmem>>[vector<16xi32>, vector<16xi32>], vector<16xf32>,
    tpu.vector_store_idx %arg7[%add3A_225, %broadcast_in_dim3A_195], %gather3A_231 : memref<64x512xf32, #tpu.memory_space<vmem>>[vector<16xi32>, vector<16xi32>], vector<16xf32>,
    %slice3A_232 = vector.extract_strided_slice %scan3A_9 {offsets = [12], sizes = [1], strides = [1]} : vector<16xi32> to vector<1xi32>
    %squeeze3A_233 = vector.extract %slice3A_232[0] : i32 from vector<1xi32>
    %dma_wait3A_234 = arith.constant 4 : i32
    %dma_wait3A_235 = arith.constant 0 : i32
    %dma_wait3A_236 = arith.constant 0 : i32
    %dma_wait3A_237 = tpu.memref_slice %arg6[%dma_wait3A_234, %dma_wait3A_235, %dma_wait3A_236] : memref<8x64x128xf32, #tpu.memory_space<vmem>> -> memref<1x64x128xf32, #tpu.memory_space<vmem>>
    %dma_wait3A_238 = tpu.memref_squeeze %dma_wait3A_237 : memref<1x64x128xf32, #tpu.memory_space<vmem>> -> memref<64x128xf32, #tpu.memory_space<vmem>>
    %dma_wait3A_239 = arith.constant 0 : i32
    %dma_wait3A_240 = arith.constant 0 : i32
    %dma_wait3A_241 = tpu.memref_slice %arg3[%dma_wait3A_239, %dma_wait3A_240] : memref<64x1000000xf32, #tpu.memory_space<hbm>> -> memref<64x128xf32, #tpu.memory_space<hbm>>
    %dma_wait3A_242 = arith.constant 0 : i32
    %dma_wait3A_243 = arith.constant 0 : i32
    %dma_wait3A_244 = tpu.memref_slice %arg6[%dma_wait3A_234, %dma_wait3A_242, %dma_wait3A_243] : memref<8x64x128xf32, #tpu.memory_space<vmem>> -> memref<1x64x128xf32, #tpu.memory_space<vmem>>
    %dma_wait3A_245 = tpu.memref_squeeze %dma_wait3A_244 : memref<1x64x128xf32, #tpu.memory_space<vmem>> -> memref<64x128xf32, #tpu.memory_space<vmem>>
    %dma_wait3A_246 = arith.constant 0 : i32
    %dma_wait3A_247 = arith.constant 0 : i32
    %dma_wait3A_248 = tpu.memref_slice %arg3[%dma_wait3A_246, %dma_wait3A_247] : memref<64x1000000xf32, #tpu.memory_space<hbm>> -> memref<64x128xf32, #tpu.memory_space<hbm>>
    tpu.wait_dma2 semaphore(%arg13 : memref<!tpu.dma_semaphore, #tpu.memory_space<semaphore_mem>>) src(%dma_wait3A_248 : memref<64x128xf32, #tpu.memory_space<hbm>>) dst(%dma_wait3A_245 : memref<64x128xf32, #tpu.memory_space<vmem>>)
    %broadcast_in_dim3A_249 = vector.broadcast %squeeze3A_233 : i32 to vector<16xi32>
    %broadcast_in_dim3A_250 = arith.constant 508 : i32
    %broadcast_in_dim3A_251 = vector.broadcast %broadcast_in_dim3A_250 : i32 to vector<16xi32>
    %add3A_252 = arith.constant 0 : i32
    %add3A_253 = vector.broadcast %add3A_252 : i32 to vector<16xi32>
    %add3A_254 = arith.addi %iota3A, %add3A_253 : vector<16xi32>
    %gather3A_255 = arith.constant 4 : i32
    %gather3A_256 = arith.constant 0 : i32
    %gather3A_257 = arith.constant 0 : i32
    %gather3A_258 = tpu.memref_slice %arg6[%gather3A_255, %gather3A_256, %gather3A_257] : memref<8x64x128xf32, #tpu.memory_space<vmem>> -> memref<1x64x128xf32, #tpu.memory_space<vmem>>
    %gather3A_259 = tpu.memref_squeeze %gather3A_258 : memref<1x64x128xf32, #tpu.memory_space<vmem>> -> memref<64x128xf32, #tpu.memory_space<vmem>>
    %gather3A_260 = tpu.vector_load_idx %gather3A_259[%add3A_254, %broadcast_in_dim3A_249] : memref<64x128xf32, #tpu.memory_space<vmem>>[vector<16xi32>, vector<16xi32>], vector<16xf32>,
    tpu.vector_store_idx %arg7[%add3A_254, %broadcast_in_dim3A_251], %gather3A_260 : memref<64x512xf32, #tpu.memory_space<vmem>>[vector<16xi32>, vector<16xi32>], vector<16xf32>,
    %add3A_261 = arith.constant 16 : i32
    %add3A_262 = vector.broadcast %add3A_261 : i32 to vector<16xi32>
    %add3A_263 = arith.addi %iota3A, %add3A_262 : vector<16xi32>
    %gather3A_264 = arith.constant 4 : i32
    %gather3A_265 = arith.constant 0 : i32
    %gather3A_266 = arith.constant 0 : i32
    %gather3A_267 = tpu.memref_slice %arg6[%gather3A_264, %gather3A_265, %gather3A_266] : memref<8x64x128xf32, #tpu.memory_space<vmem>> -> memref<1x64x128xf32, #tpu.memory_space<vmem>>
    %gather3A_268 = tpu.memref_squeeze %gather3A_267 : memref<1x64x128xf32, #tpu.memory_space<vmem>> -> memref<64x128xf32, #tpu.memory_space<vmem>>
    %gather3A_269 = tpu.vector_load_idx %gather3A_268[%add3A_263, %broadcast_in_dim3A_249] : memref<64x128xf32, #tpu.memory_space<vmem>>[vector<16xi32>, vector<16xi32>], vector<16xf32>,
    tpu.vector_store_idx %arg7[%add3A_263, %broadcast_in_dim3A_251], %gather3A_269 : memref<64x512xf32, #tpu.memory_space<vmem>>[vector<16xi32>, vector<16xi32>], vector<16xf32>,
    %add3A_270 = arith.constant 32 : i32
    %add3A_271 = vector.broadcast %add3A_270 : i32 to vector<16xi32>
    %add3A_272 = arith.addi %iota3A, %add3A_271 : vector<16xi32>
    %gather3A_273 = arith.constant 4 : i32
    %gather3A_274 = arith.constant 0 : i32
    %gather3A_275 = arith.constant 0 : i32
    %gather3A_276 = tpu.memref_slice %arg6[%gather3A_273, %gather3A_274, %gather3A_275] : memref<8x64x128xf32, #tpu.memory_space<vmem>> -> memref<1x64x128xf32, #tpu.memory_space<vmem>>
    %gather3A_277 = tpu.memref_squeeze %gather3A_276 : memref<1x64x128xf32, #tpu.memory_space<vmem>> -> memref<64x128xf32, #tpu.memory_space<vmem>>
    %gather3A_278 = tpu.vector_load_idx %gather3A_277[%add3A_272, %broadcast_in_dim3A_249] : memref<64x128xf32, #tpu.memory_space<vmem>>[vector<16xi32>, vector<16xi32>], vector<16xf32>,
    tpu.vector_store_idx %arg7[%add3A_272, %broadcast_in_dim3A_251], %gather3A_278 : memref<64x512xf32, #tpu.memory_space<vmem>>[vector<16xi32>, vector<16xi32>], vector<16xf32>,
    %add3A_279 = arith.constant 48 : i32
    %add3A_280 = vector.broadcast %add3A_279 : i32 to vector<16xi32>
    %add3A_281 = arith.addi %iota3A, %add3A_280 : vector<16xi32>
    %gather3A_282 = arith.constant 4 : i32
    %gather3A_283 = arith.constant 0 : i32
    %gather3A_284 = arith.constant 0 : i32
    %gather3A_285 = tpu.memref_slice %arg6[%gather3A_282, %gather3A_283, %gather3A_284] : memref<8x64x128xf32, #tpu.memory_space<vmem>> -> memref<1x64x128xf32, #tpu.memory_space<vmem>>
    %gather3A_286 = tpu.memref_squeeze %gather3A_285 : memref<1x64x128xf32, #tpu.memory_space<vmem>> -> memref<64x128xf32, #tpu.memory_space<vmem>>
    %gather3A_287 = tpu.vector_load_idx %gather3A_286[%add3A_281, %broadcast_in_dim3A_249] : memref<64x128xf32, #tpu.memory_space<vmem>>[vector<16xi32>, vector<16xi32>], vector<16xf32>,
    tpu.vector_store_idx %arg7[%add3A_281, %broadcast_in_dim3A_251], %gather3A_287 : memref<64x512xf32, #tpu.memory_space<vmem>>[vector<16xi32>, vector<16xi32>], vector<16xf32>,
    %slice3A_288 = vector.extract_strided_slice %scan3A_9 {offsets = [13], sizes = [1], strides = [1]} : vector<16xi32> to vector<1xi32>
    %squeeze3A_289 = vector.extract %slice3A_288[0] : i32 from vector<1xi32>
    %dma_wait3A_290 = arith.constant 5 : i32
    %dma_wait3A_291 = arith.constant 0 : i32
    %dma_wait3A_292 = arith.constant 0 : i32
    %dma_wait3A_293 = tpu.memref_slice %arg6[%dma_wait3A_290, %dma_wait3A_291, %dma_wait3A_292] : memref<8x64x128xf32, #tpu.memory_space<vmem>> -> memref<1x64x128xf32, #tpu.memory_space<vmem>>
    %dma_wait3A_294 = tpu.memref_squeeze %dma_wait3A_293 : memref<1x64x128xf32, #tpu.memory_space<vmem>> -> memref<64x128xf32, #tpu.memory_space<vmem>>
    %dma_wait3A_295 = arith.constant 0 : i32
    %dma_wait3A_296 = arith.constant 0 : i32
    %dma_wait3A_297 = tpu.memref_slice %arg3[%dma_wait3A_295, %dma_wait3A_296] : memref<64x1000000xf32, #tpu.memory_space<hbm>> -> memref<64x128xf32, #tpu.memory_space<hbm>>
    %dma_wait3A_298 = arith.constant 0 : i32
    %dma_wait3A_299 = arith.constant 0 : i32
    %dma_wait3A_300 = tpu.memref_slice %arg6[%dma_wait3A_290, %dma_wait3A_298, %dma_wait3A_299] : memref<8x64x128xf32, #tpu.memory_space<vmem>> -> memref<1x64x128xf32, #tpu.memory_space<vmem>>
    %dma_wait3A_301 = tpu.memref_squeeze %dma_wait3A_300 : memref<1x64x128xf32, #tpu.memory_space<vmem>> -> memref<64x128xf32, #tpu.memory_space<vmem>>
    %dma_wait3A_302 = arith.constant 0 : i32
    %dma_wait3A_303 = arith.constant 0 : i32
    %dma_wait3A_304 = tpu.memref_slice %arg3[%dma_wait3A_302, %dma_wait3A_303] : memref<64x1000000xf32, #tpu.memory_space<hbm>> -> memref<64x128xf32, #tpu.memory_space<hbm>>
    tpu.wait_dma2 semaphore(%arg14 : memref<!tpu.dma_semaphore, #tpu.memory_space<semaphore_mem>>) src(%dma_wait3A_304 : memref<64x128xf32, #tpu.memory_space<hbm>>) dst(%dma_wait3A_301 : memref<64x128xf32, #tpu.memory_space<vmem>>)
    %broadcast_in_dim3A_305 = vector.broadcast %squeeze3A_289 : i32 to vector<16xi32>
    %broadcast_in_dim3A_306 = arith.constant 509 : i32
    %broadcast_in_dim3A_307 = vector.broadcast %broadcast_in_dim3A_306 : i32 to vector<16xi32>
    %add3A_308 = arith.constant 0 : i32
    %add3A_309 = vector.broadcast %add3A_308 : i32 to vector<16xi32>
    %add3A_310 = arith.addi %iota3A, %add3A_309 : vector<16xi32>
    %gather3A_311 = arith.constant 5 : i32
    %gather3A_312 = arith.constant 0 : i32
    %gather3A_313 = arith.constant 0 : i32
    %gather3A_314 = tpu.memref_slice %arg6[%gather3A_311, %gather3A_312, %gather3A_313] : memref<8x64x128xf32, #tpu.memory_space<vmem>> -> memref<1x64x128xf32, #tpu.memory_space<vmem>>
    %gather3A_315 = tpu.memref_squeeze %gather3A_314 : memref<1x64x128xf32, #tpu.memory_space<vmem>> -> memref<64x128xf32, #tpu.memory_space<vmem>>
    %gather3A_316 = tpu.vector_load_idx %gather3A_315[%add3A_310, %broadcast_in_dim3A_305] : memref<64x128xf32, #tpu.memory_space<vmem>>[vector<16xi32>, vector<16xi32>], vector<16xf32>,
    tpu.vector_store_idx %arg7[%add3A_310, %broadcast_in_dim3A_307], %gather3A_316 : memref<64x512xf32, #tpu.memory_space<vmem>>[vector<16xi32>, vector<16xi32>], vector<16xf32>,
    %add3A_317 = arith.constant 16 : i32
    %add3A_318 = vector.broadcast %add3A_317 : i32 to vector<16xi32>
    %add3A_319 = arith.addi %iota3A, %add3A_318 : vector<16xi32>
    %gather3A_320 = arith.constant 5 : i32
    %gather3A_321 = arith.constant 0 : i32
    %gather3A_322 = arith.constant 0 : i32
    %gather3A_323 = tpu.memref_slice %arg6[%gather3A_320, %gather3A_321, %gather3A_322] : memref<8x64x128xf32, #tpu.memory_space<vmem>> -> memref<1x64x128xf32, #tpu.memory_space<vmem>>
    %gather3A_324 = tpu.memref_squeeze %gather3A_323 : memref<1x64x128xf32, #tpu.memory_space<vmem>> -> memref<64x128xf32, #tpu.memory_space<vmem>>
    %gather3A_325 = tpu.vector_load_idx %gather3A_324[%add3A_319, %broadcast_in_dim3A_305] : memref<64x128xf32, #tpu.memory_space<vmem>>[vector<16xi32>, vector<16xi32>], vector<16xf32>,
    tpu.vector_store_idx %arg7[%add3A_319, %broadcast_in_dim3A_307], %gather3A_325 : memref<64x512xf32, #tpu.memory_space<vmem>>[vector<16xi32>, vector<16xi32>], vector<16xf32>,
    %add3A_326 = arith.constant 32 : i32
    %add3A_327 = vector.broadcast %add3A_326 : i32 to vector<16xi32>
    %add3A_328 = arith.addi %iota3A, %add3A_327 : vector<16xi32>
    %gather3A_329 = arith.constant 5 : i32
    %gather3A_330 = arith.constant 0 : i32
    %gather3A_331 = arith.constant 0 : i32
    %gather3A_332 = tpu.memref_slice %arg6[%gather3A_329, %gather3A_330, %gather3A_331] : memref<8x64x128xf32, #tpu.memory_space<vmem>> -> memref<1x64x128xf32, #tpu.memory_space<vmem>>
    %gather3A_333 = tpu.memref_squeeze %gather3A_332 : memref<1x64x128xf32, #tpu.memory_space<vmem>> -> memref<64x128xf32, #tpu.memory_space<vmem>>
    %gather3A_334 = tpu.vector_load_idx %gather3A_333[%add3A_328, %broadcast_in_dim3A_305] : memref<64x128xf32, #tpu.memory_space<vmem>>[vector<16xi32>, vector<16xi32>], vector<16xf32>,
    tpu.vector_store_idx %arg7[%add3A_328, %broadcast_in_dim3A_307], %gather3A_334 : memref<64x512xf32, #tpu.memory_space<vmem>>[vector<16xi32>, vector<16xi32>], vector<16xf32>,
    %add3A_335 = arith.constant 48 : i32
    %add3A_336 = vector.broadcast %add3A_335 : i32 to vector<16xi32>
    %add3A_337 = arith.addi %iota3A, %add3A_336 : vector<16xi32>
    %gather3A_338 = arith.constant 5 : i32
    %gather3A_339 = arith.constant 0 : i32
    %gather3A_340 = arith.constant 0 : i32
    %gather3A_341 = tpu.memref_slice %arg6[%gather3A_338, %gather3A_339, %gather3A_340] : memref<8x64x128xf32, #tpu.memory_space<vmem>> -> memref<1x64x128xf32, #tpu.memory_space<vmem>>
    %gather3A_342 = tpu.memref_squeeze %gather3A_341 : memref<1x64x128xf32, #tpu.memory_space<vmem>> -> memref<64x128xf32, #tpu.memory_space<vmem>>
    %gather3A_343 = tpu.vector_load_idx %gather3A_342[%add3A_337, %broadcast_in_dim3A_305] : memref<64x128xf32, #tpu.memory_space<vmem>>[vector<16xi32>, vector<16xi32>], vector<16xf32>,
    tpu.vector_store_idx %arg7[%add3A_337, %broadcast_in_dim3A_307], %gather3A_343 : memref<64x512xf32, #tpu.memory_space<vmem>>[vector<16xi32>, vector<16xi32>], vector<16xf32>,
    %slice3A_344 = vector.extract_strided_slice %scan3A_9 {offsets = [14], sizes = [1], strides = [1]} : vector<16xi32> to vector<1xi32>
    %squeeze3A_345 = vector.extract %slice3A_344[0] : i32 from vector<1xi32>
    %dma_wait3A_346 = arith.constant 6 : i32
    %dma_wait3A_347 = arith.constant 0 : i32
    %dma_wait3A_348 = arith.constant 0 : i32
    %dma_wait3A_349 = tpu.memref_slice %arg6[%dma_wait3A_346, %dma_wait3A_347, %dma_wait3A_348] : memref<8x64x128xf32, #tpu.memory_space<vmem>> -> memref<1x64x128xf32, #tpu.memory_space<vmem>>
    %dma_wait3A_350 = tpu.memref_squeeze %dma_wait3A_349 : memref<1x64x128xf32, #tpu.memory_space<vmem>> -> memref<64x128xf32, #tpu.memory_space<vmem>>
    %dma_wait3A_351 = arith.constant 0 : i32
    %dma_wait3A_352 = arith.constant 0 : i32
    %dma_wait3A_353 = tpu.memref_slice %arg3[%dma_wait3A_351, %dma_wait3A_352] : memref<64x1000000xf32, #tpu.memory_space<hbm>> -> memref<64x128xf32, #tpu.memory_space<hbm>>
    %dma_wait3A_354 = arith.constant 0 : i32
    %dma_wait3A_355 = arith.constant 0 : i32
    %dma_wait3A_356 = tpu.memref_slice %arg6[%dma_wait3A_346, %dma_wait3A_354, %dma_wait3A_355] : memref<8x64x128xf32, #tpu.memory_space<vmem>> -> memref<1x64x128xf32, #tpu.memory_space<vmem>>
    %dma_wait3A_357 = tpu.memref_squeeze %dma_wait3A_356 : memref<1x64x128xf32, #tpu.memory_space<vmem>> -> memref<64x128xf32, #tpu.memory_space<vmem>>
    %dma_wait3A_358 = arith.constant 0 : i32
    %dma_wait3A_359 = arith.constant 0 : i32
    %dma_wait3A_360 = tpu.memref_slice %arg3[%dma_wait3A_358, %dma_wait3A_359] : memref<64x1000000xf32, #tpu.memory_space<hbm>> -> memref<64x128xf32, #tpu.memory_space<hbm>>
    tpu.wait_dma2 semaphore(%arg15 : memref<!tpu.dma_semaphore, #tpu.memory_space<semaphore_mem>>) src(%dma_wait3A_360 : memref<64x128xf32, #tpu.memory_space<hbm>>) dst(%dma_wait3A_357 : memref<64x128xf32, #tpu.memory_space<vmem>>)
    %broadcast_in_dim3A_361 = vector.broadcast %squeeze3A_345 : i32 to vector<16xi32>
    %broadcast_in_dim3A_362 = arith.constant 510 : i32
    %broadcast_in_dim3A_363 = vector.broadcast %broadcast_in_dim3A_362 : i32 to vector<16xi32>
    %add3A_364 = arith.constant 0 : i32
    %add3A_365 = vector.broadcast %add3A_364 : i32 to vector<16xi32>
    %add3A_366 = arith.addi %iota3A, %add3A_365 : vector<16xi32>
    %gather3A_367 = arith.constant 6 : i32
    %gather3A_368 = arith.constant 0 : i32
    %gather3A_369 = arith.constant 0 : i32
    %gather3A_370 = tpu.memref_slice %arg6[%gather3A_367, %gather3A_368, %gather3A_369] : memref<8x64x128xf32, #tpu.memory_space<vmem>> -> memref<1x64x128xf32, #tpu.memory_space<vmem>>
    %gather3A_371 = tpu.memref_squeeze %gather3A_370 : memref<1x64x128xf32, #tpu.memory_space<vmem>> -> memref<64x128xf32, #tpu.memory_space<vmem>>
    %gather3A_372 = tpu.vector_load_idx %gather3A_371[%add3A_366, %broadcast_in_dim3A_361] : memref<64x128xf32, #tpu.memory_space<vmem>>[vector<16xi32>, vector<16xi32>], vector<16xf32>,
    tpu.vector_store_idx %arg7[%add3A_366, %broadcast_in_dim3A_363], %gather3A_372 : memref<64x512xf32, #tpu.memory_space<vmem>>[vector<16xi32>, vector<16xi32>], vector<16xf32>,
    %add3A_373 = arith.constant 16 : i32
    %add3A_374 = vector.broadcast %add3A_373 : i32 to vector<16xi32>
    %add3A_375 = arith.addi %iota3A, %add3A_374 : vector<16xi32>
    %gather3A_376 = arith.constant 6 : i32
    %gather3A_377 = arith.constant 0 : i32
    %gather3A_378 = arith.constant 0 : i32
    %gather3A_379 = tpu.memref_slice %arg6[%gather3A_376, %gather3A_377, %gather3A_378] : memref<8x64x128xf32, #tpu.memory_space<vmem>> -> memref<1x64x128xf32, #tpu.memory_space<vmem>>
    %gather3A_380 = tpu.memref_squeeze %gather3A_379 : memref<1x64x128xf32, #tpu.memory_space<vmem>> -> memref<64x128xf32, #tpu.memory_space<vmem>>
    %gather3A_381 = tpu.vector_load_idx %gather3A_380[%add3A_375, %broadcast_in_dim3A_361] : memref<64x128xf32, #tpu.memory_space<vmem>>[vector<16xi32>, vector<16xi32>], vector<16xf32>,
    tpu.vector_store_idx %arg7[%add3A_375, %broadcast_in_dim3A_363], %gather3A_381 : memref<64x512xf32, #tpu.memory_space<vmem>>[vector<16xi32>, vector<16xi32>], vector<16xf32>,
    %add3A_382 = arith.constant 32 : i32
    %add3A_383 = vector.broadcast %add3A_382 : i32 to vector<16xi32>
    %add3A_384 = arith.addi %iota3A, %add3A_383 : vector<16xi32>
    %gather3A_385 = arith.constant 6 : i32
    %gather3A_386 = arith.constant 0 : i32
    %gather3A_387 = arith.constant 0 : i32
    %gather3A_388 = tpu.memref_slice %arg6[%gather3A_385, %gather3A_386, %gather3A_387] : memref<8x64x128xf32, #tpu.memory_space<vmem>> -> memref<1x64x128xf32, #tpu.memory_space<vmem>>
    %gather3A_389 = tpu.memref_squeeze %gather3A_388 : memref<1x64x128xf32, #tpu.memory_space<vmem>> -> memref<64x128xf32, #tpu.memory_space<vmem>>
    %gather3A_390 = tpu.vector_load_idx %gather3A_389[%add3A_384, %broadcast_in_dim3A_361] : memref<64x128xf32, #tpu.memory_space<vmem>>[vector<16xi32>, vector<16xi32>], vector<16xf32>,
    tpu.vector_store_idx %arg7[%add3A_384, %broadcast_in_dim3A_363], %gather3A_390 : memref<64x512xf32, #tpu.memory_space<vmem>>[vector<16xi32>, vector<16xi32>], vector<16xf32>,
    %add3A_391 = arith.constant 48 : i32
    %add3A_392 = vector.broadcast %add3A_391 : i32 to vector<16xi32>
    %add3A_393 = arith.addi %iota3A, %add3A_392 : vector<16xi32>
    %gather3A_394 = arith.constant 6 : i32
    %gather3A_395 = arith.constant 0 : i32
    %gather3A_396 = arith.constant 0 : i32
    %gather3A_397 = tpu.memref_slice %arg6[%gather3A_394, %gather3A_395, %gather3A_396] : memref<8x64x128xf32, #tpu.memory_space<vmem>> -> memref<1x64x128xf32, #tpu.memory_space<vmem>>
    %gather3A_398 = tpu.memref_squeeze %gather3A_397 : memref<1x64x128xf32, #tpu.memory_space<vmem>> -> memref<64x128xf32, #tpu.memory_space<vmem>>
    %gather3A_399 = tpu.vector_load_idx %gather3A_398[%add3A_393, %broadcast_in_dim3A_361] : memref<64x128xf32, #tpu.memory_space<vmem>>[vector<16xi32>, vector<16xi32>], vector<16xf32>,
    tpu.vector_store_idx %arg7[%add3A_393, %broadcast_in_dim3A_363], %gather3A_399 : memref<64x512xf32, #tpu.memory_space<vmem>>[vector<16xi32>, vector<16xi32>], vector<16xf32>,
    %slice3A_400 = vector.extract_strided_slice %scan3A_9 {offsets = [15], sizes = [1], strides = [1]} : vector<16xi32> to vector<1xi32>
    %squeeze3A_401 = vector.extract %slice3A_400[0] : i32 from vector<1xi32>
    %dma_wait3A_402 = arith.constant 7 : i32
    %dma_wait3A_403 = arith.constant 0 : i32
    %dma_wait3A_404 = arith.constant 0 : i32
    %dma_wait3A_405 = tpu.memref_slice %arg6[%dma_wait3A_402, %dma_wait3A_403, %dma_wait3A_404] : memref<8x64x128xf32, #tpu.memory_space<vmem>> -> memref<1x64x128xf32, #tpu.memory_space<vmem>>
    %dma_wait3A_406 = tpu.memref_squeeze %dma_wait3A_405 : memref<1x64x128xf32, #tpu.memory_space<vmem>> -> memref<64x128xf32, #tpu.memory_space<vmem>>
    %dma_wait3A_407 = arith.constant 0 : i32
    %dma_wait3A_408 = arith.constant 0 : i32
    %dma_wait3A_409 = tpu.memref_slice %arg3[%dma_wait3A_407, %dma_wait3A_408] : memref<64x1000000xf32, #tpu.memory_space<hbm>> -> memref<64x128xf32, #tpu.memory_space<hbm>>
    %dma_wait3A_410 = arith.constant 0 : i32
    %dma_wait3A_411 = arith.constant 0 : i32
    %dma_wait3A_412 = tpu.memref_slice %arg6[%dma_wait3A_402, %dma_wait3A_410, %dma_wait3A_411] : memref<8x64x128xf32, #tpu.memory_space<vmem>> -> memref<1x64x128xf32, #tpu.memory_space<vmem>>
    %dma_wait3A_413 = tpu.memref_squeeze %dma_wait3A_412 : memref<1x64x128xf32, #tpu.memory_space<vmem>> -> memref<64x128xf32, #tpu.memory_space<vmem>>
    %dma_wait3A_414 = arith.constant 0 : i32
    %dma_wait3A_415 = arith.constant 0 : i32
    %dma_wait3A_416 = tpu.memref_slice %arg3[%dma_wait3A_414, %dma_wait3A_415] : memref<64x1000000xf32, #tpu.memory_space<hbm>> -> memref<64x128xf32, #tpu.memory_space<hbm>>
    tpu.wait_dma2 semaphore(%arg16 : memref<!tpu.dma_semaphore, #tpu.memory_space<semaphore_mem>>) src(%dma_wait3A_416 : memref<64x128xf32, #tpu.memory_space<hbm>>) dst(%dma_wait3A_413 : memref<64x128xf32, #tpu.memory_space<vmem>>)
    %broadcast_in_dim3A_417 = vector.broadcast %squeeze3A_401 : i32 to vector<16xi32>
    %broadcast_in_dim3A_418 = arith.constant 511 : i32
    %broadcast_in_dim3A_419 = vector.broadcast %broadcast_in_dim3A_418 : i32 to vector<16xi32>
    %add3A_420 = arith.constant 0 : i32
    %add3A_421 = vector.broadcast %add3A_420 : i32 to vector<16xi32>
    %add3A_422 = arith.addi %iota3A, %add3A_421 : vector<16xi32>
    %gather3A_423 = arith.constant 7 : i32
    %gather3A_424 = arith.constant 0 : i32
    %gather3A_425 = arith.constant 0 : i32
    %gather3A_426 = tpu.memref_slice %arg6[%gather3A_423, %gather3A_424, %gather3A_425] : memref<8x64x128xf32, #tpu.memory_space<vmem>> -> memref<1x64x128xf32, #tpu.memory_space<vmem>>
    %gather3A_427 = tpu.memref_squeeze %gather3A_426 : memref<1x64x128xf32, #tpu.memory_space<vmem>> -> memref<64x128xf32, #tpu.memory_space<vmem>>
    %gather3A_428 = tpu.vector_load_idx %gather3A_427[%add3A_422, %broadcast_in_dim3A_417] : memref<64x128xf32, #tpu.memory_space<vmem>>[vector<16xi32>, vector<16xi32>], vector<16xf32>,
    tpu.vector_store_idx %arg7[%add3A_422, %broadcast_in_dim3A_419], %gather3A_428 : memref<64x512xf32, #tpu.memory_space<vmem>>[vector<16xi32>, vector<16xi32>], vector<16xf32>,
    %add3A_429 = arith.constant 16 : i32
    %add3A_430 = vector.broadcast %add3A_429 : i32 to vector<16xi32>
    %add3A_431 = arith.addi %iota3A, %add3A_430 : vector<16xi32>
    %gather3A_432 = arith.constant 7 : i32
    %gather3A_433 = arith.constant 0 : i32
    %gather3A_434 = arith.constant 0 : i32
    %gather3A_435 = tpu.memref_slice %arg6[%gather3A_432, %gather3A_433, %gather3A_434] : memref<8x64x128xf32, #tpu.memory_space<vmem>> -> memref<1x64x128xf32, #tpu.memory_space<vmem>>
    %gather3A_436 = tpu.memref_squeeze %gather3A_435 : memref<1x64x128xf32, #tpu.memory_space<vmem>> -> memref<64x128xf32, #tpu.memory_space<vmem>>
    %gather3A_437 = tpu.vector_load_idx %gather3A_436[%add3A_431, %broadcast_in_dim3A_417] : memref<64x128xf32, #tpu.memory_space<vmem>>[vector<16xi32>, vector<16xi32>], vector<16xf32>,
    tpu.vector_store_idx %arg7[%add3A_431, %broadcast_in_dim3A_419], %gather3A_437 : memref<64x512xf32, #tpu.memory_space<vmem>>[vector<16xi32>, vector<16xi32>], vector<16xf32>,
    %add3A_438 = arith.constant 32 : i32
    %add3A_439 = vector.broadcast %add3A_438 : i32 to vector<16xi32>
    %add3A_440 = arith.addi %iota3A, %add3A_439 : vector<16xi32>
    %gather3A_441 = arith.constant 7 : i32
    %gather3A_442 = arith.constant 0 : i32
    %gather3A_443 = arith.constant 0 : i32
    %gather3A_444 = tpu.memref_slice %arg6[%gather3A_441, %gather3A_442, %gather3A_443] : memref<8x64x128xf32, #tpu.memory_space<vmem>> -> memref<1x64x128xf32, #tpu.memory_space<vmem>>
    %gather3A_445 = tpu.memref_squeeze %gather3A_444 : memref<1x64x128xf32, #tpu.memory_space<vmem>> -> memref<64x128xf32, #tpu.memory_space<vmem>>
    %gather3A_446 = tpu.vector_load_idx %gather3A_445[%add3A_440, %broadcast_in_dim3A_417] : memref<64x128xf32, #tpu.memory_space<vmem>>[vector<16xi32>, vector<16xi32>], vector<16xf32>,
    tpu.vector_store_idx %arg7[%add3A_440, %broadcast_in_dim3A_419], %gather3A_446 : memref<64x512xf32, #tpu.memory_space<vmem>>[vector<16xi32>, vector<16xi32>], vector<16xf32>,
    %add3A_447 = arith.constant 48 : i32
    %add3A_448 = vector.broadcast %add3A_447 : i32 to vector<16xi32>
    %add3A_449 = arith.addi %iota3A, %add3A_448 : vector<16xi32>
    %gather3A_450 = arith.constant 7 : i32
    %gather3A_451 = arith.constant 0 : i32
    %gather3A_452 = arith.constant 0 : i32
    %gather3A_453 = tpu.memref_slice %arg6[%gather3A_450, %gather3A_451, %gather3A_452] : memref<8x64x128xf32, #tpu.memory_space<vmem>> -> memref<1x64x128xf32, #tpu.memory_space<vmem>>
    %gather3A_454 = tpu.memref_squeeze %gather3A_453 : memref<1x64x128xf32, #tpu.memory_space<vmem>> -> memref<64x128xf32, #tpu.memory_space<vmem>>
    %gather3A_455 = tpu.vector_load_idx %gather3A_454[%add3A_449, %broadcast_in_dim3A_417] : memref<64x128xf32, #tpu.memory_space<vmem>>[vector<16xi32>, vector<16xi32>], vector<16xf32>,
    tpu.vector_store_idx %arg7[%add3A_449, %broadcast_in_dim3A_419], %gather3A_455 : memref<64x512xf32, #tpu.memory_space<vmem>>[vector<16xi32>, vector<16xi32>], vector<16xf32>,
    %dma_start3A_456 = arith.constant 0 : i32
    %dma_start3A_457 = tpu.memref_slice %arg4[%dma_start3A_456, %mul3A_2] : memref<64x16384xf32, #tpu.memory_space<hbm>> -> memref<64x512xf32, #tpu.memory_space<hbm>>
    %dma_start3A_458 = arith.constant 0 : i32
    %dma_start3A_459 = tpu.memref_slice %arg4[%dma_start3A_458, %mul3A_2] : memref<64x16384xf32, #tpu.memory_space<hbm>> -> memref<64x512xf32, #tpu.memory_space<hbm>>
    tpu.enqueue_dma source(%arg7 : memref<64x512xf32, #tpu.memory_space<vmem>>) target(%dma_start3A_459 : memref<64x512xf32, #tpu.memory_space<hbm>>) target_semaphore(%arg8 : memref<!tpu.dma_semaphore, #tpu.memory_space<semaphore_mem>>)
    %dma_wait3A_460 = arith.constant 0 : i32
    %dma_wait3A_461 = tpu.memref_slice %arg4[%dma_wait3A_460, %mul3A_2] : memref<64x16384xf32, #tpu.memory_space<hbm>> -> memref<64x512xf32, #tpu.memory_space<hbm>>
    %dma_wait3A_462 = arith.constant 0 : i32
    %dma_wait3A_463 = tpu.memref_slice %arg4[%dma_wait3A_462, %mul3A_2] : memref<64x16384xf32, #tpu.memory_space<hbm>> -> memref<64x512xf32, #tpu.memory_space<hbm>>
    tpu.wait_dma2 semaphore(%arg8 : memref<!tpu.dma_semaphore, #tpu.memory_space<semaphore_mem>>) src(%arg7 : memref<64x512xf32, #tpu.memory_space<vmem>>) dst(%dma_wait3A_463 : memref<64x512xf32, #tpu.memory_space<hbm>>)
    return
  }
}

</mosaic_0001>

<sc_bundles>
// kernel: kernel.3.cloned.1.call-start
scs
__scs_entry_jumppad:
0x0: {  	(pc) =	sbr.rel $0x88, $3  }
0x1: {  	(tag) =	ssettag $0x0;
	lr =	simm.s32 $0x1  }
0x2: {  	[smem:$0x3F9F] =	sst lr;
	_ =	strace $0xD0000000  }
0x3: {  	_ = 	snop  }
0x4: {  	_ = 	snop  }
0x5: {  	_ = 	snop  }
0x6: {  	_ = 	snop  }
0x7: {  	_ = 	snop  }
__scs_overlays_trampoline_lowered:
0x8: {  	[smem:$0x3FAE] =	sst s0  }
0x9: {  	[smem:$0x3FAF] =	sst s1  }
0xa: {  	[smem:$0x3FB0] =	sst s2  }
0xb: {  	[smem:$0x3FB1] =	sst s3  }
0xc: {  	[smem:$0x3FB2] =	sst s4  }
0xd: {  	[smem:$0x3FB3] =	sst s5  }
0xe: {  	[smem:$0x3FB4] =	sst s6  }
0xf: {  	[smem:$0x3FB5] =	sst s7  }
0x10: {  	[smem:$0x3FB6] =	sst s8  }
0x11: {  	[smem:$0x3FB7] =	sst s9;
	s0 =	simm.s32 @!p0 $0x0  }
0x12: {  	s1 =	sld [smem:$0x3F9D];
	s0 =	simm.s32 @p0 $0x1  }
0x13: {  	[smem:$0x3FB8] =	sst s0;
	s0 =	simm.s32 @!p1 $0x0  }
0x14: {  	s2 =	sld [smem:$0x3F9C];
	s0 =	simm.s32 @p1 $0x1  }
0x15: {  	[smem:$0x3FB9] =	sst s0;
	s0 =	simm.s32 @!p2 $0x0  }
0x16: {  	s3 =	sld [smem:$0x3FDB];
	s0 =	simm.s32 @p2 $0x1  }
0x17: {  	s4 =	simm.s32 $0x1BF5;
	[smem:$0x3FBB] =	sst s0  }
0x18: {  	s0 =	sld [smem:$0x3F9E];
	_ =	swait.ge [sflag:s4], $0x0  }
0x19: {  	s7 =	sld [smem:$0x3F9F]  }
0x1a: {  	s8 =	sadd.s32 $0xFFFFE003, lr  }
0x1b: {  	s9 =	sadd.s32 $0xFFFFFEF7, lr;
	s5 =	simm.s32 $0xFFFFFFFF;
	p2 =	slt.u32 s8, $0xFFFFF086  }
0x1c: {  	p1 =	slt.u32 s9, $0xF7A;
	s5 =	simm.s32 @!p2 $0x0  }
0x1d: {  	s5 =	simm.s32 @p1 $0x1;
	p0 =	seq.s32 s7, s2  }
0x1e: {  	s7 =	smul.u32 @!p0 $0xF7A, s2;
	p2 =	seq.s32 @!p0 s5, $0x0  }
0x1f: {  	s9 =	smul.u32 $0xF7A, s1;
	s8 =	simm.s32 @!p0 $0x1BF5;
	p2 =	por !p2, p0  }
0x20: {  	[sflag:s8] =	ssyncset.s32 @!p0 $0xFFFFF086;
	s6 =	sadd.s32 @!p0 s3, s7;
	s7 =	simm.s32 @!p0 $0x108  }
0x21: {  	s3 =	sadd.s32 s3, s9;
	s6 =	sadd.s32 @!p0 $0x88, s6;
	s7 =	simm.s32 @p2 $0x1082  }
0x22: {  	[simem:s7], [sflag:s8] =	dma.local @!p0 [hbm:s6], $0xF7A  }
0x23: {  	s9 =	sor.u32 $0xD0000000, s2;
	s6 =	simm.s32 $0x108;
	_ =	swait.ge @!p0 [sflag:s8], $0x0  }
0x24: {  	s3 =	sadd.s32 $0x88, s3;
	s6 =	simm.s32 @!p1 $0x1082;
	[sflag:s4] =	ssyncset.s32 $0xFFFFF086  }
0x25: {  	[simem:s6], [sflag:s4] =	dma.local [hbm:s3], $0xF7A  }
0x26: {  	[smem:$0x3F9F] =	sst s1;
	(tag) =	ssettag s2;
	_ =	strace s9  }
0x27: {  	s1 =	sld [smem:$0x3FAF]  }
0x28: {  	s2 =	sld [smem:$0x3FB0]  }
0x29: {  	s4 =	sld [smem:$0x3FB2]  }
0x2a: {  	p0 =	seq.s32 s5, $0x0;
	s5 =	sld [smem:$0x3FB3]  }
0x2b: {  	s6 =	sld [smem:$0x3FB4]  }
0x2c: {  	s7 =	sld [smem:$0x3FB5]  }
0x2d: {  	s3 =	simm.s32 $0x108;
	s8 =	sld [smem:$0x3FB6]  }
0x2e: {  	s3 =	simm.s32 @!p0 $0x1082;
	s9 =	sld [smem:$0x3FB7]  }
0x2f: {  	lr =	sadd.s32 s0, s3;
	s0 =	sld [smem:$0x3FAE]  }
0x30: {  	s3 =	sld [smem:$0x3FB1]  }
0x31: {  	[smem:$0x3FBA] =	sst s10  }
0x32: {  	s10 =	sld [smem:$0x3FB8];
	_ =	sdelay $0x3  }
0x33: {  	p0 =	seq.s32 s10, $0x1;
	s10 =	sld [smem:$0x3FBA];
	_ =	sdelay $0x3  }
0x34: {  	[smem:$0x3FBA] =	sst s10  }
0x35: {  	s10 =	sld [smem:$0x3FB9];
	_ =	sdelay $0x3  }
0x36: {  	p1 =	seq.s32 s10, $0x1;
	s10 =	sld [smem:$0x3FBA];
	_ =	sdelay $0x3  }
0x37: {  	[smem:$0x3FBA] =	sst s10  }
0x38: {  	s10 =	sld [smem:$0x3FBB]  }
0x39: {  	_ = 	snop;
	(pc) =	sbr.ind lr, $3  }
0x3a: {  	_ = 	snop  }
0x3b: {  	_ = 	snop  }
0x3c: {  	p2 =	seq.s32 s10, $0x1;
	s10 =	sld [smem:$0x3FBA]  }
0x3d: {  	_ =	shalt  }
0x3e: {  	_ =	shalt  }
0x3f: {  	_ =	shalt  }
0x40: {  	_ =	shalt  }
0x41: {  	_ =	shalt  }
0x42: {  	_ =	shalt  }
0x43: {  	_ =	shalt  }
0x44: {  	_ =	shalt  }
0x45: {  	_ =	shalt  }
0x46: {  	_ =	shalt  }
0x47: {  	_ =	shalt  }
0x48: {  	_ =	shalt  }
0x49: {  	_ =	shalt  }
0x4a: {  	_ =	shalt  }
0x4b: {  	_ =	shalt  }
0x4c: {  	_ =	shalt  }
0x4d: {  	_ =	shalt  }
0x4e: {  	_ =	shalt  }
0x4f: {  	_ =	shalt  }
0x50: {  	_ =	shalt  }
0x51: {  	_ =	shalt  }
0x52: {  	_ =	shalt  }
0x53: {  	_ =	shalt  }
0x54: {  	_ =	shalt  }
0x55: {  	_ =	shalt  }
0x56: {  	_ =	shalt  }
0x57: {  	_ =	shalt  }
0x58: {  	_ =	shalt  }
0x59: {  	_ =	shalt  }
0x5a: {  	_ =	shalt  }
0x5b: {  	_ =	shalt  }
0x5c: {  	_ =	shalt  }
0x5d: {  	_ =	shalt  }
0x5e: {  	_ =	shalt  }
0x5f: {  	_ =	shalt  }
0x60: {  	_ =	shalt  }
0x61: {  	_ =	shalt  }
0x62: {  	_ =	shalt  }
0x63: {  	_ =	shalt  }
0x64: {  	_ =	shalt  }
0x65: {  	_ =	shalt  }
0x66: {  	_ =	shalt  }
0x67: {  	_ =	shalt  }
0x68: {  	_ =	shalt  }
0x69: {  	_ =	shalt  }
0x6a: {  	_ =	shalt  }
0x6b: {  	_ =	shalt  }
0x6c: {  	_ =	shalt  }
0x6d: {  	_ =	shalt  }
0x6e: {  	_ =	shalt  }
0x6f: {  	_ =	shalt  }
0x70: {  	_ =	shalt  }
0x71: {  	_ =	shalt  }
0x72: {  	_ =	shalt  }
0x73: {  	_ =	shalt  }
0x74: {  	_ =	shalt  }
0x75: {  	_ =	shalt  }
0x76: {  	_ =	shalt  }
0x77: {  	_ =	shalt  }
0x78: {  	_ =	shalt  }
0x79: {  	_ =	shalt  }
0x7a: {  	_ =	shalt  }
0x7b: {  	_ =	shalt  }
0x7c: {  	_ =	shalt  }
0x7d: {  	_ =	shalt  }
0x7e: {  	_ =	shalt  }
0x7f: {  	_ =	shalt  }
0x80: {  	_ =	shalt  }
0x81: {  	_ =	shalt  }
0x82: {  	_ =	shalt  }
0x83: {  	_ =	shalt  }
0x84: {  	_ =	shalt  }
0x85: {  	_ =	shalt  }
0x86: {  	_ =	shalt  }
0x87: {  	_ =	shalt  }
.Lfunc_end0:
.L_simem_size_0:
called_computation_lowered:
.L_overlay_start_0:
0x88: {  	s2 =	sld [smem:$0x3FD9]  }
0x89: {  	s3 =	sld [smem:$0x3FFE];
	_ =	sdelay $0x1  }
0x8a: {  	s1 =	srdreg.scid  }
0x8b: {  	s0 =	sand.u32 $0x1, s1  }
0x8c: {  	s18 =	sshll.u32 s0, $0xA;
	s2 =	sadd.s32 s3, s2  }
0x8d: {  	s2 =	sadd.s32 s2, s18  }
0x8e: {  	[smem:$0x3FC6] =	sst s2  }
0x8f: {  	_ = 	snop  }
0x90: {  	s2 =	sld [smem:$0x3FC9]  }
0x91: {  	s19 =	sld [smem:$0x3FC8]  }
0x92: {  	s4 =	sld [smem:$0x3FD0];
	(tm) =	ssettm $0x1  }
0x93: {  	s5 =	sld [smem:$0x3FFB];
	_ =	sdelay $0x3  }
0x94: {  	_ =	strace s5  }
0x95: {  	s5 =	sld [smem:$0x3FFC];
	_ =	sdelay $0x3  }
0x96: {  	_ =	strace s5  }
0x97: {  	s5 =	sld [smem:$0x3FFD];
	_ =	sdelay $0x3  }
0x98: {  	_ =	strace s5  }
0x99: {  	_ =	strace $0x8FFFFFFF  }
0x9a: {  	s20 =	sld [smem:$0x3FDB];
	_ =	sdelay $0x1  }
0x9b: {  	s6 =	simm.s32 $_scs_section_size  }
0x9c: {  	s7 =	simm.s32 $_size__tile_overlayer_lowered;
	s8 =	simm.s32 $_tile_overlayer_lowered  }
0x9d: {  	s23 =	simm.s32 $0x1BFF;
	s22 =	sshll.u32 s8, $0x1;
	s5 =	sadd.s32 s6, s20  }
0x9e: {  	s9 =	simm.s32 $0x0;
	s21 =	sshll.u32 s7, $0x1;
	s7 =	sadd.s32 s22, s5  }
0x9f: {  	[timem:s9], [sflag:s23] =	dma.local [hbm:s7], s21  }
0xa0: {  	_ =	swait.ge [sflag:s23], s21  }
0xa1: {  	s6 =	ssub.s32 $0x0, s21;
	[sflag:s23] =	ssyncset.done $0x0  }
0xa2: {  	[sflag:s23] =	ssyncadd.s32 s6;
	_ =	sdelay $0x1  }
0xa3: {  	s24 =	simm.s32 $0x1B8B  }
0xa4: {  	_ =	swait.ge [sflag:s24], $0x1  }
0xa5: {  	[sflag:s24] =	ssyncset.done $0x0  }
0xa6: {  	s25 =	simm.s32 $0x1B8E;
	[sflag:s24] =	ssyncadd.s32 $0xFFFFFFFF  }
0xa7: {  	s26 =	simm.s32 $execute0_lowered;
	[smem:$0x3FD2] =	sst s25  }
0xa8: {  	s6 =	sshll.u32 s26, $0x1;
	_ =	strace $0x80000046;
	[dreg:$0x1] =	wrdreg $0xFFFFFFFF  }
0xa9: {  	s28 =	simm.s32 $_size_execute0_lowered;
	s5 =	sadd.s32 s5, s6;
	[dreg:$0x0] =	wrdreg $0x0  }
0xaa: {  	s6 =	sshll.u32 s28, $0x1;
	[dreg:$0x2] =	wrdreg s5  }
0xab: {  	[dreg:$0x3] =	wrdreg s6  }
0xac: {  	[dreg:$0x4] =	wrdreg $0xC0  }
0xad: {  	_ =	task [dreg:s9], $0x5FFFF  }
0xae: {  	[dreg:$0x1] =	wrdreg $0xFFFFFFFF  }
0xaf: {  	[dreg:$0x0] =	wrdreg $0x60  }
0xb0: {  	[dreg:$0x2] =	wrdreg s2  }
0xb1: {  	[dreg:$0x3] =	wrdreg s19  }
0xb2: {  	[dreg:$0x4] =	wrdreg s4  }
0xb3: {  	[dreg:$0x5] =	wrdreg $0x9  }
0xb4: {  	_ =	task.clear_ibuf [dreg:s9], $0x6FFFF;
	_ =	strace $0x90000046  }
0xb5: {  	s29 =	simm.s32 $0x9;
	_ =	strace $0x80000048  }
0xb6: {  	_ =	swait.ge [sflag:s29], $0x1  }
0xb7: {  	[sflag:s29] =	ssyncadd.s32 $0xFFFFFFFF  }
0xb8: {  	_ =	strace $0x90000048  }
0xb9: {  	_ =	sfence  }
0xba: {  	s30 =	sld [smem:$0x0];
	_ =	sdelay $0x2  }
0xbb: {  	s31 =	sshll.u32 s1, $0xD;
	s1 =	sshrl.u32 s1, $0x2  }
0xbc: {  	s3 =	sand.u32 $0x4000, s31;
	s1 =	sadd.s32 s1, s30  }
0xbd: {  	s0 =	sor.u32 s3, s0;
	s1 =	sshll.u32 s1, $0x11  }
0xbe: {  	s0 =	sor.u32 s1, s0  }
0xbf: {  	s0 =	sadd.s32 $0x8F2B, s0  }
0xc0: {  	[sflag:s0] =	ssyncadd.remote.s32 $0x1  }
0xc1: {  	_ =	sfence.sel $0xFFFF  }
0xc2: {  	[dreg:$0x0] =	wrdreg $0xFFFFFFFF;
	(pc) =	sbr.abs _section_cstart, $3  }
0xc3: {  	[dreg:$0x1] =	wrdreg $0xFFFFFFFF  }
0xc4: {  	_ =	task.clear_ibuf [dreg:s9], $0x2FFFF;
	_ =	strace $0x9FFFFFFF  }
0xc5: {  	(tm) =	ssettm $0x7FFFFFFF  }
tec
execute0_lowered:
.L_overlay_start_1:
0x0: {  	(tag) =	ssettag $0x1  }
0x1: {  	v0 =	vimm.s32 $0x1380;
	vm14 =	vcmask $0x300  }
0x2: {  	vm13 =	vcmask $0x704;
	vm12 =	vcmask $0xB08;
	vm11 =	vcmask $0xF0C  }
0x3: {  	vm10 =	vcmask $0x1310;
	vm9 =	vcmask $0x1714;
	vm8 =	vcmask $0x1B18  }
0x4: {  	v1 =	vlaneseq.u32;
	vm6 =	vcmask $0x1F1C;
	vm0 =	vcmask $0x2320  }
0x5: {  	v3 =	vimm.s32 $0x5380;
	vm1 =	vcmask $0x2724;
	vm2 =	vcmask $0x2B28  }
0x6: {  	vm3 =	vcmask $0x2F2C;
	vm4 =	vcmask $0x3330;
	vm5 =	vcmask $0x3734  }
0x7: {  	vm7 =	vcmask $0x3B38;
	v7 =	vimm.s32 $0x7380;
	v8 =	vimm.s32 $0x1FF8  }
0x8: {  	v9 =	vimm.s32 $0x3FF8;
	v10 =	vimm.s32 $0x5FF8;
	v11 =	vimm.s32 $0x7FF8  }
0x9: {  	v12 =	vimm.s32 $0x1FF9;
	v13 =	vimm.s32 $0x3FF9;
	v14 =	vimm.s32 $0x5FF9  }
0xa: {  	v15 =	vimm.s32 $0x7FF9;
	v16 =	vimm.s32 $0x1FFA;
	v17 =	vimm.s32 $0x3FFA  }
0xb: {  	v18 =	vimm.s32 $0x5FFA;
	v19 =	vimm.s32 $0x7FFA;
	v20 =	vimm.s32 $0x1FFB  }
0xc: {  	v21 =	vimm.s32 $0x3FFB;
	v22 =	vimm.s32 $0x5FFB;
	v23 =	vimm.s32 $0x7FFB  }
0xd: {  	v24 =	vimm.s32 $0x1FFC;
	v25 =	vimm.s32 $0x3FFC;
	v26 =	vimm.s32 $0x5FFC  }
0xe: {  	v27 =	vimm.s32 $0x7FFC;
	v28 =	vimm.s32 $0x1FFD;
	v29 =	vimm.s32 $0x3FFD  }
0xf: {  	v30 =	vimm.s32 $0x5FFD;
	v31 =	vimm.s32 $0x7FFD;
	v32 =	vimm.s32 $0x1FFE  }
0x10: {  	v33 =	vimm.s32 $0x3FFE;
	v34 =	vimm.s32 $0x5FFE;
	v35 =	vimm.s32 $0x7FFE  }
0x11: {  	v36 =	vimm.s32 $0x1FFF;
	v37 =	vimm.s32 $0x3FFF;
	v38 =	vimm.s32 $0x5FFF  }
0x12: {  	v39 =	vimm.s32 $0x7FFF;
	v0 =	vsel vm14, $0x0, v0;
	v3 =	vsel vm14, $0x4000, v3  }
0x13: {  	v7 =	vsel vm14, $0x6000, v7;
	v8 =	vsel vm14, $0xC78, v8;
	v9 =	vsel vm14, $0x2C78, v9  }
0x14: {  	v10 =	vsel vm14, $0x4C78, v10;
	v11 =	vsel vm14, $0x6C78, v11;
	v12 =	vsel vm14, $0xC79, v12  }
0x15: {  	v13 =	vsel vm14, $0x2C79, v13;
	v14 =	vsel vm14, $0x4C79, v14;
	v15 =	vsel vm14, $0x6C79, v15  }
0x16: {  	v16 =	vsel vm14, $0xC7A, v16;
	v17 =	vsel vm14, $0x2C7A, v17;
	v18 =	vsel vm14, $0x4C7A, v18  }
0x17: {  	v19 =	vsel vm14, $0x6C7A, v19;
	v20 =	vsel vm14, $0xC7B, v20;
	v21 =	vsel vm14, $0x2C7B, v21  }
0x18: {  	v22 =	vsel vm14, $0x4C7B, v22;
	v23 =	vsel vm14, $0x6C7B, v23;
	v24 =	vsel vm14, $0xC7C, v24  }
0x19: {  	v25 =	vsel vm14, $0x2C7C, v25;
	v26 =	vsel vm14, $0x4C7C, v26;
	v27 =	vsel vm14, $0x6C7C, v27  }
0x1a: {  	v28 =	vsel vm14, $0xC7D, v28;
	v29 =	vsel vm14, $0x2C7D, v29;
	v30 =	vsel vm14, $0x4C7D, v30  }
0x1b: {  	v31 =	vsel vm14, $0x6C7D, v31;
	v32 =	vsel vm14, $0xC7E, v32;
	v33 =	vsel vm14, $0x2C7E, v33  }
0x1c: {  	v34 =	vsel vm14, $0x4C7E, v34;
	v35 =	vsel vm14, $0x6C7E, v35;
	v36 =	vsel vm14, $0xC7F, v36  }
0x1d: {  	v37 =	vsel vm14, $0x2C7F, v37;
	v38 =	vsel vm14, $0x4C7F, v38;
	v39 =	vsel vm14, $0x6C7F, v39  }
0x1e: {  	v0 =	vsel vm13, $0x80, v0;
	v3 =	vsel vm13, $0x4080, v3;
	v7 =	vsel vm13, $0x6080, v7  }
0x1f: {  	v8 =	vsel vm13, $0xCF8, v8;
	v9 =	vsel vm13, $0x2CF8, v9;
	v10 =	vsel vm13, $0x4CF8, v10  }
0x20: {  	v11 =	vsel vm13, $0x6CF8, v11;
	v12 =	vsel vm13, $0xCF9, v12;
	v13 =	vsel vm13, $0x2CF9, v13  }
0x21: {  	v14 =	vsel vm13, $0x4CF9, v14;
	v15 =	vsel vm13, $0x6CF9, v15;
	v16 =	vsel vm13, $0xCFA, v16  }
0x22: {  	v17 =	vsel vm13, $0x2CFA, v17;
	v18 =	vsel vm13, $0x4CFA, v18;
	v19 =	vsel vm13, $0x6CFA, v19  }
0x23: {  	v20 =	vsel vm13, $0xCFB, v20;
	v21 =	vsel vm13, $0x2CFB, v21;
	v22 =	vsel vm13, $0x4CFB, v22  }
0x24: {  	v23 =	vsel vm13, $0x6CFB, v23;
	v24 =	vsel vm13, $0xCFC, v24;
	v25 =	vsel vm13, $0x2CFC, v25  }
0x25: {  	v26 =	vsel vm13, $0x4CFC, v26;
	v27 =	vsel vm13, $0x6CFC, v27;
	v28 =	vsel vm13, $0xCFD, v28  }
0x26: {  	v29 =	vsel vm13, $0x2CFD, v29;
	v30 =	vsel vm13, $0x4CFD, v30;
	v31 =	vsel vm13, $0x6CFD, v31  }
0x27: {  	v32 =	vsel vm13, $0xCFE, v32;
	v33 =	vsel vm13, $0x2CFE, v33;
	v34 =	vsel vm13, $0x4CFE, v34  }
0x28: {  	v35 =	vsel vm13, $0x6CFE, v35;
	v36 =	vsel vm13, $0xCFF, v36;
	v37 =	vsel vm13, $0x2CFF, v37  }
0x29: {  	v38 =	vsel vm13, $0x4CFF, v38;
	v39 =	vsel vm13, $0x6CFF, v39;
	v0 =	vsel vm12, $0x100, v0  }
0x2a: {  	v3 =	vsel vm12, $0x4100, v3;
	v7 =	vsel vm12, $0x6100, v7;
	v8 =	vsel vm12, $0xD78, v8  }
0x2b: {  	v9 =	vsel vm12, $0x2D78, v9;
	v10 =	vsel vm12, $0x4D78, v10;
	v11 =	vsel vm12, $0x6D78, v11  }
0x2c: {  	v12 =	vsel vm12, $0xD79, v12;
	v13 =	vsel vm12, $0x2D79, v13;
	v14 =	vsel vm12, $0x4D79, v14  }
0x2d: {  	v15 =	vsel vm12, $0x6D79, v15;
	v16 =	vsel vm12, $0xD7A, v16;
	v17 =	vsel vm12, $0x2D7A, v17  }
0x2e: {  	v18 =	vsel vm12, $0x4D7A, v18;
	v19 =	vsel vm12, $0x6D7A, v19;
	v20 =	vsel vm12, $0xD7B, v20  }
0x2f: {  	v21 =	vsel vm12, $0x2D7B, v21;
	v22 =	vsel vm12, $0x4D7B, v22;
	v23 =	vsel vm12, $0x6D7B, v23  }
0x30: {  	v24 =	vsel vm12, $0xD7C, v24;
	v25 =	vsel vm12, $0x2D7C, v25;
	v26 =	vsel vm12, $0x4D7C, v26  }
0x31: {  	v27 =	vsel vm12, $0x6D7C, v27;
	v28 =	vsel vm12, $0xD7D, v28;
	v29 =	vsel vm12, $0x2D7D, v29  }
0x32: {  	v30 =	vsel vm12, $0x4D7D, v30;
	v31 =	vsel vm12, $0x6D7D, v31;
	v32 =	vsel vm12, $0xD7E, v32  }
0x33: {  	v33 =	vsel vm12, $0x2D7E, v33;
	v34 =	vsel vm12, $0x4D7E, v34;
	v35 =	vsel vm12, $0x6D7E, v35  }
0x34: {  	v36 =	vsel vm12, $0xD7F, v36;
	v37 =	vsel vm12, $0x2D7F, v37;
	v38 =	vsel vm12, $0x4D7F, v38  }
0x35: {  	v39 =	vsel vm12, $0x6D7F, v39;
	v0 =	vsel vm11, $0x180, v0;
	v3 =	vsel vm11, $0x4180, v3  }
0x36: {  	v7 =	vsel vm11, $0x6180, v7;
	v8 =	vsel vm11, $0xDF8, v8;
	v9 =	vsel vm11, $0x2DF8, v9  }
0x37: {  	v10 =	vsel vm11, $0x4DF8, v10;
	v11 =	vsel vm11, $0x6DF8, v11;
	v12 =	vsel vm11, $0xDF9, v12  }
0x38: {  	v13 =	vsel vm11, $0x2DF9, v13;
	v14 =	vsel vm11, $0x4DF9, v14;
	v15 =	vsel vm11, $0x6DF9, v15  }
0x39: {  	v16 =	vsel vm11, $0xDFA, v16;
	v17 =	vsel vm11, $0x2DFA, v17;
	v18 =	vsel vm11, $0x4DFA, v18  }
0x3a: {  	v19 =	vsel vm11, $0x6DFA, v19;
	v20 =	vsel vm11, $0xDFB, v20;
	v21 =	vsel vm11, $0x2DFB, v21  }
0x3b: {  	v22 =	vsel vm11, $0x4DFB, v22;
	v23 =	vsel vm11, $0x6DFB, v23;
	v24 =	vsel vm11, $0xDFC, v24  }
0x3c: {  	v25 =	vsel vm11, $0x2DFC, v25;
	v26 =	vsel vm11, $0x4DFC, v26;
	v27 =	vsel vm11, $0x6DFC, v27  }
0x3d: {  	v28 =	vsel vm11, $0xDFD, v28;
	v29 =	vsel vm11, $0x2DFD, v29;
	v30 =	vsel vm11, $0x4DFD, v30  }
0x3e: {  	v31 =	vsel vm11, $0x6DFD, v31;
	v32 =	vsel vm11, $0xDFE, v32;
	v33 =	vsel vm11, $0x2DFE, v33  }
0x3f: {  	v34 =	vsel vm11, $0x4DFE, v34;
	v35 =	vsel vm11, $0x6DFE, v35;
	v36 =	vsel vm11, $0xDFF, v36  }
0x40: {  	v37 =	vsel vm11, $0x2DFF, v37;
	v38 =	vsel vm11, $0x4DFF, v38;
	v39 =	vsel vm11, $0x6DFF, v39  }
0x41: {  	v0 =	vsel vm10, $0x200, v0;
	v3 =	vsel vm10, $0x4200, v3;
	v7 =	vsel vm10, $0x6200, v7  }
0x42: {  	v8 =	vsel vm10, $0xE78, v8;
	v9 =	vsel vm10, $0x2E78, v9;
	v10 =	vsel vm10, $0x4E78, v10  }
0x43: {  	v11 =	vsel vm10, $0x6E78, v11;
	v12 =	vsel vm10, $0xE79, v12;
	v13 =	vsel vm10, $0x2E79, v13  }
0x44: {  	v14 =	vsel vm10, $0x4E79, v14;
	v15 =	vsel vm10, $0x6E79, v15;
	v16 =	vsel vm10, $0xE7A, v16  }
0x45: {  	v17 =	vsel vm10, $0x2E7A, v17;
	v18 =	vsel vm10, $0x4E7A, v18;
	v19 =	vsel vm10, $0x6E7A, v19  }
0x46: {  	v20 =	vsel vm10, $0xE7B, v20;
	v21 =	vsel vm10, $0x2E7B, v21;
	v22 =	vsel vm10, $0x4E7B, v22  }
0x47: {  	v23 =	vsel vm10, $0x6E7B, v23;
	v24 =	vsel vm10, $0xE7C, v24;
	v25 =	vsel vm10, $0x2E7C, v25  }
0x48: {  	v26 =	vsel vm10, $0x4E7C, v26;
	v27 =	vsel vm10, $0x6E7C, v27;
	v28 =	vsel vm10, $0xE7D, v28  }
0x49: {  	v29 =	vsel vm10, $0x2E7D, v29;
	v30 =	vsel vm10, $0x4E7D, v30;
	v31 =	vsel vm10, $0x6E7D, v31  }
0x4a: {  	v32 =	vsel vm10, $0xE7E, v32;
	v33 =	vsel vm10, $0x2E7E, v33;
	v34 =	vsel vm10, $0x4E7E, v34  }
0x4b: {  	v35 =	vsel vm10, $0x6E7E, v35;
	v36 =	vsel vm10, $0xE7F, v36;
	v37 =	vsel vm10, $0x2E7F, v37  }
0x4c: {  	v38 =	vsel vm10, $0x4E7F, v38;
	v39 =	vsel vm10, $0x6E7F, v39;
	v0 =	vsel vm9, $0x280, v0  }
0x4d: {  	v3 =	vsel vm9, $0x4280, v3;
	v7 =	vsel vm9, $0x6280, v7;
	v8 =	vsel vm9, $0xEF8, v8  }
0x4e: {  	v9 =	vsel vm9, $0x2EF8, v9;
	v10 =	vsel vm9, $0x4EF8, v10;
	v11 =	vsel vm9, $0x6EF8, v11  }
0x4f: {  	v12 =	vsel vm9, $0xEF9, v12;
	v13 =	vsel vm9, $0x2EF9, v13;
	v14 =	vsel vm9, $0x4EF9, v14  }
0x50: {  	v15 =	vsel vm9, $0x6EF9, v15;
	v16 =	vsel vm9, $0xEFA, v16;
	v17 =	vsel vm9, $0x2EFA, v17  }
0x51: {  	v18 =	vsel vm9, $0x4EFA, v18;
	v19 =	vsel vm9, $0x6EFA, v19;
	v20 =	vsel vm9, $0xEFB, v20  }
0x52: {  	v21 =	vsel vm9, $0x2EFB, v21;
	v22 =	vsel vm9, $0x4EFB, v22;
	v23 =	vsel vm9, $0x6EFB, v23  }
0x53: {  	v24 =	vsel vm9, $0xEFC, v24;
	v25 =	vsel vm9, $0x2EFC, v25;
	v26 =	vsel vm9, $0x4EFC, v26  }
0x54: {  	v27 =	vsel vm9, $0x6EFC, v27;
	v28 =	vsel vm9, $0xEFD, v28;
	v29 =	vsel vm9, $0x2EFD, v29  }
0x55: {  	v30 =	vsel vm9, $0x4EFD, v30;
	v31 =	vsel vm9, $0x6EFD, v31;
	v32 =	vsel vm9, $0xEFE, v32  }
0x56: {  	v33 =	vsel vm9, $0x2EFE, v33;
	v34 =	vsel vm9, $0x4EFE, v34;
	v35 =	vsel vm9, $0x6EFE, v35  }
0x57: {  	v36 =	vsel vm9, $0xEFF, v36;
	v37 =	vsel vm9, $0x2EFF, v37;
	v38 =	vsel vm9, $0x4EFF, v38  }
0x58: {  	v39 =	vsel vm9, $0x6EFF, v39;
	v2 =	vsel vm8, $0x300, v0;
	v0 =	vmul.u32 $0x80, v1  }
0x59: {  	v3 =	vsel vm8, $0x4300, v3;
	v7 =	vsel vm8, $0x6300, v7;
	v8 =	vsel vm8, $0xF78, v8  }
0x5a: {  	v9 =	vsel vm8, $0x2F78, v9;
	v10 =	vsel vm8, $0x4F78, v10;
	v11 =	vsel vm8, $0x6F78, v11  }
0x5b: {  	v12 =	vsel vm8, $0xF79, v12;
	v13 =	vsel vm8, $0x2F79, v13;
	v14 =	vsel vm8, $0x4F79, v14  }
0x5c: {  	v15 =	vsel vm8, $0x6F79, v15;
	v16 =	vsel vm8, $0xF7A, v16;
	v17 =	vsel vm8, $0x2F7A, v17  }
0x5d: {  	v18 =	vsel vm8, $0x4F7A, v18;
	v19 =	vsel vm8, $0x6F7A, v19;
	v20 =	vsel vm8, $0xF7B, v20  }
0x5e: {  	v21 =	vsel vm8, $0x2F7B, v21;
	v22 =	vsel vm8, $0x4F7B, v22;
	v23 =	vsel vm8, $0x6F7B, v23  }
0x5f: {  	v24 =	vsel vm8, $0xF7C, v24;
	v25 =	vsel vm8, $0x2F7C, v25;
	v26 =	vsel vm8, $0x4F7C, v26  }
0x60: {  	v27 =	vsel vm8, $0x6F7C, v27;
	v28 =	vsel vm8, $0xF7D, v28;
	v29 =	vsel vm8, $0x2F7D, v29  }
0x61: {  	v30 =	vsel vm8, $0x4F7D, v30;
	v31 =	vsel vm8, $0x6F7D, v31;
	v32 =	vsel vm8, $0xF7E, v32  }
0x62: {  	v33 =	vsel vm8, $0x2F7E, v33;
	v34 =	vsel vm8, $0x4F7E, v34;
	v35 =	vsel vm8, $0x6F7E, v35  }
0x63: {  	v36 =	vsel vm8, $0xF7F, v36;
	v37 =	vsel vm8, $0x2F7F, v37;
	v38 =	vsel vm8, $0x4F7F, v38  }
0x64: {  	v39 =	vsel vm8, $0x6F7F, v39;
	v1 =	vsel vm6, $0x380, v2;
	v2 =	vimm.s32 $0x3380  }
0x65: {  	v3 =	vsel vm6, $0x4380, v3;
	v7 =	vsel vm6, $0x6380, v7;
	v8 =	vsel vm6, $0xFF8, v8  }
0x66: {  	v9 =	vsel vm6, $0x2FF8, v9;
	v10 =	vsel vm6, $0x4FF8, v10;
	v11 =	vsel vm6, $0x6FF8, v11  }
0x67: {  	v12 =	vsel vm6, $0xFF9, v12;
	v13 =	vsel vm6, $0x2FF9, v13;
	v14 =	vsel vm6, $0x4FF9, v14  }
0x68: {  	v15 =	vsel vm6, $0x6FF9, v15;
	v16 =	vsel vm6, $0xFFA, v16;
	v17 =	vsel vm6, $0x2FFA, v17  }
0x69: {  	v18 =	vsel vm6, $0x4FFA, v18;
	v19 =	vsel vm6, $0x6FFA, v19;
	v20 =	vsel vm6, $0xFFB, v20  }
0x6a: {  	v21 =	vsel vm6, $0x2FFB, v21;
	v22 =	vsel vm6, $0x4FFB, v22;
	v23 =	vsel vm6, $0x6FFB, v23  }
0x6b: {  	v24 =	vsel vm6, $0xFFC, v24;
	v25 =	vsel vm6, $0x2FFC, v25;
	v26 =	vsel vm6, $0x4FFC, v26  }
0x6c: {  	v27 =	vsel vm6, $0x6FFC, v27;
	v28 =	vsel vm6, $0xFFD, v28;
	v29 =	vsel vm6, $0x2FFD, v29  }
0x6d: {  	v30 =	vsel vm6, $0x4FFD, v30;
	v31 =	vsel vm6, $0x6FFD, v31;
	v32 =	vsel vm6, $0xFFE, v32  }
0x6e: {  	v33 =	vsel vm6, $0x2FFE, v33;
	v34 =	vsel vm6, $0x4FFE, v34;
	v35 =	vsel vm6, $0x6FFE, v35  }
0x6f: {  	v36 =	vsel vm6, $0xFFF, v36;
	v37 =	vsel vm6, $0x2FFF, v37;
	v38 =	vsel vm6, $0x4FFF, v38  }
0x70: {  	v39 =	vsel vm6, $0x6FFF, v39;
	v2 =	vsel vm14, $0x2000, v2;
	v1 =	vsel vm0, $0x1000, v1  }
0x71: {  	v3 =	vsel vm0, $0x5000, v3;
	v6 =	vor.u32 $0x1800, v0;
	v7 =	vsel vm0, $0x7000, v7  }
0x72: {  	v8 =	vsel vm0, $0x1C78, v8;
	v9 =	vsel vm0, $0x3C78, v9;
	v10 =	vsel vm0, $0x5C78, v10  }
0x73: {  	v11 =	vsel vm0, $0x7C78, v11;
	v12 =	vsel vm0, $0x1C79, v12;
	v13 =	vsel vm0, $0x3C79, v13  }
0x74: {  	v14 =	vsel vm0, $0x5C79, v14;
	v15 =	vsel vm0, $0x7C79, v15;
	v16 =	vsel vm0, $0x1C7A, v16  }
0x75: {  	v17 =	vsel vm0, $0x3C7A, v17;
	v18 =	vsel vm0, $0x5C7A, v18;
	v19 =	vsel vm0, $0x7C7A, v19  }
0x76: {  	v20 =	vsel vm0, $0x1C7B, v20;
	v21 =	vsel vm0, $0x3C7B, v21;
	v22 =	vsel vm0, $0x5C7B, v22  }
0x77: {  	v23 =	vsel vm0, $0x7C7B, v23;
	v24 =	vsel vm0, $0x1C7C, v24;
	v25 =	vsel vm0, $0x3C7C, v25  }
0x78: {  	v26 =	vsel vm0, $0x5C7C, v26;
	v27 =	vsel vm0, $0x7C7C, v27;
	v28 =	vsel vm0, $0x1C7D, v28  }
0x79: {  	v29 =	vsel vm0, $0x3C7D, v29;
	v30 =	vsel vm0, $0x5C7D, v30;
	v31 =	vsel vm0, $0x7C7D, v31  }
0x7a: {  	v32 =	vsel vm0, $0x1C7E, v32;
	v33 =	vsel vm0, $0x3C7E, v33;
	v34 =	vsel vm0, $0x5C7E, v34  }
0x7b: {  	v35 =	vsel vm0, $0x7C7E, v35;
	v36 =	vsel vm0, $0x1C7F, v36;
	v37 =	vsel vm0, $0x3C7F, v37  }
0x7c: {  	v38 =	vsel vm0, $0x5C7F, v38;
	v39 =	vsel vm0, $0x7C7F, v39;
	v2 =	vsel vm13, $0x2080, v2  }
0x7d: {  	v1 =	vsel vm1, $0x1080, v1;
	v3 =	vsel vm1, $0x5080, v3;
	v7 =	vsel vm1, $0x7080, v7  }
0x7e: {  	v8 =	vsel vm1, $0x1CF8, v8;
	v9 =	vsel vm1, $0x3CF8, v9;
	v10 =	vsel vm1, $0x5CF8, v10  }
0x7f: {  	v11 =	vsel vm1, $0x7CF8, v11;
	v12 =	vsel vm1, $0x1CF9, v12;
	v13 =	vsel vm1, $0x3CF9, v13  }
0x80: {  	v14 =	vsel vm1, $0x5CF9, v14;
	v15 =	vsel vm1, $0x7CF9, v15;
	v16 =	vsel vm1, $0x1CFA, v16  }
0x81: {  	v17 =	vsel vm1, $0x3CFA, v17;
	v18 =	vsel vm1, $0x5CFA, v18;
	v19 =	vsel vm1, $0x7CFA, v19  }
0x82: {  	v20 =	vsel vm1, $0x1CFB, v20;
	v21 =	vsel vm1, $0x3CFB, v21;
	v22 =	vsel vm1, $0x5CFB, v22  }
0x83: {  	v23 =	vsel vm1, $0x7CFB, v23;
	v24 =	vsel vm1, $0x1CFC, v24;
	v25 =	vsel vm1, $0x3CFC, v25  }
0x84: {  	v26 =	vsel vm1, $0x5CFC, v26;
	v27 =	vsel vm1, $0x7CFC, v27;
	v28 =	vsel vm1, $0x1CFD, v28  }
0x85: {  	v29 =	vsel vm1, $0x3CFD, v29;
	v30 =	vsel vm1, $0x5CFD, v30;
	v31 =	vsel vm1, $0x7CFD, v31  }
0x86: {  	v32 =	vsel vm1, $0x1CFE, v32;
	v33 =	vsel vm1, $0x3CFE, v33;
	v34 =	vsel vm1, $0x5CFE, v34  }
0x87: {  	v35 =	vsel vm1, $0x7CFE, v35;
	v36 =	vsel vm1, $0x1CFF, v36;
	v37 =	vsel vm1, $0x3CFF, v37  }
0x88: {  	v38 =	vsel vm1, $0x5CFF, v38;
	v39 =	vsel vm1, $0x7CFF, v39;
	v2 =	vsel vm12, $0x2100, v2  }
0x89: {  	v1 =	vsel vm2, $0x1100, v1;
	v3 =	vsel vm2, $0x5100, v3;
	v7 =	vsel vm2, $0x7100, v7  }
0x8a: {  	v8 =	vsel vm2, $0x1D78, v8;
	v9 =	vsel vm2, $0x3D78, v9;
	v10 =	vsel vm2, $0x5D78, v10  }
0x8b: {  	v11 =	vsel vm2, $0x7D78, v11;
	v12 =	vsel vm2, $0x1D79, v12;
	v13 =	vsel vm2, $0x3D79, v13  }
0x8c: {  	v14 =	vsel vm2, $0x5D79, v14;
	v15 =	vsel vm2, $0x7D79, v15;
	v16 =	vsel vm2, $0x1D7A, v16  }
0x8d: {  	v17 =	vsel vm2, $0x3D7A, v17;
	v18 =	vsel vm2, $0x5D7A, v18;
	v19 =	vsel vm2, $0x7D7A, v19  }
0x8e: {  	v20 =	vsel vm2, $0x1D7B, v20;
	v21 =	vsel vm2, $0x3D7B, v21;
	v22 =	vsel vm2, $0x5D7B, v22  }
0x8f: {  	v23 =	vsel vm2, $0x7D7B, v23;
	v24 =	vsel vm2, $0x1D7C, v24;
	v25 =	vsel vm2, $0x3D7C, v25  }
0x90: {  	v26 =	vsel vm2, $0x5D7C, v26;
	v27 =	vsel vm2, $0x7D7C, v27;
	v28 =	vsel vm2, $0x1D7D, v28  }
0x91: {  	v29 =	vsel vm2, $0x3D7D, v29;
	v30 =	vsel vm2, $0x5D7D, v30;
	v31 =	vsel vm2, $0x7D7D, v31  }
0x92: {  	v32 =	vsel vm2, $0x1D7E, v32;
	v33 =	vsel vm2, $0x3D7E, v33;
	v34 =	vsel vm2, $0x5D7E, v34  }
0x93: {  	v35 =	vsel vm2, $0x7D7E, v35;
	v36 =	vsel vm2, $0x1D7F, v36;
	v37 =	vsel vm2, $0x3D7F, v37  }
0x94: {  	v38 =	vsel vm2, $0x5D7F, v38;
	v39 =	vsel vm2, $0x7D7F, v39;
	v2 =	vsel vm11, $0x2180, v2  }
0x95: {  	v1 =	vsel vm3, $0x1180, v1;
	v3 =	vsel vm3, $0x5180, v3;
	v7 =	vsel vm3, $0x7180, v7  }
0x96: {  	v8 =	vsel vm3, $0x1DF8, v8;
	v9 =	vsel vm3, $0x3DF8, v9;
	v10 =	vsel vm3, $0x5DF8, v10  }
0x97: {  	v11 =	vsel vm3, $0x7DF8, v11;
	v12 =	vsel vm3, $0x1DF9, v12;
	v13 =	vsel vm3, $0x3DF9, v13  }
0x98: {  	v14 =	vsel vm3, $0x5DF9, v14;
	v15 =	vsel vm3, $0x7DF9, v15;
	v16 =	vsel vm3, $0x1DFA, v16  }
0x99: {  	v17 =	vsel vm3, $0x3DFA, v17;
	v18 =	vsel vm3, $0x5DFA, v18;
	v19 =	vsel vm3, $0x7DFA, v19  }
0x9a: {  	v20 =	vsel vm3, $0x1DFB, v20;
	v21 =	vsel vm3, $0x3DFB, v21;
	v22 =	vsel vm3, $0x5DFB, v22  }
0x9b: {  	v23 =	vsel vm3, $0x7DFB, v23;
	v24 =	vsel vm3, $0x1DFC, v24;
	v25 =	vsel vm3, $0x3DFC, v25  }
0x9c: {  	v26 =	vsel vm3, $0x5DFC, v26;
	v27 =	vsel vm3, $0x7DFC, v27;
	v28 =	vsel vm3, $0x1DFD, v28  }
0x9d: {  	v29 =	vsel vm3, $0x3DFD, v29;
	v30 =	vsel vm3, $0x5DFD, v30;
	v31 =	vsel vm3, $0x7DFD, v31  }
0x9e: {  	v32 =	vsel vm3, $0x1DFE, v32;
	v33 =	vsel vm3, $0x3DFE, v33;
	v34 =	vsel vm3, $0x5DFE, v34  }
0x9f: {  	v35 =	vsel vm3, $0x7DFE, v35;
	v36 =	vsel vm3, $0x1DFF, v36;
	v37 =	vsel vm3, $0x3DFF, v37  }
0xa0: {  	v38 =	vsel vm3, $0x5DFF, v38;
	v39 =	vsel vm3, $0x7DFF, v39;
	v2 =	vsel vm10, $0x2200, v2  }
0xa1: {  	v1 =	vsel vm4, $0x1200, v1;
	v5 =	vsel vm4, $0x5200, v3;
	v7 =	vsel vm4, $0x7200, v7  }
0xa2: {  	v8 =	vsel vm4, $0x1E78, v8;
	v9 =	vsel vm4, $0x3E78, v9;
	v10 =	vsel vm4, $0x5E78, v10  }
0xa3: {  	v11 =	vsel vm4, $0x7E78, v11;
	v12 =	vsel vm4, $0x1E79, v12;
	v13 =	vsel vm4, $0x3E79, v13  }
0xa4: {  	v14 =	vsel vm4, $0x5E79, v14;
	v15 =	vsel vm4, $0x7E79, v15;
	v16 =	vsel vm4, $0x1E7A, v16  }
0xa5: {  	v17 =	vsel vm4, $0x3E7A, v17;
	v18 =	vsel vm4, $0x5E7A, v18;
	v19 =	vsel vm4, $0x7E7A, v19  }
0xa6: {  	v20 =	vsel vm4, $0x1E7B, v20;
	v21 =	vsel vm4, $0x3E7B, v21;
	v22 =	vsel vm4, $0x5E7B, v22  }
0xa7: {  	v23 =	vsel vm4, $0x7E7B, v23;
	v24 =	vsel vm4, $0x1E7C, v24;
	v25 =	vsel vm4, $0x3E7C, v25  }
0xa8: {  	v26 =	vsel vm4, $0x5E7C, v26;
	v27 =	vsel vm4, $0x7E7C, v27;
	v28 =	vsel vm4, $0x1E7D, v28  }
0xa9: {  	v29 =	vsel vm4, $0x3E7D, v29;
	v30 =	vsel vm4, $0x5E7D, v30;
	v31 =	vsel vm4, $0x7E7D, v31  }
0xaa: {  	v32 =	vsel vm4, $0x1E7E, v32;
	v33 =	vsel vm4, $0x3E7E, v33;
	v34 =	vsel vm4, $0x5E7E, v34  }
0xab: {  	v35 =	vsel vm4, $0x7E7E, v35;
	v36 =	vsel vm4, $0x1E7F, v36;
	v37 =	vsel vm4, $0x3E7F, v37  }
0xac: {  	v38 =	vsel vm4, $0x5E7F, v38;
	v39 =	vsel vm4, $0x7E7F, v39;
	v2 =	vsel vm9, $0x2280, v2  }
0xad: {  	v1 =	vsel vm5, $0x1280, v1;
	v5 =	vsel vm5, $0x5280, v5;
	v7 =	vsel vm5, $0x7280, v7  }
0xae: {  	v8 =	vsel vm5, $0x1EF8, v8;
	v9 =	vsel vm5, $0x3EF8, v9;
	v10 =	vsel vm5, $0x5EF8, v10  }
0xaf: {  	v11 =	vsel vm5, $0x7EF8, v11;
	v12 =	vsel vm5, $0x1EF9, v12;
	v13 =	vsel vm5, $0x3EF9, v13  }
0xb0: {  	v14 =	vsel vm5, $0x5EF9, v14;
	v15 =	vsel vm5, $0x7EF9, v15;
	v16 =	vsel vm5, $0x1EFA, v16  }
0xb1: {  	v17 =	vsel vm5, $0x3EFA, v17;
	v18 =	vsel vm5, $0x5EFA, v18;
	v19 =	vsel vm5, $0x7EFA, v19  }
0xb2: {  	v20 =	vsel vm5, $0x1EFB, v20;
	v21 =	vsel vm5, $0x3EFB, v21;
	v22 =	vsel vm5, $0x5EFB, v22  }
0xb3: {  	v23 =	vsel vm5, $0x7EFB, v23;
	v24 =	vsel vm5, $0x1EFC, v24;
	v25 =	vsel vm5, $0x3EFC, v25  }
0xb4: {  	v26 =	vsel vm5, $0x5EFC, v26;
	v27 =	vsel vm5, $0x7EFC, v27;
	v28 =	vsel vm5, $0x1EFD, v28  }
0xb5: {  	v29 =	vsel vm5, $0x3EFD, v29;
	v30 =	vsel vm5, $0x5EFD, v30;
	v31 =	vsel vm5, $0x7EFD, v31  }
0xb6: {  	v32 =	vsel vm5, $0x1EFE, v32;
	v33 =	vsel vm5, $0x3EFE, v33;
	v34 =	vsel vm5, $0x5EFE, v34  }
0xb7: {  	v35 =	vsel vm5, $0x7EFE, v35;
	v36 =	vsel vm5, $0x1EFF, v36;
	v37 =	vsel vm5, $0x3EFF, v37  }
0xb8: {  	s1 =	rddreg [dreg:$0x0];
	v38 =	vsel vm5, $0x5EFF, v38;
	v39 =	vsel vm5, $0x7EFF, v39;
	v2 =	vsel vm8, $0x2300, v2  }
0xb9: {  	s0 =	rddreg [dreg:$0x1];
	v1 =	vsel vm7, $0x1300, v1;
	v5 =	vsel vm7, $0x5300, v5;
	v7 =	vsel vm7, $0x7300, v7  }
0xba: {  	s5 =	rddreg [dreg:$0x2];
	v8 =	vsel vm7, $0x1F78, v8;
	v9 =	vsel vm7, $0x3F78, v9;
	v10 =	vsel vm7, $0x5F78, v10  }
0xbb: {  	s3 =	srdreg.scid;
	s2 =	stileid.u32;
	s26 =	simm.s32 $0x0;
	v11 =	vsel vm7, $0x7F78, v11;
	v12 =	vsel vm7, $0x1F79, v12;
	v13 =	vsel vm7, $0x3F79, v13  }
0xbc: {  	s9 =	simm.s32 $0x400;
	s10 =	simm.s32 $0x200;
	s11 =	simm.s32 $0x2200;
	v14 =	vsel vm7, $0x5F79, v14;
	v15 =	vsel vm7, $0x7F79, v15;
	v16 =	vsel vm7, $0x1F7A, v16  }
0xbd: {  	s12 =	simm.s32 $0x4200;
	s13 =	simm.s32 $0x6200;
	s14 =	simm.s32 $0x8200;
	v17 =	vsel vm7, $0x3F7A, v17;
	v18 =	vsel vm7, $0x5F7A, v18;
	v19 =	vsel vm7, $0x7F7A, v19  }
0xbe: {  	s15 =	simm.s32 $0xA200;
	s16 =	simm.s32 $0xC200;
	s17 =	simm.s32 $0xE200;
	v20 =	vsel vm7, $0x1F7B, v20;
	v21 =	vsel vm7, $0x3F7B, v21;
	v22 =	vsel vm7, $0x5F7B, v22  }
0xbf: {  	s18 =	simm.s32 $0x2;
	s19 =	simm.s32 $0x10200;
	s20 =	simm.s32 $0x3;
	v23 =	vsel vm7, $0x7F7B, v23;
	v24 =	vsel vm7, $0x1F7C, v24;
	v25 =	vsel vm7, $0x3F7C, v25  }
0xc0: {  	s21 =	simm.s32 $0x4;
	s22 =	simm.s32 $0x5;
	s23 =	simm.s32 $0x6;
	v26 =	vsel vm7, $0x5F7C, v26;
	v27 =	vsel vm7, $0x7F7C, v27;
	v2 =	vsel vm6, $0x2380, v2  }
0xc1: {  	s24 =	simm.s32 $0x7;
	s25 =	simm.s32 $0x8;
	s28 =	simm.s32 $0x1000;
	v28 =	vsel vm7, $0x1F7D, v28;
	v29 =	vsel vm7, $0x3F7D, v29;
	v2 =	vsel vm0, $0x3000, v2  }
0xc2: {  	s29 =	simm.s32 $0x20000;
	s30 =	simm.s32 $0x0;
	s4 =	sand.u32 $0x1, s3;
	v30 =	vsel vm7, $0x5F7D, v30;
	v31 =	vsel vm7, $0x7F7D, v31;
	v2 =	vsel vm1, $0x3080, v2  }
0xc3: {  	s6 =	sshll.u32 s2, $0xA;
	[smem:$0x7FF] =	sst s26;
	s7 =	sshll.u32 s4, $0x9;
	v32 =	vsel vm7, $0x1F7E, v32;
	v33 =	vsel vm7, $0x3F7E, v33;
	v2 =	vsel vm2, $0x3100, v2  }
0xc4: {  	s26 =	simm.s32 $0x9;
	s4 =	ssub.s32 $0x2, s4;
	s6 =	sor.u32 s7, s6;
	v34 =	vsel vm7, $0x5F7E, v34;
	v35 =	vsel vm7, $0x7F7E, v35;
	v2 =	vsel vm3, $0x3180, v2  }
0xc5: {  	_ =	strace $0x80000047;
	s31 =	sshrl.u32 s4, $0x1;
	s8 =	sshrl.u32 s6, $0x3;
	v36 =	vsel vm7, $0x1F7F, v36;
	v37 =	vsel vm7, $0x3F7F, v37;
	v2 =	vsel vm4, $0x3200, v2  }
0xc6: {  	s7 =	ssub.s32 s4, s31;
	s5 =	sadd.s32 s5, s6;
	s4 =	sadd.s32 s1, s8;
	v38 =	vsel vm7, $0x5F7F, v38;
	v39 =	vsel vm7, $0x7F7F, v39;
	v4 =	vsel vm5, $0x3280, v2  }
0xc7: {  	s6 =	smax.u32 s7, $0x1;
	s7 =	simm.s32 $0x1;
	s8 =	simm.s32 $0x7A1400;
	v2 =	vor.u32 $0x800, v0;
	v3 =	vsel vm7, $0x3300, v4;
	v4 =	vor.u32 $0x1000, v0  }
.LBB2_1:
0xc8: {  	s1 =	simm.s32 $0x0  }
0xc9: {  	[tilespmem:s1], [sflag:$0x1] =	stream.linear.gather [hbm4b:s4+s1], $0x200, $0x38;
	[tilespmem:$0x18200] =	vst v63  }
0xca: {  	_ =	swait.ge [sflag:s7], $0x200  }
0xcb: {  	[sflag:s7] =	ssyncset.done $0x0  }
0xcc: {  	v40 =	vimm.s32 $0x0;
	s31 =	simm.s32 $0x0;
	s1 =	simm.s32 $0x0;
	[sflag:s7] =	ssyncadd.s32 $0xFFFFFE00  }
.LBB2_2:
0xcd: {  	p0 =	seq.s32 s1, $0x0  }
0xce: {  	v42 =	vbroadcast @!p0 v40, $0x8;
	_ =	sdelay $0x1  }
0xcf: {  	s2 =	sadd.s32 @!p0 $0xFFFFFFF8, s1;
	v43 =	vor.u32 @!p0 v0, v42  }
0xd0: {  	v44 =	vmov @!p0 s2  }
0xd1: {  	v41 =	vld [tilespmem:s31+$0x0];
	_ =	swait.ge @!p0 [sflag:s18], $0x2000;
	v45 =	vshll.u32 @!p0 v44, $0x3  }
0xd2: {  	[sflag:s18] =	ssyncset.done @!p0 $0x0;
	v44 =	vand.u32 @!p0 $0x78, v44;
	v45 =	vand.u32 @!p0 $0xFFFFFC00, v45  }
0xd3: {  	[sflag:s18] =	ssyncadd.s32 @!p0 $0xFFFFE000;
	v44 =	vor.u32 @!p0 v44, v45  }
0xd4: {  	v45 =	vadd.s32 @!p0 v1, v44;
	v43 =	vld.idx.msk @!p0 [tilespmem:v43+s10+$0x0], $0xffff  }
0xd5: {  	v46 =	vor.u32 @!p0 v2, v42;
	_ =	sdelay $0x3  }
0xd6: {  	[tilespmem:v45+s19+$0x0] =	vst.idx.msk @!p0 $0xffff, v43  }
0xd7: {  	v62 =	vand.u32 $0xFFFFFF80, v41;
	v45 =	vadd.s32 @!p0 v3, v44;
	v43 =	vld.idx.msk @!p0 [tilespmem:v46+s10+$0x0], $0xffff  }
0xd8: {  	(v2sf) =	vpush v62, $0x0;
	v46 =	vor.u32 @!p0 v4, v42;
	_ =	sdelay $0x3  }
0xd9: {  	[tilespmem:v45+s19+$0x0] =	vst.idx.msk @!p0 $0xffff, v43  }
0xda: {  	v45 =	vadd.s32 @!p0 v5, v44;
	v43 =	vld.idx.msk @!p0 [tilespmem:v46+s10+$0x0], $0xffff  }
0xdb: {  	v42 =	vor.u32 @!p0 v6, v42;
	_ =	sdelay $0x3  }
0xdc: {  	[tilespmem:v45+s19+$0x0] =	vst.idx.msk @!p0 $0xffff, v43  }
0xdd: {  	v43 =	vadd.s32 @!p0 v7, v44;
	v42 =	vld.idx.msk @!p0 [tilespmem:v42+s10+$0x0], $0xffff;
	_ =	sdelay $0x3  }
0xde: {  	s3 =	spop (v2sf)  }
0xdf: {  	s2 =	sadd.s32 s0, s3;
	[tilespmem:v43+s19+$0x0] =	vst.idx.msk @!p0 $0xffff, v42;
	v43 =	vbroadcast @!p0 v40, $0x9  }
0xe0: {  	[tilespmem:s10], [sflag:$0x2] =	stream.strided.gather [hbm4b:s2+s9], $0x2000, s8, s9, $0x38;
	[tilespmem:$0x18200] =	vst v63  }
0xe1: {  	s2 =	sadd.s32 @!p0 $0xFFFFFFF9, s1;
	v44 =	vor.u32 @!p0 v0, v43  }
0xe2: {  	v45 =	vmov @!p0 s2  }
0xe3: {  	_ =	swait.ge @!p0 [sflag:s20], $0x2000;
	v46 =	vshll.u32 @!p0 v45, $0x3  }
0xe4: {  	[sflag:s20] =	ssyncset.done @!p0 $0x0;
	v45 =	vand.u32 @!p0 $0x79, v45;
	v46 =	vand.u32 @!p0 $0xFFFFFC00, v46  }
0xe5: {  	[sflag:s20] =	ssyncadd.s32 @!p0 $0xFFFFE000;
	v45 =	vor.u32 @!p0 v45, v46  }
0xe6: {  	v46 =	vadd.s32 @!p0 v1, v45;
	v44 =	vld.idx.msk @!p0 [tilespmem:v44+s11+$0x0], $0xffff  }
0xe7: {  	v47 =	vor.u32 @!p0 v2, v43;
	_ =	sdelay $0x3  }
0xe8: {  	[tilespmem:v46+s19+$0x0] =	vst.idx.msk @!p0 $0xffff, v44  }
0xe9: {  	v46 =	vadd.s32 @!p0 v3, v45;
	v44 =	vld.idx.msk @!p0 [tilespmem:v47+s11+$0x0], $0xffff  }
0xea: {  	(v2sf) =	vpush v62, $0x1;
	v47 =	vor.u32 @!p0 v4, v43;
	_ =	sdelay $0x3  }
0xeb: {  	[tilespmem:v46+s19+$0x0] =	vst.idx.msk @!p0 $0xffff, v44  }
0xec: {  	v46 =	vadd.s32 @!p0 v5, v45;
	v44 =	vld.idx.msk @!p0 [tilespmem:v47+s11+$0x0], $0xffff  }
0xed: {  	v43 =	vor.u32 @!p0 v6, v43;
	_ =	sdelay $0x3  }
0xee: {  	[tilespmem:v46+s19+$0x0] =	vst.idx.msk @!p0 $0xffff, v44  }
0xef: {  	v44 =	vadd.s32 @!p0 v7, v45;
	v43 =	vld.idx.msk @!p0 [tilespmem:v43+s11+$0x0], $0xffff;
	_ =	sdelay $0x3  }
0xf0: {  	s3 =	spop (v2sf)  }
0xf1: {  	s2 =	sadd.s32 s0, s3;
	[tilespmem:v44+s19+$0x0] =	vst.idx.msk @!p0 $0xffff, v43;
	v43 =	vbroadcast @!p0 v40, $0xA  }
0xf2: {  	[tilespmem:s11], [sflag:$0x3] =	stream.strided.gather [hbm4b:s2+s9], $0x2000, s8, s9, $0x38;
	[tilespmem:$0x18200] =	vst v63  }
0xf3: {  	s2 =	sadd.s32 @!p0 $0xFFFFFFFA, s1;
	v44 =	vor.u32 @!p0 v0, v43  }
0xf4: {  	v45 =	vmov @!p0 s2  }
0xf5: {  	_ =	swait.ge @!p0 [sflag:s21], $0x2000;
	v46 =	vshll.u32 @!p0 v45, $0x3  }
0xf6: {  	[sflag:s21] =	ssyncset.done @!p0 $0x0;
	v45 =	vand.u32 @!p0 $0x7A, v45;
	v46 =	vand.u32 @!p0 $0xFFFFFC00, v46  }
0xf7: {  	[sflag:s21] =	ssyncadd.s32 @!p0 $0xFFFFE000;
	v45 =	vor.u32 @!p0 v45, v46  }
0xf8: {  	v46 =	vadd.s32 @!p0 v1, v45;
	v44 =	vld.idx.msk @!p0 [tilespmem:v44+s12+$0x0], $0xffff  }
0xf9: {  	v47 =	vor.u32 @!p0 v2, v43;
	_ =	sdelay $0x3  }
0xfa: {  	[tilespmem:v46+s19+$0x0] =	vst.idx.msk @!p0 $0xffff, v44  }
0xfb: {  	v46 =	vadd.s32 @!p0 v3, v45;
	v44 =	vld.idx.msk @!p0 [tilespmem:v47+s12+$0x0], $0xffff  }
0xfc: {  	(v2sf) =	vpush v62, $0x2;
	v47 =	vor.u32 @!p0 v4, v43;
	_ =	sdelay $0x3  }
0xfd: {  	[tilespmem:v46+s19+$0x0] =	vst.idx.msk @!p0 $0xffff, v44  }
0xfe: {  	v46 =	vadd.s32 @!p0 v5, v45;
	v44 =	vld.idx.msk @!p0 [tilespmem:v47+s12+$0x0], $0xffff  }
0xff: {  	v43 =	vor.u32 @!p0 v6, v43;
	_ =	sdelay $0x3  }
0x100: {  	[tilespmem:v46+s19+$0x0] =	vst.idx.msk @!p0 $0xffff, v44  }
0x101: {  	v44 =	vadd.s32 @!p0 v7, v45;
	v43 =	vld.idx.msk @!p0 [tilespmem:v43+s12+$0x0], $0xffff;
	_ =	sdelay $0x3  }
0x102: {  	s3 =	spop (v2sf)  }
0x103: {  	s2 =	sadd.s32 s0, s3;
	[tilespmem:v44+s19+$0x0] =	vst.idx.msk @!p0 $0xffff, v43;
	v43 =	vbroadcast @!p0 v40, $0xB  }
0x104: {  	[tilespmem:s12], [sflag:$0x4] =	stream.strided.gather [hbm4b:s2+s9], $0x2000, s8, s9, $0x38;
	[tilespmem:$0x18200] =	vst v63  }
0x105: {  	s2 =	sadd.s32 @!p0 $0xFFFFFFFB, s1;
	v44 =	vor.u32 @!p0 v0, v43  }
0x106: {  	v45 =	vmov @!p0 s2  }
0x107: {  	_ =	swait.ge @!p0 [sflag:s22], $0x2000;
	v46 =	vshll.u32 @!p0 v45, $0x3  }
0x108: {  	[sflag:s22] =	ssyncset.done @!p0 $0x0;
	v45 =	vand.u32 @!p0 $0x7B, v45;
	v46 =	vand.u32 @!p0 $0xFFFFFC00, v46  }
0x109: {  	[sflag:s22] =	ssyncadd.s32 @!p0 $0xFFFFE000;
	v45 =	vor.u32 @!p0 v45, v46  }
0x10a: {  	v46 =	vadd.s32 @!p0 v1, v45;
	v44 =	vld.idx.msk @!p0 [tilespmem:v44+s13+$0x0], $0xffff  }
0x10b: {  	v47 =	vor.u32 @!p0 v2, v43;
	_ =	sdelay $0x3  }
0x10c: {  	[tilespmem:v46+s19+$0x0] =	vst.idx.msk @!p0 $0xffff, v44  }
0x10d: {  	v46 =	vadd.s32 @!p0 v3, v45;
	v44 =	vld.idx.msk @!p0 [tilespmem:v47+s13+$0x0], $0xffff  }
0x10e: {  	(v2sf) =	vpush v62, $0x3;
	v47 =	vor.u32 @!p0 v4, v43;
	_ =	sdelay $0x3  }
0x10f: {  	[tilespmem:v46+s19+$0x0] =	vst.idx.msk @!p0 $0xffff, v44  }
0x110: {  	v46 =	vadd.s32 @!p0 v5, v45;
	v44 =	vld.idx.msk @!p0 [tilespmem:v47+s13+$0x0], $0xffff  }
0x111: {  	v43 =	vor.u32 @!p0 v6, v43;
	_ =	sdelay $0x3  }
0x112: {  	[tilespmem:v46+s19+$0x0] =	vst.idx.msk @!p0 $0xffff, v44  }
0x113: {  	v44 =	vadd.s32 @!p0 v7, v45;
	v43 =	vld.idx.msk @!p0 [tilespmem:v43+s13+$0x0], $0xffff;
	_ =	sdelay $0x3  }
0x114: {  	s3 =	spop (v2sf)  }
0x115: {  	s2 =	sadd.s32 s0, s3;
	[tilespmem:v44+s19+$0x0] =	vst.idx.msk @!p0 $0xffff, v43;
	v43 =	vbroadcast @!p0 v40, $0xC  }
0x116: {  	[tilespmem:s13], [sflag:$0x5] =	stream.strided.gather [hbm4b:s2+s9], $0x2000, s8, s9, $0x38;
	[tilespmem:$0x18200] =	vst v63  }
0x117: {  	s2 =	sadd.s32 @!p0 $0xFFFFFFFC, s1;
	v44 =	vor.u32 @!p0 v0, v43  }
0x118: {  	v45 =	vmov @!p0 s2  }
0x119: {  	_ =	swait.ge @!p0 [sflag:s23], $0x2000;
	v46 =	vshll.u32 @!p0 v45, $0x3  }
0x11a: {  	[sflag:s23] =	ssyncset.done @!p0 $0x0;
	v45 =	vand.u32 @!p0 $0x7C, v45;
	v46 =	vand.u32 @!p0 $0xFFFFFC00, v46  }
0x11b: {  	[sflag:s23] =	ssyncadd.s32 @!p0 $0xFFFFE000;
	v45 =	vor.u32 @!p0 v45, v46  }
0x11c: {  	v46 =	vadd.s32 @!p0 v1, v45;
	v44 =	vld.idx.msk @!p0 [tilespmem:v44+s14+$0x0], $0xffff  }
0x11d: {  	v47 =	vor.u32 @!p0 v2, v43;
	_ =	sdelay $0x3  }
0x11e: {  	[tilespmem:v46+s19+$0x0] =	vst.idx.msk @!p0 $0xffff, v44  }
0x11f: {  	v46 =	vadd.s32 @!p0 v3, v45;
	v44 =	vld.idx.msk @!p0 [tilespmem:v47+s14+$0x0], $0xffff  }
0x120: {  	(v2sf) =	vpush v62, $0x4;
	v47 =	vor.u32 @!p0 v4, v43;
	_ =	sdelay $0x3  }
0x121: {  	[tilespmem:v46+s19+$0x0] =	vst.idx.msk @!p0 $0xffff, v44  }
0x122: {  	v46 =	vadd.s32 @!p0 v5, v45;
	v44 =	vld.idx.msk @!p0 [tilespmem:v47+s14+$0x0], $0xffff  }
0x123: {  	v43 =	vor.u32 @!p0 v6, v43;
	_ =	sdelay $0x3  }
0x124: {  	[tilespmem:v46+s19+$0x0] =	vst.idx.msk @!p0 $0xffff, v44  }
0x125: {  	v44 =	vadd.s32 @!p0 v7, v45;
	v43 =	vld.idx.msk @!p0 [tilespmem:v43+s14+$0x0], $0xffff;
	_ =	sdelay $0x3  }
0x126: {  	s3 =	spop (v2sf)  }
0x127: {  	s2 =	sadd.s32 s0, s3;
	[tilespmem:v44+s19+$0x0] =	vst.idx.msk @!p0 $0xffff, v43;
	v43 =	vbroadcast @!p0 v40, $0xD  }
0x128: {  	[tilespmem:s14], [sflag:$0x6] =	stream.strided.gather [hbm4b:s2+s9], $0x2000, s8, s9, $0x38;
	[tilespmem:$0x18200] =	vst v63  }
0x129: {  	s2 =	sadd.s32 @!p0 $0xFFFFFFFD, s1;
	v44 =	vor.u32 @!p0 v0, v43  }
0x12a: {  	v45 =	vmov @!p0 s2  }
0x12b: {  	_ =	swait.ge @!p0 [sflag:s24], $0x2000;
	v46 =	vshll.u32 @!p0 v45, $0x3  }
0x12c: {  	[sflag:s24] =	ssyncset.done @!p0 $0x0;
	v45 =	vand.u32 @!p0 $0x7D, v45;
	v46 =	vand.u32 @!p0 $0xFFFFFC00, v46  }
0x12d: {  	[sflag:s24] =	ssyncadd.s32 @!p0 $0xFFFFE000;
	v45 =	vor.u32 @!p0 v45, v46  }
0x12e: {  	v46 =	vadd.s32 @!p0 v1, v45;
	v44 =	vld.idx.msk @!p0 [tilespmem:v44+s15+$0x0], $0xffff  }
0x12f: {  	v47 =	vor.u32 @!p0 v2, v43;
	_ =	sdelay $0x3  }
0x130: {  	[tilespmem:v46+s19+$0x0] =	vst.idx.msk @!p0 $0xffff, v44  }
0x131: {  	v46 =	vadd.s32 @!p0 v3, v45;
	v44 =	vld.idx.msk @!p0 [tilespmem:v47+s15+$0x0], $0xffff  }
0x132: {  	(v2sf) =	vpush v62, $0x5;
	v47 =	vor.u32 @!p0 v4, v43;
	_ =	sdelay $0x3  }
0x133: {  	[tilespmem:v46+s19+$0x0] =	vst.idx.msk @!p0 $0xffff, v44  }
0x134: {  	v46 =	vadd.s32 @!p0 v5, v45;
	v44 =	vld.idx.msk @!p0 [tilespmem:v47+s15+$0x0], $0xffff  }
0x135: {  	v43 =	vor.u32 @!p0 v6, v43;
	_ =	sdelay $0x3  }
0x136: {  	[tilespmem:v46+s19+$0x0] =	vst.idx.msk @!p0 $0xffff, v44  }
0x137: {  	v44 =	vadd.s32 @!p0 v7, v45;
	v43 =	vld.idx.msk @!p0 [tilespmem:v43+s15+$0x0], $0xffff;
	_ =	sdelay $0x3  }
0x138: {  	s3 =	spop (v2sf)  }
0x139: {  	s2 =	sadd.s32 s0, s3;
	[tilespmem:v44+s19+$0x0] =	vst.idx.msk @!p0 $0xffff, v43;
	v43 =	vbroadcast @!p0 v40, $0xE  }
0x13a: {  	[tilespmem:s15], [sflag:$0x7] =	stream.strided.gather [hbm4b:s2+s9], $0x2000, s8, s9, $0x38;
	[tilespmem:$0x18200] =	vst v63  }
0x13b: {  	s2 =	sadd.s32 @!p0 $0xFFFFFFFE, s1;
	v44 =	vor.u32 @!p0 v0, v43  }
0x13c: {  	v45 =	vmov @!p0 s2  }
0x13d: {  	_ =	swait.ge @!p0 [sflag:s25], $0x2000;
	v46 =	vshll.u32 @!p0 v45, $0x3  }
0x13e: {  	[sflag:s25] =	ssyncset.done @!p0 $0x0;
	v45 =	vand.u32 @!p0 $0x7E, v45;
	v46 =	vand.u32 @!p0 $0xFFFFFC00, v46  }
0x13f: {  	[sflag:s25] =	ssyncadd.s32 @!p0 $0xFFFFE000;
	v45 =	vor.u32 @!p0 v45, v46  }
0x140: {  	v46 =	vadd.s32 @!p0 v1, v45;
	v44 =	vld.idx.msk @!p0 [tilespmem:v44+s16+$0x0], $0xffff  }
0x141: {  	v47 =	vor.u32 @!p0 v2, v43;
	_ =	sdelay $0x3  }
0x142: {  	[tilespmem:v46+s19+$0x0] =	vst.idx.msk @!p0 $0xffff, v44  }
0x143: {  	v46 =	vadd.s32 @!p0 v3, v45;
	v44 =	vld.idx.msk @!p0 [tilespmem:v47+s16+$0x0], $0xffff  }
0x144: {  	(v2sf) =	vpush v62, $0x6;
	v47 =	vor.u32 @!p0 v4, v43;
	_ =	sdelay $0x3  }
0x145: {  	[tilespmem:v46+s19+$0x0] =	vst.idx.msk @!p0 $0xffff, v44  }
0x146: {  	v46 =	vadd.s32 @!p0 v5, v45;
	v44 =	vld.idx.msk @!p0 [tilespmem:v47+s16+$0x0], $0xffff  }
0x147: {  	v43 =	vor.u32 @!p0 v6, v43;
	_ =	sdelay $0x3  }
0x148: {  	[tilespmem:v46+s19+$0x0] =	vst.idx.msk @!p0 $0xffff, v44  }
0x149: {  	v44 =	vadd.s32 @!p0 v7, v45;
	v43 =	vld.idx.msk @!p0 [tilespmem:v43+s16+$0x0], $0xffff;
	_ =	sdelay $0x3  }
0x14a: {  	s3 =	spop (v2sf)  }
0x14b: {  	v40 =	vbroadcast @!p0 v40, $0xF;
	s2 =	sadd.s32 s0, s3;
	[tilespmem:v44+s19+$0x0] =	vst.idx.msk @!p0 $0xffff, v43  }
0x14c: {  	[tilespmem:s16], [sflag:$0x8] =	stream.strided.gather [hbm4b:s2+s9], $0x2000, s8, s9, $0x38;
	[tilespmem:$0x18200] =	vst v63  }
0x14d: {  	v43 =	vor.u32 @!p0 v0, v40;
	s2 =	sadd.s32 @!p0 $0xFFFFFFFF, s1  }
0x14e: {  	v44 =	vmov @!p0 s2  }
0x14f: {  	_ =	swait.ge @!p0 [sflag:s26], $0x2000;
	v45 =	vshll.u32 @!p0 v44, $0x3  }
0x150: {  	[sflag:s26] =	ssyncset.done @!p0 $0x0;
	v44 =	vand.u32 @!p0 $0x7F, v44;
	v45 =	vand.u32 @!p0 $0xFFFFFC00, v45  }
0x151: {  	[sflag:s26] =	ssyncadd.s32 @!p0 $0xFFFFE000;
	v44 =	vor.u32 @!p0 v44, v45  }
0x152: {  	v43 =	vld.idx.msk @!p0 [tilespmem:v43+s17+$0x0], $0xffff;
	v45 =	vadd.s32 @!p0 v1, v44  }
0x153: {  	v46 =	vor.u32 @!p0 v2, v40;
	_ =	sdelay $0x3  }
0x154: {  	[tilespmem:v45+s19+$0x0] =	vst.idx.msk @!p0 $0xffff, v43  }
0x155: {  	v45 =	vadd.s32 @!p0 v3, v44;
	v43 =	vld.idx.msk @!p0 [tilespmem:v46+s17+$0x0], $0xffff  }
0x156: {  	v46 =	vor.u32 @!p0 v4, v40;
	_ =	sdelay $0x2  }
0x157: {  	v42 =	vadd.s32 s0, v62  }
0x158: {  	(v2sf) =	vpush v42, $0x7;
	[tilespmem:v45+s19+$0x0] =	vst.idx.msk @!p0 $0xffff, v43  }
0x159: {  	v45 =	vadd.s32 @!p0 v5, v44;
	v43 =	vld.idx.msk @!p0 [tilespmem:v46+s17+$0x0], $0xffff  }
0x15a: {  	v40 =	vor.u32 @!p0 v6, v40;
	_ =	sdelay $0x3  }
0x15b: {  	[tilespmem:v45+s19+$0x0] =	vst.idx.msk @!p0 $0xffff, v43  }
0x15c: {  	v43 =	vadd.s32 @!p0 v7, v44;
	v40 =	vld.idx.msk @!p0 [tilespmem:v40+s17+$0x0], $0xffff;
	_ =	sdelay $0x4  }
0x15d: {  	[tilespmem:v43+s19+$0x0] =	vst.idx.msk @!p0 $0xffff, v40;
	v40 =	vand.u32 $0x7F, v41  }
0x15e: {  	v41 =	vbroadcast v40, $0x0;
	_ =	sdelay $0x1  }
0x15f: {  	s3 =	spop (v2sf);
	v63 =	vor.u32 v0, v41  }
0x160: {  	v48 =	vmov s1;
	[tilespmem:s17], [sflag:$0x9] =	stream.strided.gather [hbm4b:s3+s9], $0x2000, s8, s9, $0x38;
	[tilespmem:$0x18200] =	vst v63  }
0x161: {  	v49 =	vshll.u32 v48, $0x3;
	_ =	swait.ge [sflag:s18], $0x2000  }
0x162: {  	v44 =	vand.u32 $0x70, v48;
	v45 =	vand.u32 $0xC00, v49;
	[sflag:s18] =	ssyncset.done $0x0  }
0x163: {  	v44 =	vor.u32 v44, v45;
	[sflag:s18] =	ssyncadd.s32 $0xFFFFE000  }
0x164: {  	v45 =	vor.u32 v1, v44;
	v43 =	vld.idx.msk [tilespmem:v63+s10+$0x0], $0xffff  }
0x165: {  	v50 =	vor.u32 v2, v41;
	_ =	sdelay $0x3  }
0x166: {  	[tilespmem:v45+s19+$0x0] =	vst.idx.msk $0xffff, v43  }
0x167: {  	v51 =	vor.u32 v3, v44;
	v43 =	vld.idx.msk [tilespmem:v50+s10+$0x0], $0xffff  }
0x168: {  	v52 =	vor.u32 v4, v41  }
0x169: {  	(v2sf) =	vpush v42, $0x8;
	_ =	sdelay $0x2  }
0x16a: {  	[tilespmem:v51+s19+$0x0] =	vst.idx.msk $0xffff, v43  }
0x16b: {  	v53 =	vor.u32 v5, v44;
	v43 =	vld.idx.msk [tilespmem:v52+s10+$0x0], $0xffff  }
0x16c: {  	v41 =	vor.u32 v6, v41;
	_ =	sdelay $0x3  }
0x16d: {  	[tilespmem:v53+s19+$0x0] =	vst.idx.msk $0xffff, v43  }
0x16e: {  	v54 =	vor.u32 v7, v44;
	v41 =	vld.idx.msk [tilespmem:v41+s10+$0x0], $0xffff;
	_ =	sdelay $0x2  }
0x16f: {  	v55 =	vbroadcast v40, $0x1;
	_ =	sdelay $0x1  }
0x170: {  	s2 =	sadd.s32 $0x1, s1;
	v56 =	vor.u32 v0, v55;
	s3 =	spop (v2sf);
	[tilespmem:v54+s19+$0x0] =	vst.idx.msk $0xffff, v41  }
0x171: {  	v57 =	vmov s2;
	[tilespmem:s10], [sflag:$0x2] =	stream.strided.gather [hbm4b:s3+s9], $0x2000, s8, s9, $0x38;
	[tilespmem:$0x18200] =	vst v63  }
0x172: {  	v58 =	vshll.u32 v57, $0x3;
	_ =	swait.ge [sflag:s20], $0x2000  }
0x173: {  	v45 =	vand.u32 $0xC00, v58;
	v43 =	vand.u32 $0x71, v57;
	[sflag:s20] =	ssyncset.done $0x0  }
0x174: {  	v43 =	vor.u32 v43, v45;
	[sflag:s20] =	ssyncadd.s32 $0xFFFFE000  }
0x175: {  	v45 =	vor.u32 v1, v43;
	v41 =	vld.idx.msk [tilespmem:v56+s11+$0x0], $0xffff  }
0x176: {  	v59 =	vor.u32 v2, v55;
	_ =	sdelay $0x3  }
0x177: {  	[tilespmem:v45+s19+$0x0] =	vst.idx.msk $0xffff, v41  }
0x178: {  	v60 =	vor.u32 v3, v43;
	v41 =	vld.idx.msk [tilespmem:v59+s11+$0x0], $0xffff  }
0x179: {  	v61 =	vor.u32 v4, v55  }
0x17a: {  	(v2sf) =	vpush v42, $0x9;
	_ =	sdelay $0x2  }
0x17b: {  	[tilespmem:v60+s19+$0x0] =	vst.idx.msk $0xffff, v41  }
0x17c: {  	v62 =	vor.u32 v5, v43;
	v41 =	vld.idx.msk [tilespmem:v61+s11+$0x0], $0xffff  }
0x17d: {  	v44 =	vor.u32 v6, v55;
	_ =	sdelay $0x3  }
0x17e: {  	[tilespmem:v62+s19+$0x0] =	vst.idx.msk $0xffff, v41  }
0x17f: {  	v43 =	vor.u32 v7, v43;
	v41 =	vld.idx.msk [tilespmem:v44+s11+$0x0], $0xffff;
	_ =	sdelay $0x2  }
0x180: {  	v63 =	vbroadcast v40, $0x2;
	_ =	sdelay $0x1  }
0x181: {  	s2 =	sadd.s32 $0x2, s1;
	v48 =	vor.u32 v0, v63;
	s3 =	spop (v2sf);
	[tilespmem:v43+s19+$0x0] =	vst.idx.msk $0xffff, v41  }
0x182: {  	v49 =	vmov s2;
	[tilespmem:s11], [sflag:$0x3] =	stream.strided.gather [hbm4b:s3+s9], $0x2000, s8, s9, $0x38;
	[tilespmem:$0x18200] =	vst v63  }
0x183: {  	v50 =	vshll.u32 v49, $0x3;
	_ =	swait.ge [sflag:s21], $0x2000  }
0x184: {  	v45 =	vand.u32 $0xC00, v50;
	v43 =	vand.u32 $0x72, v49;
	[sflag:s21] =	ssyncset.done $0x0  }
0x185: {  	v43 =	vor.u32 v43, v45;
	[sflag:s21] =	ssyncadd.s32 $0xFFFFE000  }
0x186: {  	v45 =	vor.u32 v1, v43;
	v41 =	vld.idx.msk [tilespmem:v48+s12+$0x0], $0xffff  }
0x187: {  	v51 =	vor.u32 v2, v63;
	_ =	sdelay $0x3  }
0x188: {  	[tilespmem:v45+s19+$0x0] =	vst.idx.msk $0xffff, v41  }
0x189: {  	v52 =	vor.u32 v3, v43;
	v41 =	vld.idx.msk [tilespmem:v51+s12+$0x0], $0xffff  }
0x18a: {  	v53 =	vor.u32 v4, v63  }
0x18b: {  	(v2sf) =	vpush v42, $0xA;
	_ =	sdelay $0x2  }
0x18c: {  	[tilespmem:v52+s19+$0x0] =	vst.idx.msk $0xffff, v41  }
0x18d: {  	v54 =	vor.u32 v5, v43;
	v41 =	vld.idx.msk [tilespmem:v53+s12+$0x0], $0xffff  }
0x18e: {  	v44 =	vor.u32 v6, v63;
	_ =	sdelay $0x3  }
0x18f: {  	[tilespmem:v54+s19+$0x0] =	vst.idx.msk $0xffff, v41  }
0x190: {  	v43 =	vor.u32 v7, v43;
	v41 =	vld.idx.msk [tilespmem:v44+s12+$0x0], $0xffff;
	_ =	sdelay $0x2  }
0x191: {  	v55 =	vbroadcast v40, $0x3;
	_ =	sdelay $0x1  }
0x192: {  	s2 =	sadd.s32 $0x3, s1;
	v56 =	vor.u32 v0, v55;
	s3 =	spop (v2sf);
	[tilespmem:v43+s19+$0x0] =	vst.idx.msk $0xffff, v41  }
0x193: {  	v57 =	vmov s2;
	[tilespmem:s12], [sflag:$0x4] =	stream.strided.gather [hbm4b:s3+s9], $0x2000, s8, s9, $0x38;
	[tilespmem:$0x18200] =	vst v63  }
0x194: {  	v58 =	vshll.u32 v57, $0x3;
	_ =	swait.ge [sflag:s22], $0x2000  }
0x195: {  	v45 =	vand.u32 $0xC00, v58;
	v43 =	vand.u32 $0x73, v57;
	[sflag:s22] =	ssyncset.done $0x0  }
0x196: {  	v43 =	vor.u32 v43, v45;
	[sflag:s22] =	ssyncadd.s32 $0xFFFFE000  }
0x197: {  	v45 =	vor.u32 v1, v43;
	v41 =	vld.idx.msk [tilespmem:v56+s13+$0x0], $0xffff  }
0x198: {  	v59 =	vor.u32 v2, v55;
	_ =	sdelay $0x3  }
0x199: {  	[tilespmem:v45+s19+$0x0] =	vst.idx.msk $0xffff, v41  }
0x19a: {  	v60 =	vor.u32 v3, v43;
	v41 =	vld.idx.msk [tilespmem:v59+s13+$0x0], $0xffff  }
0x19b: {  	v61 =	vor.u32 v4, v55  }
0x19c: {  	(v2sf) =	vpush v42, $0xB;
	_ =	sdelay $0x2  }
0x19d: {  	[tilespmem:v60+s19+$0x0] =	vst.idx.msk $0xffff, v41  }
0x19e: {  	v62 =	vor.u32 v5, v43;
	v41 =	vld.idx.msk [tilespmem:v61+s13+$0x0], $0xffff  }
0x19f: {  	v44 =	vor.u32 v6, v55;
	_ =	sdelay $0x3  }
0x1a0: {  	[tilespmem:v62+s19+$0x0] =	vst.idx.msk $0xffff, v41  }
0x1a1: {  	v43 =	vor.u32 v7, v43;
	v41 =	vld.idx.msk [tilespmem:v44+s13+$0x0], $0xffff;
	_ =	sdelay $0x2  }
0x1a2: {  	v63 =	vbroadcast v40, $0x4;
	_ =	sdelay $0x1  }
0x1a3: {  	s2 =	sadd.s32 $0x4, s1;
	v48 =	vor.u32 v0, v63;
	s3 =	spop (v2sf);
	[tilespmem:v43+s19+$0x0] =	vst.idx.msk $0xffff, v41  }
0x1a4: {  	v49 =	vmov s2;
	[tilespmem:s13], [sflag:$0x5] =	stream.strided.gather [hbm4b:s3+s9], $0x2000, s8, s9, $0x38;
	[tilespmem:$0x18200] =	vst v63  }
0x1a5: {  	v50 =	vshll.u32 v49, $0x3;
	_ =	swait.ge [sflag:s23], $0x2000  }
0x1a6: {  	v45 =	vand.u32 $0xC00, v50;
	v43 =	vand.u32 $0x74, v49;
	[sflag:s23] =	ssyncset.done $0x0  }
0x1a7: {  	v43 =	vor.u32 v43, v45;
	[sflag:s23] =	ssyncadd.s32 $0xFFFFE000  }
0x1a8: {  	v45 =	vor.u32 v1, v43;
	v41 =	vld.idx.msk [tilespmem:v48+s14+$0x0], $0xffff  }
0x1a9: {  	v51 =	vor.u32 v2, v63;
	_ =	sdelay $0x3  }
0x1aa: {  	[tilespmem:v45+s19+$0x0] =	vst.idx.msk $0xffff, v41  }
0x1ab: {  	v52 =	vor.u32 v3, v43;
	v41 =	vld.idx.msk [tilespmem:v51+s14+$0x0], $0xffff  }
0x1ac: {  	v53 =	vor.u32 v4, v63  }
0x1ad: {  	(v2sf) =	vpush v42, $0xC;
	_ =	sdelay $0x2  }
0x1ae: {  	[tilespmem:v52+s19+$0x0] =	vst.idx.msk $0xffff, v41  }
0x1af: {  	v54 =	vor.u32 v5, v43;
	v41 =	vld.idx.msk [tilespmem:v53+s14+$0x0], $0xffff  }
0x1b0: {  	v44 =	vor.u32 v6, v63;
	_ =	sdelay $0x3  }
0x1b1: {  	[tilespmem:v54+s19+$0x0] =	vst.idx.msk $0xffff, v41  }
0x1b2: {  	v43 =	vor.u32 v7, v43;
	v41 =	vld.idx.msk [tilespmem:v44+s14+$0x0], $0xffff;
	_ =	sdelay $0x2  }
0x1b3: {  	v55 =	vbroadcast v40, $0x5;
	_ =	sdelay $0x1  }
0x1b4: {  	s2 =	sadd.s32 $0x5, s1;
	v56 =	vor.u32 v0, v55;
	s3 =	spop (v2sf);
	[tilespmem:v43+s19+$0x0] =	vst.idx.msk $0xffff, v41  }
0x1b5: {  	v57 =	vmov s2;
	[tilespmem:s14], [sflag:$0x6] =	stream.strided.gather [hbm4b:s3+s9], $0x2000, s8, s9, $0x38;
	[tilespmem:$0x18200] =	vst v63  }
0x1b6: {  	v58 =	vshll.u32 v57, $0x3;
	_ =	swait.ge [sflag:s24], $0x2000  }
0x1b7: {  	v45 =	vand.u32 $0xC00, v58;
	v43 =	vand.u32 $0x75, v57;
	[sflag:s24] =	ssyncset.done $0x0  }
0x1b8: {  	v43 =	vor.u32 v43, v45;
	[sflag:s24] =	ssyncadd.s32 $0xFFFFE000  }
0x1b9: {  	v45 =	vor.u32 v1, v43;
	v41 =	vld.idx.msk [tilespmem:v56+s15+$0x0], $0xffff  }
0x1ba: {  	v59 =	vor.u32 v2, v55;
	_ =	sdelay $0x3  }
0x1bb: {  	[tilespmem:v45+s19+$0x0] =	vst.idx.msk $0xffff, v41  }
0x1bc: {  	v60 =	vor.u32 v3, v43;
	v41 =	vld.idx.msk [tilespmem:v59+s15+$0x0], $0xffff  }
0x1bd: {  	v61 =	vor.u32 v4, v55  }
0x1be: {  	(v2sf) =	vpush v42, $0xD;
	_ =	sdelay $0x2  }
0x1bf: {  	[tilespmem:v60+s19+$0x0] =	vst.idx.msk $0xffff, v41  }
0x1c0: {  	v62 =	vor.u32 v5, v43;
	v41 =	vld.idx.msk [tilespmem:v61+s15+$0x0], $0xffff  }
0x1c1: {  	v44 =	vor.u32 v6, v55;
	_ =	sdelay $0x3  }
0x1c2: {  	[tilespmem:v62+s19+$0x0] =	vst.idx.msk $0xffff, v41  }
0x1c3: {  	v43 =	vor.u32 v7, v43;
	v41 =	vld.idx.msk [tilespmem:v44+s15+$0x0], $0xffff;
	_ =	sdelay $0x2  }
0x1c4: {  	v63 =	vbroadcast v40, $0x6;
	_ =	sdelay $0x1  }
0x1c5: {  	s2 =	sadd.s32 $0x6, s1;
	v48 =	vor.u32 v0, v63;
	s3 =	spop (v2sf);
	[tilespmem:v43+s19+$0x0] =	vst.idx.msk $0xffff, v41  }
0x1c6: {  	v49 =	vmov s2;
	[tilespmem:s15], [sflag:$0x7] =	stream.strided.gather [hbm4b:s3+s9], $0x2000, s8, s9, $0x38;
	[tilespmem:$0x18200] =	vst v63  }
0x1c7: {  	v50 =	vshll.u32 v49, $0x3;
	_ =	swait.ge [sflag:s25], $0x2000  }
0x1c8: {  	v45 =	vand.u32 $0xC00, v50;
	v43 =	vand.u32 $0x76, v49;
	[sflag:s25] =	ssyncset.done $0x0  }
0x1c9: {  	v43 =	vor.u32 v43, v45;
	[sflag:s25] =	ssyncadd.s32 $0xFFFFE000  }
0x1ca: {  	v45 =	vor.u32 v1, v43;
	v41 =	vld.idx.msk [tilespmem:v48+s16+$0x0], $0xffff  }
0x1cb: {  	v51 =	vor.u32 v2, v63;
	_ =	sdelay $0x3  }
0x1cc: {  	[tilespmem:v45+s19+$0x0] =	vst.idx.msk $0xffff, v41  }
0x1cd: {  	v52 =	vor.u32 v3, v43;
	v41 =	vld.idx.msk [tilespmem:v51+s16+$0x0], $0xffff  }
0x1ce: {  	v53 =	vor.u32 v4, v63  }
0x1cf: {  	(v2sf) =	vpush v42, $0xE;
	_ =	sdelay $0x2  }
0x1d0: {  	[tilespmem:v52+s19+$0x0] =	vst.idx.msk $0xffff, v41  }
0x1d1: {  	v54 =	vor.u32 v5, v43;
	v41 =	vld.idx.msk [tilespmem:v53+s16+$0x0], $0xffff  }
0x1d2: {  	v44 =	vor.u32 v6, v63;
	_ =	sdelay $0x3  }
0x1d3: {  	[tilespmem:v54+s19+$0x0] =	vst.idx.msk $0xffff, v41  }
0x1d4: {  	v43 =	vor.u32 v7, v43;
	v41 =	vld.idx.msk [tilespmem:v44+s16+$0x0], $0xffff;
	_ =	sdelay $0x2  }
0x1d5: {  	v55 =	vbroadcast v40, $0x7;
	_ =	sdelay $0x1  }
0x1d6: {  	s2 =	sadd.s32 $0x7, s1;
	v56 =	vor.u32 v0, v55;
	s3 =	spop (v2sf);
	[tilespmem:v43+s19+$0x0] =	vst.idx.msk $0xffff, v41  }
0x1d7: {  	v57 =	vmov s2;
	[tilespmem:s16], [sflag:$0x8] =	stream.strided.gather [hbm4b:s3+s9], $0x2000, s8, s9, $0x38;
	[tilespmem:$0x18200] =	vst v63  }
0x1d8: {  	v58 =	vshll.u32 v57, $0x3;
	_ =	swait.ge [sflag:s26], $0x2000  }
0x1d9: {  	v45 =	vand.u32 $0xC00, v58;
	v43 =	vand.u32 $0x77, v57;
	[sflag:s26] =	ssyncset.done $0x0  }
0x1da: {  	v43 =	vor.u32 v43, v45;
	[sflag:s26] =	ssyncadd.s32 $0xFFFFE000  }
0x1db: {  	v45 =	vor.u32 v1, v43;
	v41 =	vld.idx.msk [tilespmem:v56+s17+$0x0], $0xffff  }
0x1dc: {  	v59 =	vor.u32 v2, v55;
	_ =	sdelay $0x3  }
0x1dd: {  	[tilespmem:v45+s19+$0x0] =	vst.idx.msk $0xffff, v41  }
0x1de: {  	v60 =	vor.u32 v3, v43;
	v41 =	vld.idx.msk [tilespmem:v59+s17+$0x0], $0xffff  }
0x1df: {  	v61 =	vor.u32 v4, v55  }
0x1e0: {  	(v2sf) =	vpush v42, $0xF;
	_ =	sdelay $0x2  }
0x1e1: {  	[tilespmem:v60+s19+$0x0] =	vst.idx.msk $0xffff, v41  }
0x1e2: {  	v62 =	vor.u32 v5, v43;
	v41 =	vld.idx.msk [tilespmem:v61+s17+$0x0], $0xffff  }
0x1e3: {  	v44 =	vor.u32 v6, v55;
	_ =	sdelay $0x3  }
0x1e4: {  	[tilespmem:v62+s19+$0x0] =	vst.idx.msk $0xffff, v41  }
0x1e5: {  	s1 =	sadd.s32 $0x10, s1;
	v63 =	vor.u32 v7, v43;
	v41 =	vld.idx.msk [tilespmem:v44+s17+$0x0], $0xffff  }
0x1e6: {  	p0 =	sne.s32 s1, $0x200  }
.Ltmp0:
0x1e7: {  	_ = 	snop;
	(pc) =	sbr.rel @p0 .LBB2_2-.Ltmp0, $3  }
0x1e8: {  	_ =	sdelay $0x1  }
0x1e9: {  	s31 =	sadd.s32 $0x10, s31;
	s3 =	spop (v2sf);
	[tilespmem:v63+s19+$0x0] =	vst.idx.msk $0xffff, v41  }
0x1ea: {  	[tilespmem:s17], [sflag:$0x9] =	stream.strided.gather [hbm4b:s3+s9], $0x2000, s8, s9, $0x38;
	[tilespmem:$0x18200] =	vst v63  }
0x1eb: {  	v41 =	vbroadcast v40, $0x8;
	_ =	sdelay $0x1  }
0x1ec: {  	v42 =	vor.u32 v0, v41;
	_ =	sdelay $0x1  }
0x1ed: {  	_ =	swait.ge [sflag:s18], $0x2000  }
0x1ee: {  	[sflag:s18] =	ssyncset.done $0x0  }
0x1ef: {  	[sflag:s18] =	ssyncadd.s32 $0xFFFFE000  }
0x1f0: {  	v42 =	vld.idx.msk [tilespmem:v42+s10+$0x0], $0xffff  }
0x1f1: {  	v43 =	vor.u32 v2, v41;
	_ =	sdelay $0x3  }
0x1f2: {  	[tilespmem:v8+s19+$0x0] =	vst.idx.msk $0xffff, v42  }
0x1f3: {  	v42 =	vld.idx.msk [tilespmem:v43+s10+$0x0], $0xffff  }
0x1f4: {  	v47 =	vor.u32 v4, v41;
	_ =	sdelay $0x3  }
0x1f5: {  	[tilespmem:v9+s19+$0x0] =	vst.idx.msk $0xffff, v42  }
0x1f6: {  	v42 =	vld.idx.msk [tilespmem:v47+s10+$0x0], $0xffff  }
0x1f7: {  	v41 =	vor.u32 v6, v41;
	_ =	sdelay $0x3  }
0x1f8: {  	[tilespmem:v10+s19+$0x0] =	vst.idx.msk $0xffff, v42  }
0x1f9: {  	v41 =	vld.idx.msk [tilespmem:v41+s10+$0x0], $0xffff;
	_ =	sdelay $0x1  }
0x1fa: {  	v48 =	vbroadcast v40, $0x9;
	_ =	sdelay $0x1  }
0x1fb: {  	v49 =	vor.u32 v0, v48  }
0x1fc: {  	[tilespmem:v11+s19+$0x0] =	vst.idx.msk $0xffff, v41  }
0x1fd: {  	_ =	swait.ge [sflag:s20], $0x2000  }
0x1fe: {  	[sflag:s20] =	ssyncset.done $0x0  }
0x1ff: {  	[sflag:s20] =	ssyncadd.s32 $0xFFFFE000  }
0x200: {  	v50 =	vld.idx.msk [tilespmem:v49+s11+$0x0], $0xffff  }
0x201: {  	v51 =	vor.u32 v2, v48;
	_ =	sdelay $0x3  }
0x202: {  	[tilespmem:v12+s19+$0x0] =	vst.idx.msk $0xffff, v50  }
0x203: {  	v41 =	vld.idx.msk [tilespmem:v51+s11+$0x0], $0xffff  }
0x204: {  	v52 =	vor.u32 v4, v48;
	_ =	sdelay $0x3  }
0x205: {  	[tilespmem:v13+s19+$0x0] =	vst.idx.msk $0xffff, v41  }
0x206: {  	v41 =	vld.idx.msk [tilespmem:v52+s11+$0x0], $0xffff  }
0x207: {  	v42 =	vor.u32 v6, v48;
	_ =	sdelay $0x3  }
0x208: {  	[tilespmem:v14+s19+$0x0] =	vst.idx.msk $0xffff, v41  }
0x209: {  	v41 =	vld.idx.msk [tilespmem:v42+s11+$0x0], $0xffff;
	_ =	sdelay $0x1  }
0x20a: {  	v53 =	vbroadcast v40, $0xA;
	_ =	sdelay $0x1  }
0x20b: {  	v54 =	vor.u32 v0, v53  }
0x20c: {  	[tilespmem:v15+s19+$0x0] =	vst.idx.msk $0xffff, v41  }
0x20d: {  	_ =	swait.ge [sflag:s21], $0x2000  }
0x20e: {  	[sflag:s21] =	ssyncset.done $0x0  }
0x20f: {  	[sflag:s21] =	ssyncadd.s32 $0xFFFFE000  }
0x210: {  	v55 =	vld.idx.msk [tilespmem:v54+s12+$0x0], $0xffff  }
0x211: {  	v56 =	vor.u32 v2, v53;
	_ =	sdelay $0x3  }
0x212: {  	[tilespmem:v16+s19+$0x0] =	vst.idx.msk $0xffff, v55  }
0x213: {  	v41 =	vld.idx.msk [tilespmem:v56+s12+$0x0], $0xffff  }
0x214: {  	v57 =	vor.u32 v4, v53;
	_ =	sdelay $0x3  }
0x215: {  	[tilespmem:v17+s19+$0x0] =	vst.idx.msk $0xffff, v41  }
0x216: {  	v41 =	vld.idx.msk [tilespmem:v57+s12+$0x0], $0xffff  }
0x217: {  	v42 =	vor.u32 v6, v53;
	_ =	sdelay $0x3  }
0x218: {  	[tilespmem:v18+s19+$0x0] =	vst.idx.msk $0xffff, v41  }
0x219: {  	v41 =	vld.idx.msk [tilespmem:v42+s12+$0x0], $0xffff;
	_ =	sdelay $0x1  }
0x21a: {  	v58 =	vbroadcast v40, $0xB;
	_ =	sdelay $0x1  }
0x21b: {  	v59 =	vor.u32 v0, v58  }
0x21c: {  	[tilespmem:v19+s19+$0x0] =	vst.idx.msk $0xffff, v41  }
0x21d: {  	_ =	swait.ge [sflag:s22], $0x2000  }
0x21e: {  	[sflag:s22] =	ssyncset.done $0x0  }
0x21f: {  	[sflag:s22] =	ssyncadd.s32 $0xFFFFE000  }
0x220: {  	v60 =	vld.idx.msk [tilespmem:v59+s13+$0x0], $0xffff  }
0x221: {  	v61 =	vor.u32 v2, v58;
	_ =	sdelay $0x3  }
0x222: {  	[tilespmem:v20+s19+$0x0] =	vst.idx.msk $0xffff, v60  }
0x223: {  	v41 =	vld.idx.msk [tilespmem:v61+s13+$0x0], $0xffff  }
0x224: {  	v62 =	vor.u32 v4, v58;
	_ =	sdelay $0x3  }
0x225: {  	[tilespmem:v21+s19+$0x0] =	vst.idx.msk $0xffff, v41  }
0x226: {  	v41 =	vld.idx.msk [tilespmem:v62+s13+$0x0], $0xffff  }
0x227: {  	v42 =	vor.u32 v6, v58;
	_ =	sdelay $0x3  }
0x228: {  	[tilespmem:v22+s19+$0x0] =	vst.idx.msk $0xffff, v41  }
0x229: {  	v41 =	vld.idx.msk [tilespmem:v42+s13+$0x0], $0xffff;
	_ =	sdelay $0x1  }
0x22a: {  	v63 =	vbroadcast v40, $0xC;
	_ =	sdelay $0x1  }
0x22b: {  	v45 =	vor.u32 v0, v63  }
0x22c: {  	[tilespmem:v23+s19+$0x0] =	vst.idx.msk $0xffff, v41  }
0x22d: {  	_ =	swait.ge [sflag:s23], $0x2000  }
0x22e: {  	[sflag:s23] =	ssyncset.done $0x0  }
0x22f: {  	[sflag:s23] =	ssyncadd.s32 $0xFFFFE000  }
0x230: {  	v46 =	vld.idx.msk [tilespmem:v45+s14+$0x0], $0xffff  }
0x231: {  	v47 =	vor.u32 v2, v63;
	_ =	sdelay $0x3  }
0x232: {  	[tilespmem:v24+s19+$0x0] =	vst.idx.msk $0xffff, v46  }
0x233: {  	v41 =	vld.idx.msk [tilespmem:v47+s14+$0x0], $0xffff  }
0x234: {  	v48 =	vor.u32 v4, v63;
	_ =	sdelay $0x3  }
0x235: {  	[tilespmem:v25+s19+$0x0] =	vst.idx.msk $0xffff, v41  }
0x236: {  	v41 =	vld.idx.msk [tilespmem:v48+s14+$0x0], $0xffff  }
0x237: {  	v42 =	vor.u32 v6, v63;
	_ =	sdelay $0x3  }
0x238: {  	[tilespmem:v26+s19+$0x0] =	vst.idx.msk $0xffff, v41  }
0x239: {  	v41 =	vld.idx.msk [tilespmem:v42+s14+$0x0], $0xffff;
	_ =	sdelay $0x1  }
0x23a: {  	v49 =	vbroadcast v40, $0xD;
	_ =	sdelay $0x1  }
0x23b: {  	v50 =	vor.u32 v0, v49  }
0x23c: {  	[tilespmem:v27+s19+$0x0] =	vst.idx.msk $0xffff, v41  }
0x23d: {  	_ =	swait.ge [sflag:s24], $0x2000  }
0x23e: {  	[sflag:s24] =	ssyncset.done $0x0  }
0x23f: {  	[sflag:s24] =	ssyncadd.s32 $0xFFFFE000  }
0x240: {  	v51 =	vld.idx.msk [tilespmem:v50+s15+$0x0], $0xffff  }
0x241: {  	v52 =	vor.u32 v2, v49;
	_ =	sdelay $0x3  }
0x242: {  	[tilespmem:v28+s19+$0x0] =	vst.idx.msk $0xffff, v51  }
0x243: {  	v41 =	vld.idx.msk [tilespmem:v52+s15+$0x0], $0xffff  }
0x244: {  	v53 =	vor.u32 v4, v49;
	_ =	sdelay $0x3  }
0x245: {  	[tilespmem:v29+s19+$0x0] =	vst.idx.msk $0xffff, v41  }
0x246: {  	v41 =	vld.idx.msk [tilespmem:v53+s15+$0x0], $0xffff  }
0x247: {  	v42 =	vor.u32 v6, v49;
	_ =	sdelay $0x3  }
0x248: {  	[tilespmem:v30+s19+$0x0] =	vst.idx.msk $0xffff, v41  }
0x249: {  	v41 =	vld.idx.msk [tilespmem:v42+s15+$0x0], $0xffff;
	_ =	sdelay $0x1  }
0x24a: {  	v54 =	vbroadcast v40, $0xE;
	_ =	sdelay $0x1  }
0x24b: {  	v55 =	vor.u32 v0, v54  }
0x24c: {  	[tilespmem:v31+s19+$0x0] =	vst.idx.msk $0xffff, v41  }
0x24d: {  	_ =	swait.ge [sflag:s25], $0x2000  }
0x24e: {  	[sflag:s25] =	ssyncset.done $0x0  }
0x24f: {  	[sflag:s25] =	ssyncadd.s32 $0xFFFFE000  }
0x250: {  	v56 =	vld.idx.msk [tilespmem:v55+s16+$0x0], $0xffff  }
0x251: {  	v57 =	vor.u32 v2, v54;
	_ =	sdelay $0x3  }
0x252: {  	[tilespmem:v32+s19+$0x0] =	vst.idx.msk $0xffff, v56  }
0x253: {  	v41 =	vld.idx.msk [tilespmem:v57+s16+$0x0], $0xffff  }
0x254: {  	v58 =	vor.u32 v4, v54;
	_ =	sdelay $0x3  }
0x255: {  	[tilespmem:v33+s19+$0x0] =	vst.idx.msk $0xffff, v41  }
0x256: {  	v41 =	vld.idx.msk [tilespmem:v58+s16+$0x0], $0xffff  }
0x257: {  	v42 =	vor.u32 v6, v54;
	_ =	sdelay $0x3  }
0x258: {  	[tilespmem:v34+s19+$0x0] =	vst.idx.msk $0xffff, v41  }
0x259: {  	v41 =	vld.idx.msk [tilespmem:v42+s16+$0x0], $0xffff;
	_ =	sdelay $0x1  }
0x25a: {  	v59 =	vbroadcast v40, $0xF;
	_ =	sdelay $0x1  }
0x25b: {  	v60 =	vor.u32 v0, v59  }
0x25c: {  	[tilespmem:v35+s19+$0x0] =	vst.idx.msk $0xffff, v41  }
0x25d: {  	_ =	swait.ge [sflag:s26], $0x2000  }
0x25e: {  	[sflag:s26] =	ssyncset.done $0x0  }
0x25f: {  	[sflag:s26] =	ssyncadd.s32 $0xFFFFE000  }
0x260: {  	v61 =	vld.idx.msk [tilespmem:v60+s17+$0x0], $0xffff  }
0x261: {  	v62 =	vor.u32 v2, v59;
	_ =	sdelay $0x3  }
0x262: {  	[tilespmem:v36+s19+$0x0] =	vst.idx.msk $0xffff, v61  }
0x263: {  	v41 =	vld.idx.msk [tilespmem:v62+s17+$0x0], $0xffff  }
0x264: {  	v63 =	vor.u32 v4, v59;
	_ =	sdelay $0x3  }
0x265: {  	[tilespmem:v37+s19+$0x0] =	vst.idx.msk $0xffff, v41  }
0x266: {  	v41 =	vld.idx.msk [tilespmem:v63+s17+$0x0], $0xffff  }
0x267: {  	v40 =	vor.u32 v6, v59;
	_ =	sdelay $0x3  }
0x268: {  	[tilespmem:v38+s19+$0x0] =	vst.idx.msk $0xffff, v41  }
0x269: {  	v40 =	vld.idx.msk [tilespmem:v40+s17+$0x0], $0xffff;
	_ =	sdelay $0x2  }
0x26a: {  	s30 =	sadd.s32 $0x1, s30  }
0x26b: {  	p0 =	sne.s32 s30, s6  }
.Ltmp1:
0x26c: {  	[tilespmem:v39+s19+$0x0] =	vst.idx.msk $0xffff, v40;
	(pc) =	sbr.rel @p0 .LBB2_1-.Ltmp1, $4  }
0x26d: {  	[hbm4b:s5+s28] =	stream.strided.scatter [tilespmem:s19], [sflag:$0x1], $0x8000, s29, s28, $0x38;
	[tilespmem:$0x18200] =	vst v63  }
0x26e: {  	_ =	swait.ge [sflag:s7], $0x8000  }
0x26f: {  	[sflag:s7] =	ssyncset.done $0x0  }
0x270: {  	[sflag:s7] =	ssyncadd.s32 $0xFFFF8000  }
0x271: {  	_ =	sfence.sel $0x180000  }
0x272: {  	[bflag:$0x0] =	sbarrier.arrive $0xFFFF  }
0x273: {  	_ =	strace $0x90000047  }
0x274: {  	s0 =	stileid.u32;
	[bflag:$0x2] =	sbarrier.arrive $0xFFFF  }
0x275: {  	p0 =	sne.s32 s0, $0x0;
	s0 =	rddreg [dreg:$0x3]  }
0x276: {  	s0 =	sadd.s32 @!p0 $0x100000, s0  }
0x277: {  	[sflag:s0] =	ssyncadd.tile.s32 @!p0 $0x1;
	_ =	shalt  }
.Lfunc_end2:
_tile_overlayer_lowered:
.L_overlay_start_2:
0x278: {  	(tag) =	ssettag $0x2  }
0x279: {  	s0 =	rddreg [dreg:$0x0];
	s2 =	stileid.u32  }
0x27a: {  	s1 =	rddreg [dreg:$0x1];
	p0 =	sne.s32 s2, $0x0  }
0x27b: {  	s3 =	rddreg [dreg:$0x2];
	[bflag:$0x3] =	sbarrier.arrive $0xFFFF;
	s2 =	simm.s32 @!p0 $0x1C0A  }
0x27c: {  	[timem:s3], [sflag:s2] =	dma.local @!p0 [hbm:s0], s1  }
0x27d: {  	s0 =	simm.s32 @!p0 $0xA  }
0x27e: {  	_ =	swait.ge @!p0 [sflag:s0], s1  }
0x27f: {  	s1 =	ssub.s32 @!p0 $0x0, s1;
	[sflag:s0] =	ssyncset.done @!p0 $0x0  }
0x280: {  	[sflag:s0] =	ssyncadd.s32 @!p0 s1  }
0x281: {  	[bflag:$0x3] =	sbarrier.arrive $0xFFFF  }
0x282: {  	_ =	shalt  }

</sc_bundles>
